<compile_context>
chip_gen: v7x
topology: tpu7x:2x2x1
jax: 0.10.2.dev20260603
libtpu: 0.0.44.dev20260713+nightly
codegen_flags: <defaults>
</compile_context>

<pallas_src>
import functools

import jax
import jax.numpy as jnp
from jax import lax
from jax.experimental import pallas as pl
from jax.experimental.pallas import tpu as pltpu
from jax.experimental.pallas import tpu_sc as plsc

B = 16384
NUM_ROWS = 2000000
ED = 16
TOT = 2 * B
NC, NS = 2, 16
NW = NC * NS
PER_W = TOT // NW
CALLS = PER_W * ED // 128
GROUPS = 1
GSZ = CALLS // GROUPS
OUTW = TOT // 8


def _gather_body(widx_hbm, tv_hbm, out_hbm, idx_v, rows_v, sem):
    wid = lax.axis_index("s") * NC + lax.axis_index("c")
    pltpu.sync_copy(widx_hbm.at[pl.ds(wid * CALLS, CALLS)], idx_v)

    def group(g, carry):
        for j in range(GSZ):
            pltpu.async_copy(tv_hbm.at[idx_v.at[g * GSZ + j]],
                             rows_v.at[g * GSZ + j], sem)
        return carry

    lax.fori_loop(0, GROUPS, group, 0)
    pltpu.make_async_copy(out_hbm.at[pl.ds(0, CALLS)], rows_v, sem).wait()
    pltpu.sync_copy(rows_v, out_hbm.at[pl.ds(wid * CALLS, CALLS)])


_gather = functools.partial(
    pl.kernel,
    out_type=jax.ShapeDtypeStruct((OUTW, 128), jnp.float32),
    mesh=plsc.VectorSubcoreMesh(core_axis_name="c", subcore_axis_name="s"),
    scratch_types=[
        pltpu.VMEM((CALLS, 128), jnp.int32),
        pltpu.VMEM((CALLS, 128), jnp.float32),
        pltpu.SemaphoreType.DMA,
    ],
)(_gather_body)


def _mlp_body(uw_ref, vw_ref, W1u_ref, W1v_ref, b1w_ref, W2w_ref, b2w_ref,
              W3w_ref, b3w_ref, Wg_ref, Wh_ref, bfc_ref, out_ref):
    uw = uw_ref[...]
    vw = vw_ref[...]
    f32 = jnp.float32
    h = jnp.maximum(jnp.dot(uw, W1u_ref[...], preferred_element_type=f32)
                    + jnp.dot(vw, W1v_ref[...], preferred_element_type=f32)
                    + b1w_ref[...], 0.0)
    h = jnp.maximum(jnp.dot(h, W2w_ref[...], preferred_element_type=f32)
                    + b2w_ref[...], 0.0)
    h = jnp.maximum(jnp.dot(h, W3w_ref[...], preferred_element_type=f32)
                    + b3w_ref[...], 0.0)
    g = uw * vw
    out_ref[...] = (jnp.dot(g, Wg_ref[...], preferred_element_type=f32)
                    + jnp.dot(h, Wh_ref[...], preferred_element_type=f32)
                    + bfc_ref[...])


def kernel(x, table, W1, b1, W2, b2, W3, b3, Wfc, bfc):
    offsets = jnp.array([0, NUM_ROWS // 2], dtype=x.dtype)
    iflat = (x + offsets[None, :]).astype(jnp.int32).T.reshape(-1)
    base = (iflat >> 7) * 1024 + (iflat & 127)
    d = jnp.arange(ED, dtype=jnp.int32)
    dofs = (d >> 3) * (NUM_ROWS * 8) + (d & 7) * 128
    widx = (base[:, None] + dofs[None, :]).reshape(NW * CALLS, 128)

    tv = table.T.reshape(2, 8, NUM_ROWS // 128, 128).transpose(0, 2, 1, 3).reshape(-1)

    wide = _gather(widx, tv)

    eye8 = jnp.eye(8, dtype=jnp.float32)
    W1u = (eye8[:, None, :, None] * W1[:ED][None, :, None, :]).reshape(128, 512)
    W1v = (eye8[:, None, :, None] * W1[ED:][None, :, None, :]).reshape(128, 512)
    b1w = jnp.tile(b1, 8).reshape(1, 512)
    W2w = (eye8[:, None, :, None] * W2[None, :, None, :]).reshape(512, 256)
    b2w = jnp.tile(b2, 8).reshape(1, 256)
    W3w = (eye8[:, None, :, None] * W3[None, :, None, :]).reshape(256, 128)
    b3w = jnp.tile(b3, 8).reshape(1, 128)
    Wg = (eye8[:, None, :] * Wfc[:ED, 0][None, :, None]).reshape(128, 8)
    Wh = (eye8[:, None, :] * Wfc[ED:, 0][None, :, None]).reshape(128, 8)

    BK8 = 2048
    grid = B // (BK8 * 8)
    out = pl.pallas_call(
        _mlp_body,
        grid=(grid,),
        in_specs=[pl.BlockSpec((BK8, 128), lambda i: (i, 0)),
                  pl.BlockSpec((BK8, 128), lambda i, g=grid: (i + g, 0))]
        + [pl.BlockSpec(s, (lambda i: (0,) * n))
           for s, n in [((128, 512), 2), ((128, 512), 2), ((1, 512), 2),
                        ((512, 256), 2), ((1, 256), 2), ((256, 128), 2),
                        ((1, 128), 2), ((128, 8), 2), ((128, 8), 2),
                        ((1, 1), 2)]],
        out_specs=pl.BlockSpec((BK8, 8), lambda i: (i, 0)),
        out_shape=jax.ShapeDtypeStruct((B // 8, 8), jnp.float32),
    )(wide, wide, W1u, W1v, b1w, W2w, b2w, W3w, b3w, Wg, Wh,
      bfc.reshape(1, 1))
    return out.reshape(-1)

# --- scband reference (transcript-rebuilt; emitter-appended) ---
"""Pipeline reference for scband-neural-collaborative-filtering-32521492365444 (READ-ONLY COPY).

The authoritative reference and input builder live on the scoring server;
editing this copy changes nothing except your own understanding.
"""

import jax, jax.numpy as jnp
import numpy as np

B = 16384
FIELD_DIMS = [1000000, 1000000]
EMBED_DIM = 16
MLP_DIMS = [64, 32, 16]
EMBED_OUT = len(FIELD_DIMS) * EMBED_DIM  # 32


def setup_inputs(seed: int = 0) -> dict:
    key = jax.random.key(seed)
    ks = jax.random.split(key, 12)
    x = jax.random.randint(ks[0], (B, 2), 0, FIELD_DIMS[0])
    table = jax.random.normal(ks[1], (sum(FIELD_DIMS), EMBED_DIM), dtype=jnp.float32) * 0.01
    W1 = jax.random.normal(ks[2], (EMBED_OUT, MLP_DIMS[0]), dtype=jnp.float32) * (1.0 / np.sqrt(EMBED_OUT))
    b1 = jnp.zeros((MLP_DIMS[0],), dtype=jnp.float32)
    W2 = jax.random.normal(ks[3], (MLP_DIMS[0], MLP_DIMS[1]), dtype=jnp.float32) * (1.0 / np.sqrt(MLP_DIMS[0]))
    b2 = jnp.zeros((MLP_DIMS[1],), dtype=jnp.float32)
    W3 = jax.random.normal(ks[4], (MLP_DIMS[1], MLP_DIMS[2]), dtype=jnp.float32) * (1.0 / np.sqrt(MLP_DIMS[1]))
    b3 = jnp.zeros((MLP_DIMS[2],), dtype=jnp.float32)
    Wfc = jax.random.normal(ks[5], (MLP_DIMS[2] + EMBED_DIM, 1), dtype=jnp.float32) * (1.0 / np.sqrt(MLP_DIMS[2] + EMBED_DIM))
    bfc = jnp.zeros((1,), dtype=jnp.float32)
    return {"x": x, "table": table, "W1": W1, "b1": b1, "W2": W2, "b2": b2, "W3": W3, "b3": b3, "Wfc": Wfc, "bfc": bfc}


def reference(x, table, W1, b1, W2, b2, W3, b3, Wfc, bfc):
    offsets = jnp.array([0, FIELD_DIMS[0]], dtype=x.dtype)
    idx = x + offsets[None, :]
    emb = jnp.take(table, idx, axis=0)  # [B, 2, EMBED_DIM]
    user_x = emb[:, 0]
    item_x = emb[:, 1]
    gmf = user_x * item_x
    h = emb.reshape(-1, EMBED_OUT)
    h = jax.nn.relu(h @ W1 + b1)
    h = jax.nn.relu(h @ W2 + b2)
    h = jax.nn.relu(h @ W3 + b3)
    out = jnp.concatenate([gmf, h], axis=1) @ Wfc + bfc
    return out.squeeze(1)

if __name__ == "__main__":
    import jax
    _d = setup_inputs()
    print(jax.jit(kernel)(*tuple(_d.values())))

</pallas_src>

<mosaic_0001>
#map = affine_map<(d0, d1) -> (0, 0)>
#map1 = affine_map<(d0, d1) -> (0)>
module attributes {stable_mosaic.version = 14 : i64} {
  func.func @_gather_body(%arg0: i32, %arg1: i32, %arg2: memref<4096x128xi32, #tpu.memory_space<hbm>>, %arg3: memref<32000000xf32, #tpu.memory_space<hbm>>, %arg4: memref<4096x128xf32, #tpu.memory_space<hbm>>, %arg5: memref<128x128xi32, #tpu.memory_space<vmem>>, %arg6: memref<128x128xf32, #tpu.memory_space<vmem>>, %arg7: memref<!tpu.dma_semaphore, #tpu.memory_space<semaphore_mem>>) attributes {dimension_semantics = [#tpu.dimension_semantics<core_parallel>, #tpu.dimension_semantics<subcore_parallel>], iteration_bounds = array<i64: 2, 16>, scalar_prefetch = 0 : i64, scratch_operands = 3 : i64, tpu.core_type = #tpu.core_type<sc_vector_subcore>, window_params = [{transform_indices = #map}, {transform_indices = #map1}, {transform_indices = #map}]} {
    %mul3A = arith.constant 2 : i32
    %mul3A_0 = arith.muli %arg1, %mul3A : i32
    %add3A = arith.addi %mul3A_0, %arg0 : i32
    %mul3A_1 = arith.constant 128 : i32
    %mul3A_2 = arith.muli %add3A, %mul3A_1 : i32
    "tpu.region"() ({
      %run_scoped3A = tpu.sem_alloc : memref<!tpu.dma_semaphore, #tpu.memory_space<semaphore_mem>>
      %dma_start3A_2059 = arith.constant 0 : i32
      %dma_start3A_2060 = tpu.memref_slice %arg2[%mul3A_2, %dma_start3A_2059] : memref<4096x128xi32, #tpu.memory_space<hbm>> -> memref<128x128xi32, #tpu.memory_space<hbm>>
      %dma_start3A_2061 = arith.constant 0 : i32
      %dma_start3A_2062 = tpu.memref_slice %arg2[%mul3A_2, %dma_start3A_2061] : memref<4096x128xi32, #tpu.memory_space<hbm>> -> memref<128x128xi32, #tpu.memory_space<hbm>>
      tpu.enqueue_dma source(%dma_start3A_2062 : memref<128x128xi32, #tpu.memory_space<hbm>>) target(%arg5 : memref<128x128xi32, #tpu.memory_space<vmem>>) target_semaphore(%run_scoped3A : memref<!tpu.dma_semaphore, #tpu.memory_space<semaphore_mem>>)
      %dma_wait3A_2063 = arith.constant 0 : i32
      %dma_wait3A_2064 = tpu.memref_slice %arg2[%mul3A_2, %dma_wait3A_2063] : memref<4096x128xi32, #tpu.memory_space<hbm>> -> memref<128x128xi32, #tpu.memory_space<hbm>>
      %dma_wait3A_2065 = arith.constant 0 : i32
      %dma_wait3A_2066 = tpu.memref_slice %arg2[%mul3A_2, %dma_wait3A_2065] : memref<4096x128xi32, #tpu.memory_space<hbm>> -> memref<128x128xi32, #tpu.memory_space<hbm>>
      tpu.wait_dma2 semaphore(%run_scoped3A : memref<!tpu.dma_semaphore, #tpu.memory_space<semaphore_mem>>) src(%dma_wait3A_2066 : memref<128x128xi32, #tpu.memory_space<hbm>>) dst(%arg5 : memref<128x128xi32, #tpu.memory_space<vmem>>)
      tpu.yield
    }) : () -> ()
    %scan3A = arith.constant 0 : i32
    %scan3A_3 = arith.constant 0 : i32
    %mul3A_4 = arith.constant 128 : i32
    %mul3A_5 = arith.muli %scan3A_3, %mul3A_4 : i32
    %add3A_6 = arith.constant 0 : i32
    %add3A_7 = arith.addi %mul3A_5, %add3A_6 : i32
    %mul3A_8 = arith.constant 128 : i32
    %mul3A_9 = arith.muli %scan3A_3, %mul3A_8 : i32
    %add3A_10 = arith.constant 0 : i32
    %add3A_11 = arith.addi %mul3A_9, %add3A_10 : i32
    %dma_start3A = arith.constant 0 : i32
    %dma_start3A_12 = tpu.memref_slice %arg6[%add3A_11, %dma_start3A] : memref<128x128xf32, #tpu.memory_space<vmem>> -> memref<1x128xf32, #tpu.memory_space<vmem>>
    %dma_start3A_13 = tpu.memref_squeeze %dma_start3A_12 : memref<1x128xf32, #tpu.memory_space<vmem>> -> memref<128xf32, #tpu.memory_space<vmem>>
    %dma_start3A_14 = arith.constant 0 : i32
    %dma_start3A_15 = tpu.memref_slice %arg5[%add3A_7, %dma_start3A_14] : memref<128x128xi32, #tpu.memory_space<vmem>> -> memref<1x128xi32, #tpu.memory_space<vmem>>
    %dma_start3A_16 = tpu.memref_squeeze %dma_start3A_15 : memref<1x128xi32, #tpu.memory_space<vmem>> -> memref<128xi32, #tpu.memory_space<vmem>>
    %dma_start3A_17 = arith.constant 0 : i32
    %dma_start3A_18 = tpu.memref_slice %arg3[%dma_start3A_17] : memref<32000000xf32, #tpu.memory_space<hbm>> -> memref<32000000xf32, #tpu.memory_space<hbm>>
    tpu.enqueue_indirect_dma source(%dma_start3A_18 : memref<32000000xf32, #tpu.memory_space<hbm>>) target(%dma_start3A_13 : memref<128xf32, #tpu.memory_space<vmem>>) offsets(%dma_start3A_16 : memref<128xi32, #tpu.memory_space<vmem>>) semaphore(%arg7 : memref<!tpu.dma_semaphore, #tpu.memory_space<semaphore_mem>>)
    %mul3A_19 = arith.constant 128 : i32
    %mul3A_20 = arith.muli %scan3A_3, %mul3A_19 : i32
    %add3A_21 = arith.constant 1 : i32
    %add3A_22 = arith.addi %mul3A_20, %add3A_21 : i32
    %mul3A_23 = arith.constant 128 : i32
    %mul3A_24 = arith.muli %scan3A_3, %mul3A_23 : i32
    %add3A_25 = arith.constant 1 : i32
    %add3A_26 = arith.addi %mul3A_24, %add3A_25 : i32
    %dma_start3A_27 = arith.constant 0 : i32
    %dma_start3A_28 = tpu.memref_slice %arg6[%add3A_26, %dma_start3A_27] : memref<128x128xf32, #tpu.memory_space<vmem>> -> memref<1x128xf32, #tpu.memory_space<vmem>>
    %dma_start3A_29 = tpu.memref_squeeze %dma_start3A_28 : memref<1x128xf32, #tpu.memory_space<vmem>> -> memref<128xf32, #tpu.memory_space<vmem>>
    %dma_start3A_30 = arith.constant 0 : i32
    %dma_start3A_31 = tpu.memref_slice %arg5[%add3A_22, %dma_start3A_30] : memref<128x128xi32, #tpu.memory_space<vmem>> -> memref<1x128xi32, #tpu.memory_space<vmem>>
    %dma_start3A_32 = tpu.memref_squeeze %dma_start3A_31 : memref<1x128xi32, #tpu.memory_space<vmem>> -> memref<128xi32, #tpu.memory_space<vmem>>
    %dma_start3A_33 = arith.constant 0 : i32
    %dma_start3A_34 = tpu.memref_slice %arg3[%dma_start3A_33] : memref<32000000xf32, #tpu.memory_space<hbm>> -> memref<32000000xf32, #tpu.memory_space<hbm>>
    tpu.enqueue_indirect_dma source(%dma_start3A_34 : memref<32000000xf32, #tpu.memory_space<hbm>>) target(%dma_start3A_29 : memref<128xf32, #tpu.memory_space<vmem>>) offsets(%dma_start3A_32 : memref<128xi32, #tpu.memory_space<vmem>>) semaphore(%arg7 : memref<!tpu.dma_semaphore, #tpu.memory_space<semaphore_mem>>)
    %mul3A_35 = arith.constant 128 : i32
    %mul3A_36 = arith.muli %scan3A_3, %mul3A_35 : i32
    %add3A_37 = arith.constant 2 : i32
    %add3A_38 = arith.addi %mul3A_36, %add3A_37 : i32
    %mul3A_39 = arith.constant 128 : i32
    %mul3A_40 = arith.muli %scan3A_3, %mul3A_39 : i32
    %add3A_41 = arith.constant 2 : i32
    %add3A_42 = arith.addi %mul3A_40, %add3A_41 : i32
    %dma_start3A_43 = arith.constant 0 : i32
    %dma_start3A_44 = tpu.memref_slice %arg6[%add3A_42, %dma_start3A_43] : memref<128x128xf32, #tpu.memory_space<vmem>> -> memref<1x128xf32, #tpu.memory_space<vmem>>
    %dma_start3A_45 = tpu.memref_squeeze %dma_start3A_44 : memref<1x128xf32, #tpu.memory_space<vmem>> -> memref<128xf32, #tpu.memory_space<vmem>>
    %dma_start3A_46 = arith.constant 0 : i32
    %dma_start3A_47 = tpu.memref_slice %arg5[%add3A_38, %dma_start3A_46] : memref<128x128xi32, #tpu.memory_space<vmem>> -> memref<1x128xi32, #tpu.memory_space<vmem>>
    %dma_start3A_48 = tpu.memref_squeeze %dma_start3A_47 : memref<1x128xi32, #tpu.memory_space<vmem>> -> memref<128xi32, #tpu.memory_space<vmem>>
    %dma_start3A_49 = arith.constant 0 : i32
    %dma_start3A_50 = tpu.memref_slice %arg3[%dma_start3A_49] : memref<32000000xf32, #tpu.memory_space<hbm>> -> memref<32000000xf32, #tpu.memory_space<hbm>>
    tpu.enqueue_indirect_dma source(%dma_start3A_50 : memref<32000000xf32, #tpu.memory_space<hbm>>) target(%dma_start3A_45 : memref<128xf32, #tpu.memory_space<vmem>>) offsets(%dma_start3A_48 : memref<128xi32, #tpu.memory_space<vmem>>) semaphore(%arg7 : memref<!tpu.dma_semaphore, #tpu.memory_space<semaphore_mem>>)
    %mul3A_51 = arith.constant 128 : i32
    %mul3A_52 = arith.muli %scan3A_3, %mul3A_51 : i32
    %add3A_53 = arith.constant 3 : i32
    %add3A_54 = arith.addi %mul3A_52, %add3A_53 : i32
    %mul3A_55 = arith.constant 128 : i32
    %mul3A_56 = arith.muli %scan3A_3, %mul3A_55 : i32
    %add3A_57 = arith.constant 3 : i32
    %add3A_58 = arith.addi %mul3A_56, %add3A_57 : i32
    %dma_start3A_59 = arith.constant 0 : i32
    %dma_start3A_60 = tpu.memref_slice %arg6[%add3A_58, %dma_start3A_59] : memref<128x128xf32, #tpu.memory_space<vmem>> -> memref<1x128xf32, #tpu.memory_space<vmem>>
    %dma_start3A_61 = tpu.memref_squeeze %dma_start3A_60 : memref<1x128xf32, #tpu.memory_space<vmem>> -> memref<128xf32, #tpu.memory_space<vmem>>
    %dma_start3A_62 = arith.constant 0 : i32
    %dma_start3A_63 = tpu.memref_slice %arg5[%add3A_54, %dma_start3A_62] : memref<128x128xi32, #tpu.memory_space<vmem>> -> memref<1x128xi32, #tpu.memory_space<vmem>>
    %dma_start3A_64 = tpu.memref_squeeze %dma_start3A_63 : memref<1x128xi32, #tpu.memory_space<vmem>> -> memref<128xi32, #tpu.memory_space<vmem>>
    %dma_start3A_65 = arith.constant 0 : i32
    %dma_start3A_66 = tpu.memref_slice %arg3[%dma_start3A_65] : memref<32000000xf32, #tpu.memory_space<hbm>> -> memref<32000000xf32, #tpu.memory_space<hbm>>
    tpu.enqueue_indirect_dma source(%dma_start3A_66 : memref<32000000xf32, #tpu.memory_space<hbm>>) target(%dma_start3A_61 : memref<128xf32, #tpu.memory_space<vmem>>) offsets(%dma_start3A_64 : memref<128xi32, #tpu.memory_space<vmem>>) semaphore(%arg7 : memref<!tpu.dma_semaphore, #tpu.memory_space<semaphore_mem>>)
    %mul3A_67 = arith.constant 128 : i32
    %mul3A_68 = arith.muli %scan3A_3, %mul3A_67 : i32
    %add3A_69 = arith.constant 4 : i32
    %add3A_70 = arith.addi %mul3A_68, %add3A_69 : i32
    %mul3A_71 = arith.constant 128 : i32
    %mul3A_72 = arith.muli %scan3A_3, %mul3A_71 : i32
    %add3A_73 = arith.constant 4 : i32
    %add3A_74 = arith.addi %mul3A_72, %add3A_73 : i32
    %dma_start3A_75 = arith.constant 0 : i32
    %dma_start3A_76 = tpu.memref_slice %arg6[%add3A_74, %dma_start3A_75] : memref<128x128xf32, #tpu.memory_space<vmem>> -> memref<1x128xf32, #tpu.memory_space<vmem>>
    %dma_start3A_77 = tpu.memref_squeeze %dma_start3A_76 : memref<1x128xf32, #tpu.memory_space<vmem>> -> memref<128xf32, #tpu.memory_space<vmem>>
    %dma_start3A_78 = arith.constant 0 : i32
    %dma_start3A_79 = tpu.memref_slice %arg5[%add3A_70, %dma_start3A_78] : memref<128x128xi32, #tpu.memory_space<vmem>> -> memref<1x128xi32, #tpu.memory_space<vmem>>
    %dma_start3A_80 = tpu.memref_squeeze %dma_start3A_79 : memref<1x128xi32, #tpu.memory_space<vmem>> -> memref<128xi32, #tpu.memory_space<vmem>>
    %dma_start3A_81 = arith.constant 0 : i32
    %dma_start3A_82 = tpu.memref_slice %arg3[%dma_start3A_81] : memref<32000000xf32, #tpu.memory_space<hbm>> -> memref<32000000xf32, #tpu.memory_space<hbm>>
    tpu.enqueue_indirect_dma source(%dma_start3A_82 : memref<32000000xf32, #tpu.memory_space<hbm>>) target(%dma_start3A_77 : memref<128xf32, #tpu.memory_space<vmem>>) offsets(%dma_start3A_80 : memref<128xi32, #tpu.memory_space<vmem>>) semaphore(%arg7 : memref<!tpu.dma_semaphore, #tpu.memory_space<semaphore_mem>>)
    %mul3A_83 = arith.constant 128 : i32
    %mul3A_84 = arith.muli %scan3A_3, %mul3A_83 : i32
    %add3A_85 = arith.constant 5 : i32
    %add3A_86 = arith.addi %mul3A_84, %add3A_85 : i32
    %mul3A_87 = arith.constant 128 : i32
    %mul3A_88 = arith.muli %scan3A_3, %mul3A_87 : i32
    %add3A_89 = arith.constant 5 : i32
    %add3A_90 = arith.addi %mul3A_88, %add3A_89 : i32
    %dma_start3A_91 = arith.constant 0 : i32
    %dma_start3A_92 = tpu.memref_slice %arg6[%add3A_90, %dma_start3A_91] : memref<128x128xf32, #tpu.memory_space<vmem>> -> memref<1x128xf32, #tpu.memory_space<vmem>>
    %dma_start3A_93 = tpu.memref_squeeze %dma_start3A_92 : memref<1x128xf32, #tpu.memory_space<vmem>> -> memref<128xf32, #tpu.memory_space<vmem>>
    %dma_start3A_94 = arith.constant 0 : i32
    %dma_start3A_95 = tpu.memref_slice %arg5[%add3A_86, %dma_start3A_94] : memref<128x128xi32, #tpu.memory_space<vmem>> -> memref<1x128xi32, #tpu.memory_space<vmem>>
    %dma_start3A_96 = tpu.memref_squeeze %dma_start3A_95 : memref<1x128xi32, #tpu.memory_space<vmem>> -> memref<128xi32, #tpu.memory_space<vmem>>
    %dma_start3A_97 = arith.constant 0 : i32
    %dma_start3A_98 = tpu.memref_slice %arg3[%dma_start3A_97] : memref<32000000xf32, #tpu.memory_space<hbm>> -> memref<32000000xf32, #tpu.memory_space<hbm>>
    tpu.enqueue_indirect_dma source(%dma_start3A_98 : memref<32000000xf32, #tpu.memory_space<hbm>>) target(%dma_start3A_93 : memref<128xf32, #tpu.memory_space<vmem>>) offsets(%dma_start3A_96 : memref<128xi32, #tpu.memory_space<vmem>>) semaphore(%arg7 : memref<!tpu.dma_semaphore, #tpu.memory_space<semaphore_mem>>)
    %mul3A_99 = arith.constant 128 : i32
    %mul3A_100 = arith.muli %scan3A_3, %mul3A_99 : i32
    %add3A_101 = arith.constant 6 : i32
    %add3A_102 = arith.addi %mul3A_100, %add3A_101 : i32
    %mul3A_103 = arith.constant 128 : i32
    %mul3A_104 = arith.muli %scan3A_3, %mul3A_103 : i32
    %add3A_105 = arith.constant 6 : i32
    %add3A_106 = arith.addi %mul3A_104, %add3A_105 : i32
    %dma_start3A_107 = arith.constant 0 : i32
    %dma_start3A_108 = tpu.memref_slice %arg6[%add3A_106, %dma_start3A_107] : memref<128x128xf32, #tpu.memory_space<vmem>> -> memref<1x128xf32, #tpu.memory_space<vmem>>
    %dma_start3A_109 = tpu.memref_squeeze %dma_start3A_108 : memref<1x128xf32, #tpu.memory_space<vmem>> -> memref<128xf32, #tpu.memory_space<vmem>>
    %dma_start3A_110 = arith.constant 0 : i32
    %dma_start3A_111 = tpu.memref_slice %arg5[%add3A_102, %dma_start3A_110] : memref<128x128xi32, #tpu.memory_space<vmem>> -> memref<1x128xi32, #tpu.memory_space<vmem>>
    %dma_start3A_112 = tpu.memref_squeeze %dma_start3A_111 : memref<1x128xi32, #tpu.memory_space<vmem>> -> memref<128xi32, #tpu.memory_space<vmem>>
    %dma_start3A_113 = arith.constant 0 : i32
    %dma_start3A_114 = tpu.memref_slice %arg3[%dma_start3A_113] : memref<32000000xf32, #tpu.memory_space<hbm>> -> memref<32000000xf32, #tpu.memory_space<hbm>>
    tpu.enqueue_indirect_dma source(%dma_start3A_114 : memref<32000000xf32, #tpu.memory_space<hbm>>) target(%dma_start3A_109 : memref<128xf32, #tpu.memory_space<vmem>>) offsets(%dma_start3A_112 : memref<128xi32, #tpu.memory_space<vmem>>) semaphore(%arg7 : memref<!tpu.dma_semaphore, #tpu.memory_space<semaphore_mem>>)
    %mul3A_115 = arith.constant 128 : i32
    %mul3A_116 = arith.muli %scan3A_3, %mul3A_115 : i32
    %add3A_117 = arith.constant 7 : i32
    %add3A_118 = arith.addi %mul3A_116, %add3A_117 : i32
    %mul3A_119 = arith.constant 128 : i32
    %mul3A_120 = arith.muli %scan3A_3, %mul3A_119 : i32
    %add3A_121 = arith.constant 7 : i32
    %add3A_122 = arith.addi %mul3A_120, %add3A_121 : i32
    %dma_start3A_123 = arith.constant 0 : i32
    %dma_start3A_124 = tpu.memref_slice %arg6[%add3A_122, %dma_start3A_123] : memref<128x128xf32, #tpu.memory_space<vmem>> -> memref<1x128xf32, #tpu.memory_space<vmem>>
    %dma_start3A_125 = tpu.memref_squeeze %dma_start3A_124 : memref<1x128xf32, #tpu.memory_space<vmem>> -> memref<128xf32, #tpu.memory_space<vmem>>
    %dma_start3A_126 = arith.constant 0 : i32
    %dma_start3A_127 = tpu.memref_slice %arg5[%add3A_118, %dma_start3A_126] : memref<128x128xi32, #tpu.memory_space<vmem>> -> memref<1x128xi32, #tpu.memory_space<vmem>>
    %dma_start3A_128 = tpu.memref_squeeze %dma_start3A_127 : memref<1x128xi32, #tpu.memory_space<vmem>> -> memref<128xi32, #tpu.memory_space<vmem>>
    %dma_start3A_129 = arith.constant 0 : i32
    %dma_start3A_130 = tpu.memref_slice %arg3[%dma_start3A_129] : memref<32000000xf32, #tpu.memory_space<hbm>> -> memref<32000000xf32, #tpu.memory_space<hbm>>
    tpu.enqueue_indirect_dma source(%dma_start3A_130 : memref<32000000xf32, #tpu.memory_space<hbm>>) target(%dma_start3A_125 : memref<128xf32, #tpu.memory_space<vmem>>) offsets(%dma_start3A_128 : memref<128xi32, #tpu.memory_space<vmem>>) semaphore(%arg7 : memref<!tpu.dma_semaphore, #tpu.memory_space<semaphore_mem>>)
    %mul3A_131 = arith.constant 128 : i32
    %mul3A_132 = arith.muli %scan3A_3, %mul3A_131 : i32
    %add3A_133 = arith.constant 8 : i32
    %add3A_134 = arith.addi %mul3A_132, %add3A_133 : i32
    %mul3A_135 = arith.constant 128 : i32
    %mul3A_136 = arith.muli %scan3A_3, %mul3A_135 : i32
    %add3A_137 = arith.constant 8 : i32
    %add3A_138 = arith.addi %mul3A_136, %add3A_137 : i32
    %dma_start3A_139 = arith.constant 0 : i32
    %dma_start3A_140 = tpu.memref_slice %arg6[%add3A_138, %dma_start3A_139] : memref<128x128xf32, #tpu.memory_space<vmem>> -> memref<1x128xf32, #tpu.memory_space<vmem>>
    %dma_start3A_141 = tpu.memref_squeeze %dma_start3A_140 : memref<1x128xf32, #tpu.memory_space<vmem>> -> memref<128xf32, #tpu.memory_space<vmem>>
    %dma_start3A_142 = arith.constant 0 : i32
    %dma_start3A_143 = tpu.memref_slice %arg5[%add3A_134, %dma_start3A_142] : memref<128x128xi32, #tpu.memory_space<vmem>> -> memref<1x128xi32, #tpu.memory_space<vmem>>
    %dma_start3A_144 = tpu.memref_squeeze %dma_start3A_143 : memref<1x128xi32, #tpu.memory_space<vmem>> -> memref<128xi32, #tpu.memory_space<vmem>>
    %dma_start3A_145 = arith.constant 0 : i32
    %dma_start3A_146 = tpu.memref_slice %arg3[%dma_start3A_145] : memref<32000000xf32, #tpu.memory_space<hbm>> -> memref<32000000xf32, #tpu.memory_space<hbm>>
    tpu.enqueue_indirect_dma source(%dma_start3A_146 : memref<32000000xf32, #tpu.memory_space<hbm>>) target(%dma_start3A_141 : memref<128xf32, #tpu.memory_space<vmem>>) offsets(%dma_start3A_144 : memref<128xi32, #tpu.memory_space<vmem>>) semaphore(%arg7 : memref<!tpu.dma_semaphore, #tpu.memory_space<semaphore_mem>>)
    %mul3A_147 = arith.constant 128 : i32
    %mul3A_148 = arith.muli %scan3A_3, %mul3A_147 : i32
    %add3A_149 = arith.constant 9 : i32
    %add3A_150 = arith.addi %mul3A_148, %add3A_149 : i32
    %mul3A_151 = arith.constant 128 : i32
    %mul3A_152 = arith.muli %scan3A_3, %mul3A_151 : i32
    %add3A_153 = arith.constant 9 : i32
    %add3A_154 = arith.addi %mul3A_152, %add3A_153 : i32
    %dma_start3A_155 = arith.constant 0 : i32
    %dma_start3A_156 = tpu.memref_slice %arg6[%add3A_154, %dma_start3A_155] : memref<128x128xf32, #tpu.memory_space<vmem>> -> memref<1x128xf32, #tpu.memory_space<vmem>>
    %dma_start3A_157 = tpu.memref_squeeze %dma_start3A_156 : memref<1x128xf32, #tpu.memory_space<vmem>> -> memref<128xf32, #tpu.memory_space<vmem>>
    %dma_start3A_158 = arith.constant 0 : i32
    %dma_start3A_159 = tpu.memref_slice %arg5[%add3A_150, %dma_start3A_158] : memref<128x128xi32, #tpu.memory_space<vmem>> -> memref<1x128xi32, #tpu.memory_space<vmem>>
    %dma_start3A_160 = tpu.memref_squeeze %dma_start3A_159 : memref<1x128xi32, #tpu.memory_space<vmem>> -> memref<128xi32, #tpu.memory_space<vmem>>
    %dma_start3A_161 = arith.constant 0 : i32
    %dma_start3A_162 = tpu.memref_slice %arg3[%dma_start3A_161] : memref<32000000xf32, #tpu.memory_space<hbm>> -> memref<32000000xf32, #tpu.memory_space<hbm>>
    tpu.enqueue_indirect_dma source(%dma_start3A_162 : memref<32000000xf32, #tpu.memory_space<hbm>>) target(%dma_start3A_157 : memref<128xf32, #tpu.memory_space<vmem>>) offsets(%dma_start3A_160 : memref<128xi32, #tpu.memory_space<vmem>>) semaphore(%arg7 : memref<!tpu.dma_semaphore, #tpu.memory_space<semaphore_mem>>)
    %mul3A_163 = arith.constant 128 : i32
    %mul3A_164 = arith.muli %scan3A_3, %mul3A_163 : i32
    %add3A_165 = arith.constant 10 : i32
    %add3A_166 = arith.addi %mul3A_164, %add3A_165 : i32
    %mul3A_167 = arith.constant 128 : i32
    %mul3A_168 = arith.muli %scan3A_3, %mul3A_167 : i32
    %add3A_169 = arith.constant 10 : i32
    %add3A_170 = arith.addi %mul3A_168, %add3A_169 : i32
    %dma_start3A_171 = arith.constant 0 : i32
    %dma_start3A_172 = tpu.memref_slice %arg6[%add3A_170, %dma_start3A_171] : memref<128x128xf32, #tpu.memory_space<vmem>> -> memref<1x128xf32, #tpu.memory_space<vmem>>
    %dma_start3A_173 = tpu.memref_squeeze %dma_start3A_172 : memref<1x128xf32, #tpu.memory_space<vmem>> -> memref<128xf32, #tpu.memory_space<vmem>>
    %dma_start3A_174 = arith.constant 0 : i32
    %dma_start3A_175 = tpu.memref_slice %arg5[%add3A_166, %dma_start3A_174] : memref<128x128xi32, #tpu.memory_space<vmem>> -> memref<1x128xi32, #tpu.memory_space<vmem>>
    %dma_start3A_176 = tpu.memref_squeeze %dma_start3A_175 : memref<1x128xi32, #tpu.memory_space<vmem>> -> memref<128xi32, #tpu.memory_space<vmem>>
    %dma_start3A_177 = arith.constant 0 : i32
    %dma_start3A_178 = tpu.memref_slice %arg3[%dma_start3A_177] : memref<32000000xf32, #tpu.memory_space<hbm>> -> memref<32000000xf32, #tpu.memory_space<hbm>>
    tpu.enqueue_indirect_dma source(%dma_start3A_178 : memref<32000000xf32, #tpu.memory_space<hbm>>) target(%dma_start3A_173 : memref<128xf32, #tpu.memory_space<vmem>>) offsets(%dma_start3A_176 : memref<128xi32, #tpu.memory_space<vmem>>) semaphore(%arg7 : memref<!tpu.dma_semaphore, #tpu.memory_space<semaphore_mem>>)
    %mul3A_179 = arith.constant 128 : i32
    %mul3A_180 = arith.muli %scan3A_3, %mul3A_179 : i32
    %add3A_181 = arith.constant 11 : i32
    %add3A_182 = arith.addi %mul3A_180, %add3A_181 : i32
    %mul3A_183 = arith.constant 128 : i32
    %mul3A_184 = arith.muli %scan3A_3, %mul3A_183 : i32
    %add3A_185 = arith.constant 11 : i32
    %add3A_186 = arith.addi %mul3A_184, %add3A_185 : i32
    %dma_start3A_187 = arith.constant 0 : i32
    %dma_start3A_188 = tpu.memref_slice %arg6[%add3A_186, %dma_start3A_187] : memref<128x128xf32, #tpu.memory_space<vmem>> -> memref<1x128xf32, #tpu.memory_space<vmem>>
    %dma_start3A_189 = tpu.memref_squeeze %dma_start3A_188 : memref<1x128xf32, #tpu.memory_space<vmem>> -> memref<128xf32, #tpu.memory_space<vmem>>
    %dma_start3A_190 = arith.constant 0 : i32
    %dma_start3A_191 = tpu.memref_slice %arg5[%add3A_182, %dma_start3A_190] : memref<128x128xi32, #tpu.memory_space<vmem>> -> memref<1x128xi32, #tpu.memory_space<vmem>>
    %dma_start3A_192 = tpu.memref_squeeze %dma_start3A_191 : memref<1x128xi32, #tpu.memory_space<vmem>> -> memref<128xi32, #tpu.memory_space<vmem>>
    %dma_start3A_193 = arith.constant 0 : i32
    %dma_start3A_194 = tpu.memref_slice %arg3[%dma_start3A_193] : memref<32000000xf32, #tpu.memory_space<hbm>> -> memref<32000000xf32, #tpu.memory_space<hbm>>
    tpu.enqueue_indirect_dma source(%dma_start3A_194 : memref<32000000xf32, #tpu.memory_space<hbm>>) target(%dma_start3A_189 : memref<128xf32, #tpu.memory_space<vmem>>) offsets(%dma_start3A_192 : memref<128xi32, #tpu.memory_space<vmem>>) semaphore(%arg7 : memref<!tpu.dma_semaphore, #tpu.memory_space<semaphore_mem>>)
    %mul3A_195 = arith.constant 128 : i32
    %mul3A_196 = arith.muli %scan3A_3, %mul3A_195 : i32
    %add3A_197 = arith.constant 12 : i32
    %add3A_198 = arith.addi %mul3A_196, %add3A_197 : i32
    %mul3A_199 = arith.constant 128 : i32
    %mul3A_200 = arith.muli %scan3A_3, %mul3A_199 : i32
    %add3A_201 = arith.constant 12 : i32
    %add3A_202 = arith.addi %mul3A_200, %add3A_201 : i32
    %dma_start3A_203 = arith.constant 0 : i32
    %dma_start3A_204 = tpu.memref_slice %arg6[%add3A_202, %dma_start3A_203] : memref<128x128xf32, #tpu.memory_space<vmem>> -> memref<1x128xf32, #tpu.memory_space<vmem>>
    %dma_start3A_205 = tpu.memref_squeeze %dma_start3A_204 : memref<1x128xf32, #tpu.memory_space<vmem>> -> memref<128xf32, #tpu.memory_space<vmem>>
    %dma_start3A_206 = arith.constant 0 : i32
    %dma_start3A_207 = tpu.memref_slice %arg5[%add3A_198, %dma_start3A_206] : memref<128x128xi32, #tpu.memory_space<vmem>> -> memref<1x128xi32, #tpu.memory_space<vmem>>
    %dma_start3A_208 = tpu.memref_squeeze %dma_start3A_207 : memref<1x128xi32, #tpu.memory_space<vmem>> -> memref<128xi32, #tpu.memory_space<vmem>>
    %dma_start3A_209 = arith.constant 0 : i32
    %dma_start3A_210 = tpu.memref_slice %arg3[%dma_start3A_209] : memref<32000000xf32, #tpu.memory_space<hbm>> -> memref<32000000xf32, #tpu.memory_space<hbm>>
    tpu.enqueue_indirect_dma source(%dma_start3A_210 : memref<32000000xf32, #tpu.memory_space<hbm>>) target(%dma_start3A_205 : memref<128xf32, #tpu.memory_space<vmem>>) offsets(%dma_start3A_208 : memref<128xi32, #tpu.memory_space<vmem>>) semaphore(%arg7 : memref<!tpu.dma_semaphore, #tpu.memory_space<semaphore_mem>>)
    %mul3A_211 = arith.constant 128 : i32
    %mul3A_212 = arith.muli %scan3A_3, %mul3A_211 : i32
    %add3A_213 = arith.constant 13 : i32
    %add3A_214 = arith.addi %mul3A_212, %add3A_213 : i32
    %mul3A_215 = arith.constant 128 : i32
    %mul3A_216 = arith.muli %scan3A_3, %mul3A_215 : i32
    %add3A_217 = arith.constant 13 : i32
    %add3A_218 = arith.addi %mul3A_216, %add3A_217 : i32
    %dma_start3A_219 = arith.constant 0 : i32
    %dma_start3A_220 = tpu.memref_slice %arg6[%add3A_218, %dma_start3A_219] : memref<128x128xf32, #tpu.memory_space<vmem>> -> memref<1x128xf32, #tpu.memory_space<vmem>>
    %dma_start3A_221 = tpu.memref_squeeze %dma_start3A_220 : memref<1x128xf32, #tpu.memory_space<vmem>> -> memref<128xf32, #tpu.memory_space<vmem>>
    %dma_start3A_222 = arith.constant 0 : i32
    %dma_start3A_223 = tpu.memref_slice %arg5[%add3A_214, %dma_start3A_222] : memref<128x128xi32, #tpu.memory_space<vmem>> -> memref<1x128xi32, #tpu.memory_space<vmem>>
    %dma_start3A_224 = tpu.memref_squeeze %dma_start3A_223 : memref<1x128xi32, #tpu.memory_space<vmem>> -> memref<128xi32, #tpu.memory_space<vmem>>
    %dma_start3A_225 = arith.constant 0 : i32
    %dma_start3A_226 = tpu.memref_slice %arg3[%dma_start3A_225] : memref<32000000xf32, #tpu.memory_space<hbm>> -> memref<32000000xf32, #tpu.memory_space<hbm>>
    tpu.enqueue_indirect_dma source(%dma_start3A_226 : memref<32000000xf32, #tpu.memory_space<hbm>>) target(%dma_start3A_221 : memref<128xf32, #tpu.memory_space<vmem>>) offsets(%dma_start3A_224 : memref<128xi32, #tpu.memory_space<vmem>>) semaphore(%arg7 : memref<!tpu.dma_semaphore, #tpu.memory_space<semaphore_mem>>)
    %mul3A_227 = arith.constant 128 : i32
    %mul3A_228 = arith.muli %scan3A_3, %mul3A_227 : i32
    %add3A_229 = arith.constant 14 : i32
    %add3A_230 = arith.addi %mul3A_228, %add3A_229 : i32
    %mul3A_231 = arith.constant 128 : i32
    %mul3A_232 = arith.muli %scan3A_3, %mul3A_231 : i32
    %add3A_233 = arith.constant 14 : i32
    %add3A_234 = arith.addi %mul3A_232, %add3A_233 : i32
    %dma_start3A_235 = arith.constant 0 : i32
    %dma_start3A_236 = tpu.memref_slice %arg6[%add3A_234, %dma_start3A_235] : memref<128x128xf32, #tpu.memory_space<vmem>> -> memref<1x128xf32, #tpu.memory_space<vmem>>
    %dma_start3A_237 = tpu.memref_squeeze %dma_start3A_236 : memref<1x128xf32, #tpu.memory_space<vmem>> -> memref<128xf32, #tpu.memory_space<vmem>>
    %dma_start3A_238 = arith.constant 0 : i32
    %dma_start3A_239 = tpu.memref_slice %arg5[%add3A_230, %dma_start3A_238] : memref<128x128xi32, #tpu.memory_space<vmem>> -> memref<1x128xi32, #tpu.memory_space<vmem>>
    %dma_start3A_240 = tpu.memref_squeeze %dma_start3A_239 : memref<1x128xi32, #tpu.memory_space<vmem>> -> memref<128xi32, #tpu.memory_space<vmem>>
    %dma_start3A_241 = arith.constant 0 : i32
    %dma_start3A_242 = tpu.memref_slice %arg3[%dma_start3A_241] : memref<32000000xf32, #tpu.memory_space<hbm>> -> memref<32000000xf32, #tpu.memory_space<hbm>>
    tpu.enqueue_indirect_dma source(%dma_start3A_242 : memref<32000000xf32, #tpu.memory_space<hbm>>) target(%dma_start3A_237 : memref<128xf32, #tpu.memory_space<vmem>>) offsets(%dma_start3A_240 : memref<128xi32, #tpu.memory_space<vmem>>) semaphore(%arg7 : memref<!tpu.dma_semaphore, #tpu.memory_space<semaphore_mem>>)
    %mul3A_243 = arith.constant 128 : i32
    %mul3A_244 = arith.muli %scan3A_3, %mul3A_243 : i32
    %add3A_245 = arith.constant 15 : i32
    %add3A_246 = arith.addi %mul3A_244, %add3A_245 : i32
    %mul3A_247 = arith.constant 128 : i32
    %mul3A_248 = arith.muli %scan3A_3, %mul3A_247 : i32
    %add3A_249 = arith.constant 15 : i32
    %add3A_250 = arith.addi %mul3A_248, %add3A_249 : i32
    %dma_start3A_251 = arith.constant 0 : i32
    %dma_start3A_252 = tpu.memref_slice %arg6[%add3A_250, %dma_start3A_251] : memref<128x128xf32, #tpu.memory_space<vmem>> -> memref<1x128xf32, #tpu.memory_space<vmem>>
    %dma_start3A_253 = tpu.memref_squeeze %dma_start3A_252 : memref<1x128xf32, #tpu.memory_space<vmem>> -> memref<128xf32, #tpu.memory_space<vmem>>
    %dma_start3A_254 = arith.constant 0 : i32
    %dma_start3A_255 = tpu.memref_slice %arg5[%add3A_246, %dma_start3A_254] : memref<128x128xi32, #tpu.memory_space<vmem>> -> memref<1x128xi32, #tpu.memory_space<vmem>>
    %dma_start3A_256 = tpu.memref_squeeze %dma_start3A_255 : memref<1x128xi32, #tpu.memory_space<vmem>> -> memref<128xi32, #tpu.memory_space<vmem>>
    %dma_start3A_257 = arith.constant 0 : i32
    %dma_start3A_258 = tpu.memref_slice %arg3[%dma_start3A_257] : memref<32000000xf32, #tpu.memory_space<hbm>> -> memref<32000000xf32, #tpu.memory_space<hbm>>
    tpu.enqueue_indirect_dma source(%dma_start3A_258 : memref<32000000xf32, #tpu.memory_space<hbm>>) target(%dma_start3A_253 : memref<128xf32, #tpu.memory_space<vmem>>) offsets(%dma_start3A_256 : memref<128xi32, #tpu.memory_space<vmem>>) semaphore(%arg7 : memref<!tpu.dma_semaphore, #tpu.memory_space<semaphore_mem>>)
    %mul3A_259 = arith.constant 128 : i32
    %mul3A_260 = arith.muli %scan3A_3, %mul3A_259 : i32
    %add3A_261 = arith.constant 16 : i32
    %add3A_262 = arith.addi %mul3A_260, %add3A_261 : i32
    %mul3A_263 = arith.constant 128 : i32
    %mul3A_264 = arith.muli %scan3A_3, %mul3A_263 : i32
    %add3A_265 = arith.constant 16 : i32
    %add3A_266 = arith.addi %mul3A_264, %add3A_265 : i32
    %dma_start3A_267 = arith.constant 0 : i32
    %dma_start3A_268 = tpu.memref_slice %arg6[%add3A_266, %dma_start3A_267] : memref<128x128xf32, #tpu.memory_space<vmem>> -> memref<1x128xf32, #tpu.memory_space<vmem>>
    %dma_start3A_269 = tpu.memref_squeeze %dma_start3A_268 : memref<1x128xf32, #tpu.memory_space<vmem>> -> memref<128xf32, #tpu.memory_space<vmem>>
    %dma_start3A_270 = arith.constant 0 : i32
    %dma_start3A_271 = tpu.memref_slice %arg5[%add3A_262, %dma_start3A_270] : memref<128x128xi32, #tpu.memory_space<vmem>> -> memref<1x128xi32, #tpu.memory_space<vmem>>
    %dma_start3A_272 = tpu.memref_squeeze %dma_start3A_271 : memref<1x128xi32, #tpu.memory_space<vmem>> -> memref<128xi32, #tpu.memory_space<vmem>>
    %dma_start3A_273 = arith.constant 0 : i32
    %dma_start3A_274 = tpu.memref_slice %arg3[%dma_start3A_273] : memref<32000000xf32, #tpu.memory_space<hbm>> -> memref<32000000xf32, #tpu.memory_space<hbm>>
    tpu.enqueue_indirect_dma source(%dma_start3A_274 : memref<32000000xf32, #tpu.memory_space<hbm>>) target(%dma_start3A_269 : memref<128xf32, #tpu.memory_space<vmem>>) offsets(%dma_start3A_272 : memref<128xi32, #tpu.memory_space<vmem>>) semaphore(%arg7 : memref<!tpu.dma_semaphore, #tpu.memory_space<semaphore_mem>>)
    %mul3A_275 = arith.constant 128 : i32
    %mul3A_276 = arith.muli %scan3A_3, %mul3A_275 : i32
    %add3A_277 = arith.constant 17 : i32
    %add3A_278 = arith.addi %mul3A_276, %add3A_277 : i32
    %mul3A_279 = arith.constant 128 : i32
    %mul3A_280 = arith.muli %scan3A_3, %mul3A_279 : i32
    %add3A_281 = arith.constant 17 : i32
    %add3A_282 = arith.addi %mul3A_280, %add3A_281 : i32
    %dma_start3A_283 = arith.constant 0 : i32
    %dma_start3A_284 = tpu.memref_slice %arg6[%add3A_282, %dma_start3A_283] : memref<128x128xf32, #tpu.memory_space<vmem>> -> memref<1x128xf32, #tpu.memory_space<vmem>>
    %dma_start3A_285 = tpu.memref_squeeze %dma_start3A_284 : memref<1x128xf32, #tpu.memory_space<vmem>> -> memref<128xf32, #tpu.memory_space<vmem>>
    %dma_start3A_286 = arith.constant 0 : i32
    %dma_start3A_287 = tpu.memref_slice %arg5[%add3A_278, %dma_start3A_286] : memref<128x128xi32, #tpu.memory_space<vmem>> -> memref<1x128xi32, #tpu.memory_space<vmem>>
    %dma_start3A_288 = tpu.memref_squeeze %dma_start3A_287 : memref<1x128xi32, #tpu.memory_space<vmem>> -> memref<128xi32, #tpu.memory_space<vmem>>
    %dma_start3A_289 = arith.constant 0 : i32
    %dma_start3A_290 = tpu.memref_slice %arg3[%dma_start3A_289] : memref<32000000xf32, #tpu.memory_space<hbm>> -> memref<32000000xf32, #tpu.memory_space<hbm>>
    tpu.enqueue_indirect_dma source(%dma_start3A_290 : memref<32000000xf32, #tpu.memory_space<hbm>>) target(%dma_start3A_285 : memref<128xf32, #tpu.memory_space<vmem>>) offsets(%dma_start3A_288 : memref<128xi32, #tpu.memory_space<vmem>>) semaphore(%arg7 : memref<!tpu.dma_semaphore, #tpu.memory_space<semaphore_mem>>)
    %mul3A_291 = arith.constant 128 : i32
    %mul3A_292 = arith.muli %scan3A_3, %mul3A_291 : i32
    %add3A_293 = arith.constant 18 : i32
    %add3A_294 = arith.addi %mul3A_292, %add3A_293 : i32
    %mul3A_295 = arith.constant 128 : i32
    %mul3A_296 = arith.muli %scan3A_3, %mul3A_295 : i32
    %add3A_297 = arith.constant 18 : i32
    %add3A_298 = arith.addi %mul3A_296, %add3A_297 : i32
    %dma_start3A_299 = arith.constant 0 : i32
    %dma_start3A_300 = tpu.memref_slice %arg6[%add3A_298, %dma_start3A_299] : memref<128x128xf32, #tpu.memory_space<vmem>> -> memref<1x128xf32, #tpu.memory_space<vmem>>
    %dma_start3A_301 = tpu.memref_squeeze %dma_start3A_300 : memref<1x128xf32, #tpu.memory_space<vmem>> -> memref<128xf32, #tpu.memory_space<vmem>>
    %dma_start3A_302 = arith.constant 0 : i32
    %dma_start3A_303 = tpu.memref_slice %arg5[%add3A_294, %dma_start3A_302] : memref<128x128xi32, #tpu.memory_space<vmem>> -> memref<1x128xi32, #tpu.memory_space<vmem>>
    %dma_start3A_304 = tpu.memref_squeeze %dma_start3A_303 : memref<1x128xi32, #tpu.memory_space<vmem>> -> memref<128xi32, #tpu.memory_space<vmem>>
    %dma_start3A_305 = arith.constant 0 : i32
    %dma_start3A_306 = tpu.memref_slice %arg3[%dma_start3A_305] : memref<32000000xf32, #tpu.memory_space<hbm>> -> memref<32000000xf32, #tpu.memory_space<hbm>>
    tpu.enqueue_indirect_dma source(%dma_start3A_306 : memref<32000000xf32, #tpu.memory_space<hbm>>) target(%dma_start3A_301 : memref<128xf32, #tpu.memory_space<vmem>>) offsets(%dma_start3A_304 : memref<128xi32, #tpu.memory_space<vmem>>) semaphore(%arg7 : memref<!tpu.dma_semaphore, #tpu.memory_space<semaphore_mem>>)
    %mul3A_307 = arith.constant 128 : i32
    %mul3A_308 = arith.muli %scan3A_3, %mul3A_307 : i32
    %add3A_309 = arith.constant 19 : i32
    %add3A_310 = arith.addi %mul3A_308, %add3A_309 : i32
    %mul3A_311 = arith.constant 128 : i32
    %mul3A_312 = arith.muli %scan3A_3, %mul3A_311 : i32
    %add3A_313 = arith.constant 19 : i32
    %add3A_314 = arith.addi %mul3A_312, %add3A_313 : i32
    %dma_start3A_315 = arith.constant 0 : i32
    %dma_start3A_316 = tpu.memref_slice %arg6[%add3A_314, %dma_start3A_315] : memref<128x128xf32, #tpu.memory_space<vmem>> -> memref<1x128xf32, #tpu.memory_space<vmem>>
    %dma_start3A_317 = tpu.memref_squeeze %dma_start3A_316 : memref<1x128xf32, #tpu.memory_space<vmem>> -> memref<128xf32, #tpu.memory_space<vmem>>
    %dma_start3A_318 = arith.constant 0 : i32
    %dma_start3A_319 = tpu.memref_slice %arg5[%add3A_310, %dma_start3A_318] : memref<128x128xi32, #tpu.memory_space<vmem>> -> memref<1x128xi32, #tpu.memory_space<vmem>>
    %dma_start3A_320 = tpu.memref_squeeze %dma_start3A_319 : memref<1x128xi32, #tpu.memory_space<vmem>> -> memref<128xi32, #tpu.memory_space<vmem>>
    %dma_start3A_321 = arith.constant 0 : i32
    %dma_start3A_322 = tpu.memref_slice %arg3[%dma_start3A_321] : memref<32000000xf32, #tpu.memory_space<hbm>> -> memref<32000000xf32, #tpu.memory_space<hbm>>
    tpu.enqueue_indirect_dma source(%dma_start3A_322 : memref<32000000xf32, #tpu.memory_space<hbm>>) target(%dma_start3A_317 : memref<128xf32, #tpu.memory_space<vmem>>) offsets(%dma_start3A_320 : memref<128xi32, #tpu.memory_space<vmem>>) semaphore(%arg7 : memref<!tpu.dma_semaphore, #tpu.memory_space<semaphore_mem>>)
    %mul3A_323 = arith.constant 128 : i32
    %mul3A_324 = arith.muli %scan3A_3, %mul3A_323 : i32
    %add3A_325 = arith.constant 20 : i32
    %add3A_326 = arith.addi %mul3A_324, %add3A_325 : i32
    %mul3A_327 = arith.constant 128 : i32
    %mul3A_328 = arith.muli %scan3A_3, %mul3A_327 : i32
    %add3A_329 = arith.constant 20 : i32
    %add3A_330 = arith.addi %mul3A_328, %add3A_329 : i32
    %dma_start3A_331 = arith.constant 0 : i32
    %dma_start3A_332 = tpu.memref_slice %arg6[%add3A_330, %dma_start3A_331] : memref<128x128xf32, #tpu.memory_space<vmem>> -> memref<1x128xf32, #tpu.memory_space<vmem>>
    %dma_start3A_333 = tpu.memref_squeeze %dma_start3A_332 : memref<1x128xf32, #tpu.memory_space<vmem>> -> memref<128xf32, #tpu.memory_space<vmem>>
    %dma_start3A_334 = arith.constant 0 : i32
    %dma_start3A_335 = tpu.memref_slice %arg5[%add3A_326, %dma_start3A_334] : memref<128x128xi32, #tpu.memory_space<vmem>> -> memref<1x128xi32, #tpu.memory_space<vmem>>
    %dma_start3A_336 = tpu.memref_squeeze %dma_start3A_335 : memref<1x128xi32, #tpu.memory_space<vmem>> -> memref<128xi32, #tpu.memory_space<vmem>>
    %dma_start3A_337 = arith.constant 0 : i32
    %dma_start3A_338 = tpu.memref_slice %arg3[%dma_start3A_337] : memref<32000000xf32, #tpu.memory_space<hbm>> -> memref<32000000xf32, #tpu.memory_space<hbm>>
    tpu.enqueue_indirect_dma source(%dma_start3A_338 : memref<32000000xf32, #tpu.memory_space<hbm>>) target(%dma_start3A_333 : memref<128xf32, #tpu.memory_space<vmem>>) offsets(%dma_start3A_336 : memref<128xi32, #tpu.memory_space<vmem>>) semaphore(%arg7 : memref<!tpu.dma_semaphore, #tpu.memory_space<semaphore_mem>>)
    %mul3A_339 = arith.constant 128 : i32
    %mul3A_340 = arith.muli %scan3A_3, %mul3A_339 : i32
    %add3A_341 = arith.constant 21 : i32
    %add3A_342 = arith.addi %mul3A_340, %add3A_341 : i32
    %mul3A_343 = arith.constant 128 : i32
    %mul3A_344 = arith.muli %scan3A_3, %mul3A_343 : i32
    %add3A_345 = arith.constant 21 : i32
    %add3A_346 = arith.addi %mul3A_344, %add3A_345 : i32
    %dma_start3A_347 = arith.constant 0 : i32
    %dma_start3A_348 = tpu.memref_slice %arg6[%add3A_346, %dma_start3A_347] : memref<128x128xf32, #tpu.memory_space<vmem>> -> memref<1x128xf32, #tpu.memory_space<vmem>>
    %dma_start3A_349 = tpu.memref_squeeze %dma_start3A_348 : memref<1x128xf32, #tpu.memory_space<vmem>> -> memref<128xf32, #tpu.memory_space<vmem>>
    %dma_start3A_350 = arith.constant 0 : i32
    %dma_start3A_351 = tpu.memref_slice %arg5[%add3A_342, %dma_start3A_350] : memref<128x128xi32, #tpu.memory_space<vmem>> -> memref<1x128xi32, #tpu.memory_space<vmem>>
    %dma_start3A_352 = tpu.memref_squeeze %dma_start3A_351 : memref<1x128xi32, #tpu.memory_space<vmem>> -> memref<128xi32, #tpu.memory_space<vmem>>
    %dma_start3A_353 = arith.constant 0 : i32
    %dma_start3A_354 = tpu.memref_slice %arg3[%dma_start3A_353] : memref<32000000xf32, #tpu.memory_space<hbm>> -> memref<32000000xf32, #tpu.memory_space<hbm>>
    tpu.enqueue_indirect_dma source(%dma_start3A_354 : memref<32000000xf32, #tpu.memory_space<hbm>>) target(%dma_start3A_349 : memref<128xf32, #tpu.memory_space<vmem>>) offsets(%dma_start3A_352 : memref<128xi32, #tpu.memory_space<vmem>>) semaphore(%arg7 : memref<!tpu.dma_semaphore, #tpu.memory_space<semaphore_mem>>)
    %mul3A_355 = arith.constant 128 : i32
    %mul3A_356 = arith.muli %scan3A_3, %mul3A_355 : i32
    %add3A_357 = arith.constant 22 : i32
    %add3A_358 = arith.addi %mul3A_356, %add3A_357 : i32
    %mul3A_359 = arith.constant 128 : i32
    %mul3A_360 = arith.muli %scan3A_3, %mul3A_359 : i32
    %add3A_361 = arith.constant 22 : i32
    %add3A_362 = arith.addi %mul3A_360, %add3A_361 : i32
    %dma_start3A_363 = arith.constant 0 : i32
    %dma_start3A_364 = tpu.memref_slice %arg6[%add3A_362, %dma_start3A_363] : memref<128x128xf32, #tpu.memory_space<vmem>> -> memref<1x128xf32, #tpu.memory_space<vmem>>
    %dma_start3A_365 = tpu.memref_squeeze %dma_start3A_364 : memref<1x128xf32, #tpu.memory_space<vmem>> -> memref<128xf32, #tpu.memory_space<vmem>>
    %dma_start3A_366 = arith.constant 0 : i32
    %dma_start3A_367 = tpu.memref_slice %arg5[%add3A_358, %dma_start3A_366] : memref<128x128xi32, #tpu.memory_space<vmem>> -> memref<1x128xi32, #tpu.memory_space<vmem>>
    %dma_start3A_368 = tpu.memref_squeeze %dma_start3A_367 : memref<1x128xi32, #tpu.memory_space<vmem>> -> memref<128xi32, #tpu.memory_space<vmem>>
    %dma_start3A_369 = arith.constant 0 : i32
    %dma_start3A_370 = tpu.memref_slice %arg3[%dma_start3A_369] : memref<32000000xf32, #tpu.memory_space<hbm>> -> memref<32000000xf32, #tpu.memory_space<hbm>>
    tpu.enqueue_indirect_dma source(%dma_start3A_370 : memref<32000000xf32, #tpu.memory_space<hbm>>) target(%dma_start3A_365 : memref<128xf32, #tpu.memory_space<vmem>>) offsets(%dma_start3A_368 : memref<128xi32, #tpu.memory_space<vmem>>) semaphore(%arg7 : memref<!tpu.dma_semaphore, #tpu.memory_space<semaphore_mem>>)
    %mul3A_371 = arith.constant 128 : i32
    %mul3A_372 = arith.muli %scan3A_3, %mul3A_371 : i32
    %add3A_373 = arith.constant 23 : i32
    %add3A_374 = arith.addi %mul3A_372, %add3A_373 : i32
    %mul3A_375 = arith.constant 128 : i32
    %mul3A_376 = arith.muli %scan3A_3, %mul3A_375 : i32
    %add3A_377 = arith.constant 23 : i32
    %add3A_378 = arith.addi %mul3A_376, %add3A_377 : i32
    %dma_start3A_379 = arith.constant 0 : i32
    %dma_start3A_380 = tpu.memref_slice %arg6[%add3A_378, %dma_start3A_379] : memref<128x128xf32, #tpu.memory_space<vmem>> -> memref<1x128xf32, #tpu.memory_space<vmem>>
    %dma_start3A_381 = tpu.memref_squeeze %dma_start3A_380 : memref<1x128xf32, #tpu.memory_space<vmem>> -> memref<128xf32, #tpu.memory_space<vmem>>
    %dma_start3A_382 = arith.constant 0 : i32
    %dma_start3A_383 = tpu.memref_slice %arg5[%add3A_374, %dma_start3A_382] : memref<128x128xi32, #tpu.memory_space<vmem>> -> memref<1x128xi32, #tpu.memory_space<vmem>>
    %dma_start3A_384 = tpu.memref_squeeze %dma_start3A_383 : memref<1x128xi32, #tpu.memory_space<vmem>> -> memref<128xi32, #tpu.memory_space<vmem>>
    %dma_start3A_385 = arith.constant 0 : i32
    %dma_start3A_386 = tpu.memref_slice %arg3[%dma_start3A_385] : memref<32000000xf32, #tpu.memory_space<hbm>> -> memref<32000000xf32, #tpu.memory_space<hbm>>
    tpu.enqueue_indirect_dma source(%dma_start3A_386 : memref<32000000xf32, #tpu.memory_space<hbm>>) target(%dma_start3A_381 : memref<128xf32, #tpu.memory_space<vmem>>) offsets(%dma_start3A_384 : memref<128xi32, #tpu.memory_space<vmem>>) semaphore(%arg7 : memref<!tpu.dma_semaphore, #tpu.memory_space<semaphore_mem>>)
    %mul3A_387 = arith.constant 128 : i32
    %mul3A_388 = arith.muli %scan3A_3, %mul3A_387 : i32
    %add3A_389 = arith.constant 24 : i32
    %add3A_390 = arith.addi %mul3A_388, %add3A_389 : i32
    %mul3A_391 = arith.constant 128 : i32
    %mul3A_392 = arith.muli %scan3A_3, %mul3A_391 : i32
    %add3A_393 = arith.constant 24 : i32
    %add3A_394 = arith.addi %mul3A_392, %add3A_393 : i32
    %dma_start3A_395 = arith.constant 0 : i32
    %dma_start3A_396 = tpu.memref_slice %arg6[%add3A_394, %dma_start3A_395] : memref<128x128xf32, #tpu.memory_space<vmem>> -> memref<1x128xf32, #tpu.memory_space<vmem>>
    %dma_start3A_397 = tpu.memref_squeeze %dma_start3A_396 : memref<1x128xf32, #tpu.memory_space<vmem>> -> memref<128xf32, #tpu.memory_space<vmem>>
    %dma_start3A_398 = arith.constant 0 : i32
    %dma_start3A_399 = tpu.memref_slice %arg5[%add3A_390, %dma_start3A_398] : memref<128x128xi32, #tpu.memory_space<vmem>> -> memref<1x128xi32, #tpu.memory_space<vmem>>
    %dma_start3A_400 = tpu.memref_squeeze %dma_start3A_399 : memref<1x128xi32, #tpu.memory_space<vmem>> -> memref<128xi32, #tpu.memory_space<vmem>>
    %dma_start3A_401 = arith.constant 0 : i32
    %dma_start3A_402 = tpu.memref_slice %arg3[%dma_start3A_401] : memref<32000000xf32, #tpu.memory_space<hbm>> -> memref<32000000xf32, #tpu.memory_space<hbm>>
    tpu.enqueue_indirect_dma source(%dma_start3A_402 : memref<32000000xf32, #tpu.memory_space<hbm>>) target(%dma_start3A_397 : memref<128xf32, #tpu.memory_space<vmem>>) offsets(%dma_start3A_400 : memref<128xi32, #tpu.memory_space<vmem>>) semaphore(%arg7 : memref<!tpu.dma_semaphore, #tpu.memory_space<semaphore_mem>>)
    %mul3A_403 = arith.constant 128 : i32
    %mul3A_404 = arith.muli %scan3A_3, %mul3A_403 : i32
    %add3A_405 = arith.constant 25 : i32
    %add3A_406 = arith.addi %mul3A_404, %add3A_405 : i32
    %mul3A_407 = arith.constant 128 : i32
    %mul3A_408 = arith.muli %scan3A_3, %mul3A_407 : i32
    %add3A_409 = arith.constant 25 : i32
    %add3A_410 = arith.addi %mul3A_408, %add3A_409 : i32
    %dma_start3A_411 = arith.constant 0 : i32
    %dma_start3A_412 = tpu.memref_slice %arg6[%add3A_410, %dma_start3A_411] : memref<128x128xf32, #tpu.memory_space<vmem>> -> memref<1x128xf32, #tpu.memory_space<vmem>>
    %dma_start3A_413 = tpu.memref_squeeze %dma_start3A_412 : memref<1x128xf32, #tpu.memory_space<vmem>> -> memref<128xf32, #tpu.memory_space<vmem>>
    %dma_start3A_414 = arith.constant 0 : i32
    %dma_start3A_415 = tpu.memref_slice %arg5[%add3A_406, %dma_start3A_414] : memref<128x128xi32, #tpu.memory_space<vmem>> -> memref<1x128xi32, #tpu.memory_space<vmem>>
    %dma_start3A_416 = tpu.memref_squeeze %dma_start3A_415 : memref<1x128xi32, #tpu.memory_space<vmem>> -> memref<128xi32, #tpu.memory_space<vmem>>
    %dma_start3A_417 = arith.constant 0 : i32
    %dma_start3A_418 = tpu.memref_slice %arg3[%dma_start3A_417] : memref<32000000xf32, #tpu.memory_space<hbm>> -> memref<32000000xf32, #tpu.memory_space<hbm>>
    tpu.enqueue_indirect_dma source(%dma_start3A_418 : memref<32000000xf32, #tpu.memory_space<hbm>>) target(%dma_start3A_413 : memref<128xf32, #tpu.memory_space<vmem>>) offsets(%dma_start3A_416 : memref<128xi32, #tpu.memory_space<vmem>>) semaphore(%arg7 : memref<!tpu.dma_semaphore, #tpu.memory_space<semaphore_mem>>)
    %mul3A_419 = arith.constant 128 : i32
    %mul3A_420 = arith.muli %scan3A_3, %mul3A_419 : i32
    %add3A_421 = arith.constant 26 : i32
    %add3A_422 = arith.addi %mul3A_420, %add3A_421 : i32
    %mul3A_423 = arith.constant 128 : i32
    %mul3A_424 = arith.muli %scan3A_3, %mul3A_423 : i32
    %add3A_425 = arith.constant 26 : i32
    %add3A_426 = arith.addi %mul3A_424, %add3A_425 : i32
    %dma_start3A_427 = arith.constant 0 : i32
    %dma_start3A_428 = tpu.memref_slice %arg6[%add3A_426, %dma_start3A_427] : memref<128x128xf32, #tpu.memory_space<vmem>> -> memref<1x128xf32, #tpu.memory_space<vmem>>
    %dma_start3A_429 = tpu.memref_squeeze %dma_start3A_428 : memref<1x128xf32, #tpu.memory_space<vmem>> -> memref<128xf32, #tpu.memory_space<vmem>>
    %dma_start3A_430 = arith.constant 0 : i32
    %dma_start3A_431 = tpu.memref_slice %arg5[%add3A_422, %dma_start3A_430] : memref<128x128xi32, #tpu.memory_space<vmem>> -> memref<1x128xi32, #tpu.memory_space<vmem>>
    %dma_start3A_432 = tpu.memref_squeeze %dma_start3A_431 : memref<1x128xi32, #tpu.memory_space<vmem>> -> memref<128xi32, #tpu.memory_space<vmem>>
    %dma_start3A_433 = arith.constant 0 : i32
    %dma_start3A_434 = tpu.memref_slice %arg3[%dma_start3A_433] : memref<32000000xf32, #tpu.memory_space<hbm>> -> memref<32000000xf32, #tpu.memory_space<hbm>>
    tpu.enqueue_indirect_dma source(%dma_start3A_434 : memref<32000000xf32, #tpu.memory_space<hbm>>) target(%dma_start3A_429 : memref<128xf32, #tpu.memory_space<vmem>>) offsets(%dma_start3A_432 : memref<128xi32, #tpu.memory_space<vmem>>) semaphore(%arg7 : memref<!tpu.dma_semaphore, #tpu.memory_space<semaphore_mem>>)
    %mul3A_435 = arith.constant 128 : i32
    %mul3A_436 = arith.muli %scan3A_3, %mul3A_435 : i32
    %add3A_437 = arith.constant 27 : i32
    %add3A_438 = arith.addi %mul3A_436, %add3A_437 : i32
    %mul3A_439 = arith.constant 128 : i32
    %mul3A_440 = arith.muli %scan3A_3, %mul3A_439 : i32
    %add3A_441 = arith.constant 27 : i32
    %add3A_442 = arith.addi %mul3A_440, %add3A_441 : i32
    %dma_start3A_443 = arith.constant 0 : i32
    %dma_start3A_444 = tpu.memref_slice %arg6[%add3A_442, %dma_start3A_443] : memref<128x128xf32, #tpu.memory_space<vmem>> -> memref<1x128xf32, #tpu.memory_space<vmem>>
    %dma_start3A_445 = tpu.memref_squeeze %dma_start3A_444 : memref<1x128xf32, #tpu.memory_space<vmem>> -> memref<128xf32, #tpu.memory_space<vmem>>
    %dma_start3A_446 = arith.constant 0 : i32
    %dma_start3A_447 = tpu.memref_slice %arg5[%add3A_438, %dma_start3A_446] : memref<128x128xi32, #tpu.memory_space<vmem>> -> memref<1x128xi32, #tpu.memory_space<vmem>>
    %dma_start3A_448 = tpu.memref_squeeze %dma_start3A_447 : memref<1x128xi32, #tpu.memory_space<vmem>> -> memref<128xi32, #tpu.memory_space<vmem>>
    %dma_start3A_449 = arith.constant 0 : i32
    %dma_start3A_450 = tpu.memref_slice %arg3[%dma_start3A_449] : memref<32000000xf32, #tpu.memory_space<hbm>> -> memref<32000000xf32, #tpu.memory_space<hbm>>
    tpu.enqueue_indirect_dma source(%dma_start3A_450 : memref<32000000xf32, #tpu.memory_space<hbm>>) target(%dma_start3A_445 : memref<128xf32, #tpu.memory_space<vmem>>) offsets(%dma_start3A_448 : memref<128xi32, #tpu.memory_space<vmem>>) semaphore(%arg7 : memref<!tpu.dma_semaphore, #tpu.memory_space<semaphore_mem>>)
    %mul3A_451 = arith.constant 128 : i32
    %mul3A_452 = arith.muli %scan3A_3, %mul3A_451 : i32
    %add3A_453 = arith.constant 28 : i32
    %add3A_454 = arith.addi %mul3A_452, %add3A_453 : i32
    %mul3A_455 = arith.constant 128 : i32
    %mul3A_456 = arith.muli %scan3A_3, %mul3A_455 : i32
    %add3A_457 = arith.constant 28 : i32
    %add3A_458 = arith.addi %mul3A_456, %add3A_457 : i32
    %dma_start3A_459 = arith.constant 0 : i32
    %dma_start3A_460 = tpu.memref_slice %arg6[%add3A_458, %dma_start3A_459] : memref<128x128xf32, #tpu.memory_space<vmem>> -> memref<1x128xf32, #tpu.memory_space<vmem>>
    %dma_start3A_461 = tpu.memref_squeeze %dma_start3A_460 : memref<1x128xf32, #tpu.memory_space<vmem>> -> memref<128xf32, #tpu.memory_space<vmem>>
    %dma_start3A_462 = arith.constant 0 : i32
    %dma_start3A_463 = tpu.memref_slice %arg5[%add3A_454, %dma_start3A_462] : memref<128x128xi32, #tpu.memory_space<vmem>> -> memref<1x128xi32, #tpu.memory_space<vmem>>
    %dma_start3A_464 = tpu.memref_squeeze %dma_start3A_463 : memref<1x128xi32, #tpu.memory_space<vmem>> -> memref<128xi32, #tpu.memory_space<vmem>>
    %dma_start3A_465 = arith.constant 0 : i32
    %dma_start3A_466 = tpu.memref_slice %arg3[%dma_start3A_465] : memref<32000000xf32, #tpu.memory_space<hbm>> -> memref<32000000xf32, #tpu.memory_space<hbm>>
    tpu.enqueue_indirect_dma source(%dma_start3A_466 : memref<32000000xf32, #tpu.memory_space<hbm>>) target(%dma_start3A_461 : memref<128xf32, #tpu.memory_space<vmem>>) offsets(%dma_start3A_464 : memref<128xi32, #tpu.memory_space<vmem>>) semaphore(%arg7 : memref<!tpu.dma_semaphore, #tpu.memory_space<semaphore_mem>>)
    %mul3A_467 = arith.constant 128 : i32
    %mul3A_468 = arith.muli %scan3A_3, %mul3A_467 : i32
    %add3A_469 = arith.constant 29 : i32
    %add3A_470 = arith.addi %mul3A_468, %add3A_469 : i32
    %mul3A_471 = arith.constant 128 : i32
    %mul3A_472 = arith.muli %scan3A_3, %mul3A_471 : i32
    %add3A_473 = arith.constant 29 : i32
    %add3A_474 = arith.addi %mul3A_472, %add3A_473 : i32
    %dma_start3A_475 = arith.constant 0 : i32
    %dma_start3A_476 = tpu.memref_slice %arg6[%add3A_474, %dma_start3A_475] : memref<128x128xf32, #tpu.memory_space<vmem>> -> memref<1x128xf32, #tpu.memory_space<vmem>>
    %dma_start3A_477 = tpu.memref_squeeze %dma_start3A_476 : memref<1x128xf32, #tpu.memory_space<vmem>> -> memref<128xf32, #tpu.memory_space<vmem>>
    %dma_start3A_478 = arith.constant 0 : i32
    %dma_start3A_479 = tpu.memref_slice %arg5[%add3A_470, %dma_start3A_478] : memref<128x128xi32, #tpu.memory_space<vmem>> -> memref<1x128xi32, #tpu.memory_space<vmem>>
    %dma_start3A_480 = tpu.memref_squeeze %dma_start3A_479 : memref<1x128xi32, #tpu.memory_space<vmem>> -> memref<128xi32, #tpu.memory_space<vmem>>
    %dma_start3A_481 = arith.constant 0 : i32
    %dma_start3A_482 = tpu.memref_slice %arg3[%dma_start3A_481] : memref<32000000xf32, #tpu.memory_space<hbm>> -> memref<32000000xf32, #tpu.memory_space<hbm>>
    tpu.enqueue_indirect_dma source(%dma_start3A_482 : memref<32000000xf32, #tpu.memory_space<hbm>>) target(%dma_start3A_477 : memref<128xf32, #tpu.memory_space<vmem>>) offsets(%dma_start3A_480 : memref<128xi32, #tpu.memory_space<vmem>>) semaphore(%arg7 : memref<!tpu.dma_semaphore, #tpu.memory_space<semaphore_mem>>)
    %mul3A_483 = arith.constant 128 : i32
    %mul3A_484 = arith.muli %scan3A_3, %mul3A_483 : i32
    %add3A_485 = arith.constant 30 : i32
    %add3A_486 = arith.addi %mul3A_484, %add3A_485 : i32
    %mul3A_487 = arith.constant 128 : i32
    %mul3A_488 = arith.muli %scan3A_3, %mul3A_487 : i32
    %add3A_489 = arith.constant 30 : i32
    %add3A_490 = arith.addi %mul3A_488, %add3A_489 : i32
    %dma_start3A_491 = arith.constant 0 : i32
    %dma_start3A_492 = tpu.memref_slice %arg6[%add3A_490, %dma_start3A_491] : memref<128x128xf32, #tpu.memory_space<vmem>> -> memref<1x128xf32, #tpu.memory_space<vmem>>
    %dma_start3A_493 = tpu.memref_squeeze %dma_start3A_492 : memref<1x128xf32, #tpu.memory_space<vmem>> -> memref<128xf32, #tpu.memory_space<vmem>>
    %dma_start3A_494 = arith.constant 0 : i32
    %dma_start3A_495 = tpu.memref_slice %arg5[%add3A_486, %dma_start3A_494] : memref<128x128xi32, #tpu.memory_space<vmem>> -> memref<1x128xi32, #tpu.memory_space<vmem>>
    %dma_start3A_496 = tpu.memref_squeeze %dma_start3A_495 : memref<1x128xi32, #tpu.memory_space<vmem>> -> memref<128xi32, #tpu.memory_space<vmem>>
    %dma_start3A_497 = arith.constant 0 : i32
    %dma_start3A_498 = tpu.memref_slice %arg3[%dma_start3A_497] : memref<32000000xf32, #tpu.memory_space<hbm>> -> memref<32000000xf32, #tpu.memory_space<hbm>>
    tpu.enqueue_indirect_dma source(%dma_start3A_498 : memref<32000000xf32, #tpu.memory_space<hbm>>) target(%dma_start3A_493 : memref<128xf32, #tpu.memory_space<vmem>>) offsets(%dma_start3A_496 : memref<128xi32, #tpu.memory_space<vmem>>) semaphore(%arg7 : memref<!tpu.dma_semaphore, #tpu.memory_space<semaphore_mem>>)
    %mul3A_499 = arith.constant 128 : i32
    %mul3A_500 = arith.muli %scan3A_3, %mul3A_499 : i32
    %add3A_501 = arith.constant 31 : i32
    %add3A_502 = arith.addi %mul3A_500, %add3A_501 : i32
    %mul3A_503 = arith.constant 128 : i32
    %mul3A_504 = arith.muli %scan3A_3, %mul3A_503 : i32
    %add3A_505 = arith.constant 31 : i32
    %add3A_506 = arith.addi %mul3A_504, %add3A_505 : i32
    %dma_start3A_507 = arith.constant 0 : i32
    %dma_start3A_508 = tpu.memref_slice %arg6[%add3A_506, %dma_start3A_507] : memref<128x128xf32, #tpu.memory_space<vmem>> -> memref<1x128xf32, #tpu.memory_space<vmem>>
    %dma_start3A_509 = tpu.memref_squeeze %dma_start3A_508 : memref<1x128xf32, #tpu.memory_space<vmem>> -> memref<128xf32, #tpu.memory_space<vmem>>
    %dma_start3A_510 = arith.constant 0 : i32
    %dma_start3A_511 = tpu.memref_slice %arg5[%add3A_502, %dma_start3A_510] : memref<128x128xi32, #tpu.memory_space<vmem>> -> memref<1x128xi32, #tpu.memory_space<vmem>>
    %dma_start3A_512 = tpu.memref_squeeze %dma_start3A_511 : memref<1x128xi32, #tpu.memory_space<vmem>> -> memref<128xi32, #tpu.memory_space<vmem>>
    %dma_start3A_513 = arith.constant 0 : i32
    %dma_start3A_514 = tpu.memref_slice %arg3[%dma_start3A_513] : memref<32000000xf32, #tpu.memory_space<hbm>> -> memref<32000000xf32, #tpu.memory_space<hbm>>
    tpu.enqueue_indirect_dma source(%dma_start3A_514 : memref<32000000xf32, #tpu.memory_space<hbm>>) target(%dma_start3A_509 : memref<128xf32, #tpu.memory_space<vmem>>) offsets(%dma_start3A_512 : memref<128xi32, #tpu.memory_space<vmem>>) semaphore(%arg7 : memref<!tpu.dma_semaphore, #tpu.memory_space<semaphore_mem>>)
    %mul3A_515 = arith.constant 128 : i32
    %mul3A_516 = arith.muli %scan3A_3, %mul3A_515 : i32
    %add3A_517 = arith.constant 32 : i32
    %add3A_518 = arith.addi %mul3A_516, %add3A_517 : i32
    %mul3A_519 = arith.constant 128 : i32
    %mul3A_520 = arith.muli %scan3A_3, %mul3A_519 : i32
    %add3A_521 = arith.constant 32 : i32
    %add3A_522 = arith.addi %mul3A_520, %add3A_521 : i32
    %dma_start3A_523 = arith.constant 0 : i32
    %dma_start3A_524 = tpu.memref_slice %arg6[%add3A_522, %dma_start3A_523] : memref<128x128xf32, #tpu.memory_space<vmem>> -> memref<1x128xf32, #tpu.memory_space<vmem>>
    %dma_start3A_525 = tpu.memref_squeeze %dma_start3A_524 : memref<1x128xf32, #tpu.memory_space<vmem>> -> memref<128xf32, #tpu.memory_space<vmem>>
    %dma_start3A_526 = arith.constant 0 : i32
    %dma_start3A_527 = tpu.memref_slice %arg5[%add3A_518, %dma_start3A_526] : memref<128x128xi32, #tpu.memory_space<vmem>> -> memref<1x128xi32, #tpu.memory_space<vmem>>
    %dma_start3A_528 = tpu.memref_squeeze %dma_start3A_527 : memref<1x128xi32, #tpu.memory_space<vmem>> -> memref<128xi32, #tpu.memory_space<vmem>>
    %dma_start3A_529 = arith.constant 0 : i32
    %dma_start3A_530 = tpu.memref_slice %arg3[%dma_start3A_529] : memref<32000000xf32, #tpu.memory_space<hbm>> -> memref<32000000xf32, #tpu.memory_space<hbm>>
    tpu.enqueue_indirect_dma source(%dma_start3A_530 : memref<32000000xf32, #tpu.memory_space<hbm>>) target(%dma_start3A_525 : memref<128xf32, #tpu.memory_space<vmem>>) offsets(%dma_start3A_528 : memref<128xi32, #tpu.memory_space<vmem>>) semaphore(%arg7 : memref<!tpu.dma_semaphore, #tpu.memory_space<semaphore_mem>>)
    %mul3A_531 = arith.constant 128 : i32
    %mul3A_532 = arith.muli %scan3A_3, %mul3A_531 : i32
    %add3A_533 = arith.constant 33 : i32
    %add3A_534 = arith.addi %mul3A_532, %add3A_533 : i32
    %mul3A_535 = arith.constant 128 : i32
    %mul3A_536 = arith.muli %scan3A_3, %mul3A_535 : i32
    %add3A_537 = arith.constant 33 : i32
    %add3A_538 = arith.addi %mul3A_536, %add3A_537 : i32
    %dma_start3A_539 = arith.constant 0 : i32
    %dma_start3A_540 = tpu.memref_slice %arg6[%add3A_538, %dma_start3A_539] : memref<128x128xf32, #tpu.memory_space<vmem>> -> memref<1x128xf32, #tpu.memory_space<vmem>>
    %dma_start3A_541 = tpu.memref_squeeze %dma_start3A_540 : memref<1x128xf32, #tpu.memory_space<vmem>> -> memref<128xf32, #tpu.memory_space<vmem>>
    %dma_start3A_542 = arith.constant 0 : i32
    %dma_start3A_543 = tpu.memref_slice %arg5[%add3A_534, %dma_start3A_542] : memref<128x128xi32, #tpu.memory_space<vmem>> -> memref<1x128xi32, #tpu.memory_space<vmem>>
    %dma_start3A_544 = tpu.memref_squeeze %dma_start3A_543 : memref<1x128xi32, #tpu.memory_space<vmem>> -> memref<128xi32, #tpu.memory_space<vmem>>
    %dma_start3A_545 = arith.constant 0 : i32
    %dma_start3A_546 = tpu.memref_slice %arg3[%dma_start3A_545] : memref<32000000xf32, #tpu.memory_space<hbm>> -> memref<32000000xf32, #tpu.memory_space<hbm>>
    tpu.enqueue_indirect_dma source(%dma_start3A_546 : memref<32000000xf32, #tpu.memory_space<hbm>>) target(%dma_start3A_541 : memref<128xf32, #tpu.memory_space<vmem>>) offsets(%dma_start3A_544 : memref<128xi32, #tpu.memory_space<vmem>>) semaphore(%arg7 : memref<!tpu.dma_semaphore, #tpu.memory_space<semaphore_mem>>)
    %mul3A_547 = arith.constant 128 : i32
    %mul3A_548 = arith.muli %scan3A_3, %mul3A_547 : i32
    %add3A_549 = arith.constant 34 : i32
    %add3A_550 = arith.addi %mul3A_548, %add3A_549 : i32
    %mul3A_551 = arith.constant 128 : i32
    %mul3A_552 = arith.muli %scan3A_3, %mul3A_551 : i32
    %add3A_553 = arith.constant 34 : i32
    %add3A_554 = arith.addi %mul3A_552, %add3A_553 : i32
    %dma_start3A_555 = arith.constant 0 : i32
    %dma_start3A_556 = tpu.memref_slice %arg6[%add3A_554, %dma_start3A_555] : memref<128x128xf32, #tpu.memory_space<vmem>> -> memref<1x128xf32, #tpu.memory_space<vmem>>
    %dma_start3A_557 = tpu.memref_squeeze %dma_start3A_556 : memref<1x128xf32, #tpu.memory_space<vmem>> -> memref<128xf32, #tpu.memory_space<vmem>>
    %dma_start3A_558 = arith.constant 0 : i32
    %dma_start3A_559 = tpu.memref_slice %arg5[%add3A_550, %dma_start3A_558] : memref<128x128xi32, #tpu.memory_space<vmem>> -> memref<1x128xi32, #tpu.memory_space<vmem>>
    %dma_start3A_560 = tpu.memref_squeeze %dma_start3A_559 : memref<1x128xi32, #tpu.memory_space<vmem>> -> memref<128xi32, #tpu.memory_space<vmem>>
    %dma_start3A_561 = arith.constant 0 : i32
    %dma_start3A_562 = tpu.memref_slice %arg3[%dma_start3A_561] : memref<32000000xf32, #tpu.memory_space<hbm>> -> memref<32000000xf32, #tpu.memory_space<hbm>>
    tpu.enqueue_indirect_dma source(%dma_start3A_562 : memref<32000000xf32, #tpu.memory_space<hbm>>) target(%dma_start3A_557 : memref<128xf32, #tpu.memory_space<vmem>>) offsets(%dma_start3A_560 : memref<128xi32, #tpu.memory_space<vmem>>) semaphore(%arg7 : memref<!tpu.dma_semaphore, #tpu.memory_space<semaphore_mem>>)
    %mul3A_563 = arith.constant 128 : i32
    %mul3A_564 = arith.muli %scan3A_3, %mul3A_563 : i32
    %add3A_565 = arith.constant 35 : i32
    %add3A_566 = arith.addi %mul3A_564, %add3A_565 : i32
    %mul3A_567 = arith.constant 128 : i32
    %mul3A_568 = arith.muli %scan3A_3, %mul3A_567 : i32
    %add3A_569 = arith.constant 35 : i32
    %add3A_570 = arith.addi %mul3A_568, %add3A_569 : i32
    %dma_start3A_571 = arith.constant 0 : i32
    %dma_start3A_572 = tpu.memref_slice %arg6[%add3A_570, %dma_start3A_571] : memref<128x128xf32, #tpu.memory_space<vmem>> -> memref<1x128xf32, #tpu.memory_space<vmem>>
    %dma_start3A_573 = tpu.memref_squeeze %dma_start3A_572 : memref<1x128xf32, #tpu.memory_space<vmem>> -> memref<128xf32, #tpu.memory_space<vmem>>
    %dma_start3A_574 = arith.constant 0 : i32
    %dma_start3A_575 = tpu.memref_slice %arg5[%add3A_566, %dma_start3A_574] : memref<128x128xi32, #tpu.memory_space<vmem>> -> memref<1x128xi32, #tpu.memory_space<vmem>>
    %dma_start3A_576 = tpu.memref_squeeze %dma_start3A_575 : memref<1x128xi32, #tpu.memory_space<vmem>> -> memref<128xi32, #tpu.memory_space<vmem>>
    %dma_start3A_577 = arith.constant 0 : i32
    %dma_start3A_578 = tpu.memref_slice %arg3[%dma_start3A_577] : memref<32000000xf32, #tpu.memory_space<hbm>> -> memref<32000000xf32, #tpu.memory_space<hbm>>
    tpu.enqueue_indirect_dma source(%dma_start3A_578 : memref<32000000xf32, #tpu.memory_space<hbm>>) target(%dma_start3A_573 : memref<128xf32, #tpu.memory_space<vmem>>) offsets(%dma_start3A_576 : memref<128xi32, #tpu.memory_space<vmem>>) semaphore(%arg7 : memref<!tpu.dma_semaphore, #tpu.memory_space<semaphore_mem>>)
    %mul3A_579 = arith.constant 128 : i32
    %mul3A_580 = arith.muli %scan3A_3, %mul3A_579 : i32
    %add3A_581 = arith.constant 36 : i32
    %add3A_582 = arith.addi %mul3A_580, %add3A_581 : i32
    %mul3A_583 = arith.constant 128 : i32
    %mul3A_584 = arith.muli %scan3A_3, %mul3A_583 : i32
    %add3A_585 = arith.constant 36 : i32
    %add3A_586 = arith.addi %mul3A_584, %add3A_585 : i32
    %dma_start3A_587 = arith.constant 0 : i32
    %dma_start3A_588 = tpu.memref_slice %arg6[%add3A_586, %dma_start3A_587] : memref<128x128xf32, #tpu.memory_space<vmem>> -> memref<1x128xf32, #tpu.memory_space<vmem>>
    %dma_start3A_589 = tpu.memref_squeeze %dma_start3A_588 : memref<1x128xf32, #tpu.memory_space<vmem>> -> memref<128xf32, #tpu.memory_space<vmem>>
    %dma_start3A_590 = arith.constant 0 : i32
    %dma_start3A_591 = tpu.memref_slice %arg5[%add3A_582, %dma_start3A_590] : memref<128x128xi32, #tpu.memory_space<vmem>> -> memref<1x128xi32, #tpu.memory_space<vmem>>
    %dma_start3A_592 = tpu.memref_squeeze %dma_start3A_591 : memref<1x128xi32, #tpu.memory_space<vmem>> -> memref<128xi32, #tpu.memory_space<vmem>>
    %dma_start3A_593 = arith.constant 0 : i32
    %dma_start3A_594 = tpu.memref_slice %arg3[%dma_start3A_593] : memref<32000000xf32, #tpu.memory_space<hbm>> -> memref<32000000xf32, #tpu.memory_space<hbm>>
    tpu.enqueue_indirect_dma source(%dma_start3A_594 : memref<32000000xf32, #tpu.memory_space<hbm>>) target(%dma_start3A_589 : memref<128xf32, #tpu.memory_space<vmem>>) offsets(%dma_start3A_592 : memref<128xi32, #tpu.memory_space<vmem>>) semaphore(%arg7 : memref<!tpu.dma_semaphore, #tpu.memory_space<semaphore_mem>>)
    %mul3A_595 = arith.constant 128 : i32
    %mul3A_596 = arith.muli %scan3A_3, %mul3A_595 : i32
    %add3A_597 = arith.constant 37 : i32
    %add3A_598 = arith.addi %mul3A_596, %add3A_597 : i32
    %mul3A_599 = arith.constant 128 : i32
    %mul3A_600 = arith.muli %scan3A_3, %mul3A_599 : i32
    %add3A_601 = arith.constant 37 : i32
    %add3A_602 = arith.addi %mul3A_600, %add3A_601 : i32
    %dma_start3A_603 = arith.constant 0 : i32
    %dma_start3A_604 = tpu.memref_slice %arg6[%add3A_602, %dma_start3A_603] : memref<128x128xf32, #tpu.memory_space<vmem>> -> memref<1x128xf32, #tpu.memory_space<vmem>>
    %dma_start3A_605 = tpu.memref_squeeze %dma_start3A_604 : memref<1x128xf32, #tpu.memory_space<vmem>> -> memref<128xf32, #tpu.memory_space<vmem>>
    %dma_start3A_606 = arith.constant 0 : i32
    %dma_start3A_607 = tpu.memref_slice %arg5[%add3A_598, %dma_start3A_606] : memref<128x128xi32, #tpu.memory_space<vmem>> -> memref<1x128xi32, #tpu.memory_space<vmem>>
    %dma_start3A_608 = tpu.memref_squeeze %dma_start3A_607 : memref<1x128xi32, #tpu.memory_space<vmem>> -> memref<128xi32, #tpu.memory_space<vmem>>
    %dma_start3A_609 = arith.constant 0 : i32
    %dma_start3A_610 = tpu.memref_slice %arg3[%dma_start3A_609] : memref<32000000xf32, #tpu.memory_space<hbm>> -> memref<32000000xf32, #tpu.memory_space<hbm>>
    tpu.enqueue_indirect_dma source(%dma_start3A_610 : memref<32000000xf32, #tpu.memory_space<hbm>>) target(%dma_start3A_605 : memref<128xf32, #tpu.memory_space<vmem>>) offsets(%dma_start3A_608 : memref<128xi32, #tpu.memory_space<vmem>>) semaphore(%arg7 : memref<!tpu.dma_semaphore, #tpu.memory_space<semaphore_mem>>)
    %mul3A_611 = arith.constant 128 : i32
    %mul3A_612 = arith.muli %scan3A_3, %mul3A_611 : i32
    %add3A_613 = arith.constant 38 : i32
    %add3A_614 = arith.addi %mul3A_612, %add3A_613 : i32
    %mul3A_615 = arith.constant 128 : i32
    %mul3A_616 = arith.muli %scan3A_3, %mul3A_615 : i32
    %add3A_617 = arith.constant 38 : i32
    %add3A_618 = arith.addi %mul3A_616, %add3A_617 : i32
    %dma_start3A_619 = arith.constant 0 : i32
    %dma_start3A_620 = tpu.memref_slice %arg6[%add3A_618, %dma_start3A_619] : memref<128x128xf32, #tpu.memory_space<vmem>> -> memref<1x128xf32, #tpu.memory_space<vmem>>
    %dma_start3A_621 = tpu.memref_squeeze %dma_start3A_620 : memref<1x128xf32, #tpu.memory_space<vmem>> -> memref<128xf32, #tpu.memory_space<vmem>>
    %dma_start3A_622 = arith.constant 0 : i32
    %dma_start3A_623 = tpu.memref_slice %arg5[%add3A_614, %dma_start3A_622] : memref<128x128xi32, #tpu.memory_space<vmem>> -> memref<1x128xi32, #tpu.memory_space<vmem>>
    %dma_start3A_624 = tpu.memref_squeeze %dma_start3A_623 : memref<1x128xi32, #tpu.memory_space<vmem>> -> memref<128xi32, #tpu.memory_space<vmem>>
    %dma_start3A_625 = arith.constant 0 : i32
    %dma_start3A_626 = tpu.memref_slice %arg3[%dma_start3A_625] : memref<32000000xf32, #tpu.memory_space<hbm>> -> memref<32000000xf32, #tpu.memory_space<hbm>>
    tpu.enqueue_indirect_dma source(%dma_start3A_626 : memref<32000000xf32, #tpu.memory_space<hbm>>) target(%dma_start3A_621 : memref<128xf32, #tpu.memory_space<vmem>>) offsets(%dma_start3A_624 : memref<128xi32, #tpu.memory_space<vmem>>) semaphore(%arg7 : memref<!tpu.dma_semaphore, #tpu.memory_space<semaphore_mem>>)
    %mul3A_627 = arith.constant 128 : i32
    %mul3A_628 = arith.muli %scan3A_3, %mul3A_627 : i32
    %add3A_629 = arith.constant 39 : i32
    %add3A_630 = arith.addi %mul3A_628, %add3A_629 : i32
    %mul3A_631 = arith.constant 128 : i32
    %mul3A_632 = arith.muli %scan3A_3, %mul3A_631 : i32
    %add3A_633 = arith.constant 39 : i32
    %add3A_634 = arith.addi %mul3A_632, %add3A_633 : i32
    %dma_start3A_635 = arith.constant 0 : i32
    %dma_start3A_636 = tpu.memref_slice %arg6[%add3A_634, %dma_start3A_635] : memref<128x128xf32, #tpu.memory_space<vmem>> -> memref<1x128xf32, #tpu.memory_space<vmem>>
    %dma_start3A_637 = tpu.memref_squeeze %dma_start3A_636 : memref<1x128xf32, #tpu.memory_space<vmem>> -> memref<128xf32, #tpu.memory_space<vmem>>
    %dma_start3A_638 = arith.constant 0 : i32
    %dma_start3A_639 = tpu.memref_slice %arg5[%add3A_630, %dma_start3A_638] : memref<128x128xi32, #tpu.memory_space<vmem>> -> memref<1x128xi32, #tpu.memory_space<vmem>>
    %dma_start3A_640 = tpu.memref_squeeze %dma_start3A_639 : memref<1x128xi32, #tpu.memory_space<vmem>> -> memref<128xi32, #tpu.memory_space<vmem>>
    %dma_start3A_641 = arith.constant 0 : i32
    %dma_start3A_642 = tpu.memref_slice %arg3[%dma_start3A_641] : memref<32000000xf32, #tpu.memory_space<hbm>> -> memref<32000000xf32, #tpu.memory_space<hbm>>
    tpu.enqueue_indirect_dma source(%dma_start3A_642 : memref<32000000xf32, #tpu.memory_space<hbm>>) target(%dma_start3A_637 : memref<128xf32, #tpu.memory_space<vmem>>) offsets(%dma_start3A_640 : memref<128xi32, #tpu.memory_space<vmem>>) semaphore(%arg7 : memref<!tpu.dma_semaphore, #tpu.memory_space<semaphore_mem>>)
    %mul3A_643 = arith.constant 128 : i32
    %mul3A_644 = arith.muli %scan3A_3, %mul3A_643 : i32
    %add3A_645 = arith.constant 40 : i32
    %add3A_646 = arith.addi %mul3A_644, %add3A_645 : i32
    %mul3A_647 = arith.constant 128 : i32
    %mul3A_648 = arith.muli %scan3A_3, %mul3A_647 : i32
    %add3A_649 = arith.constant 40 : i32
    %add3A_650 = arith.addi %mul3A_648, %add3A_649 : i32
    %dma_start3A_651 = arith.constant 0 : i32
    %dma_start3A_652 = tpu.memref_slice %arg6[%add3A_650, %dma_start3A_651] : memref<128x128xf32, #tpu.memory_space<vmem>> -> memref<1x128xf32, #tpu.memory_space<vmem>>
    %dma_start3A_653 = tpu.memref_squeeze %dma_start3A_652 : memref<1x128xf32, #tpu.memory_space<vmem>> -> memref<128xf32, #tpu.memory_space<vmem>>
    %dma_start3A_654 = arith.constant 0 : i32
    %dma_start3A_655 = tpu.memref_slice %arg5[%add3A_646, %dma_start3A_654] : memref<128x128xi32, #tpu.memory_space<vmem>> -> memref<1x128xi32, #tpu.memory_space<vmem>>
    %dma_start3A_656 = tpu.memref_squeeze %dma_start3A_655 : memref<1x128xi32, #tpu.memory_space<vmem>> -> memref<128xi32, #tpu.memory_space<vmem>>
    %dma_start3A_657 = arith.constant 0 : i32
    %dma_start3A_658 = tpu.memref_slice %arg3[%dma_start3A_657] : memref<32000000xf32, #tpu.memory_space<hbm>> -> memref<32000000xf32, #tpu.memory_space<hbm>>
    tpu.enqueue_indirect_dma source(%dma_start3A_658 : memref<32000000xf32, #tpu.memory_space<hbm>>) target(%dma_start3A_653 : memref<128xf32, #tpu.memory_space<vmem>>) offsets(%dma_start3A_656 : memref<128xi32, #tpu.memory_space<vmem>>) semaphore(%arg7 : memref<!tpu.dma_semaphore, #tpu.memory_space<semaphore_mem>>)
    %mul3A_659 = arith.constant 128 : i32
    %mul3A_660 = arith.muli %scan3A_3, %mul3A_659 : i32
    %add3A_661 = arith.constant 41 : i32
    %add3A_662 = arith.addi %mul3A_660, %add3A_661 : i32
    %mul3A_663 = arith.constant 128 : i32
    %mul3A_664 = arith.muli %scan3A_3, %mul3A_663 : i32
    %add3A_665 = arith.constant 41 : i32
    %add3A_666 = arith.addi %mul3A_664, %add3A_665 : i32
    %dma_start3A_667 = arith.constant 0 : i32
    %dma_start3A_668 = tpu.memref_slice %arg6[%add3A_666, %dma_start3A_667] : memref<128x128xf32, #tpu.memory_space<vmem>> -> memref<1x128xf32, #tpu.memory_space<vmem>>
    %dma_start3A_669 = tpu.memref_squeeze %dma_start3A_668 : memref<1x128xf32, #tpu.memory_space<vmem>> -> memref<128xf32, #tpu.memory_space<vmem>>
    %dma_start3A_670 = arith.constant 0 : i32
    %dma_start3A_671 = tpu.memref_slice %arg5[%add3A_662, %dma_start3A_670] : memref<128x128xi32, #tpu.memory_space<vmem>> -> memref<1x128xi32, #tpu.memory_space<vmem>>
    %dma_start3A_672 = tpu.memref_squeeze %dma_start3A_671 : memref<1x128xi32, #tpu.memory_space<vmem>> -> memref<128xi32, #tpu.memory_space<vmem>>
    %dma_start3A_673 = arith.constant 0 : i32
    %dma_start3A_674 = tpu.memref_slice %arg3[%dma_start3A_673] : memref<32000000xf32, #tpu.memory_space<hbm>> -> memref<32000000xf32, #tpu.memory_space<hbm>>
    tpu.enqueue_indirect_dma source(%dma_start3A_674 : memref<32000000xf32, #tpu.memory_space<hbm>>) target(%dma_start3A_669 : memref<128xf32, #tpu.memory_space<vmem>>) offsets(%dma_start3A_672 : memref<128xi32, #tpu.memory_space<vmem>>) semaphore(%arg7 : memref<!tpu.dma_semaphore, #tpu.memory_space<semaphore_mem>>)
    %mul3A_675 = arith.constant 128 : i32
    %mul3A_676 = arith.muli %scan3A_3, %mul3A_675 : i32
    %add3A_677 = arith.constant 42 : i32
    %add3A_678 = arith.addi %mul3A_676, %add3A_677 : i32
    %mul3A_679 = arith.constant 128 : i32
    %mul3A_680 = arith.muli %scan3A_3, %mul3A_679 : i32
    %add3A_681 = arith.constant 42 : i32
    %add3A_682 = arith.addi %mul3A_680, %add3A_681 : i32
    %dma_start3A_683 = arith.constant 0 : i32
    %dma_start3A_684 = tpu.memref_slice %arg6[%add3A_682, %dma_start3A_683] : memref<128x128xf32, #tpu.memory_space<vmem>> -> memref<1x128xf32, #tpu.memory_space<vmem>>
    %dma_start3A_685 = tpu.memref_squeeze %dma_start3A_684 : memref<1x128xf32, #tpu.memory_space<vmem>> -> memref<128xf32, #tpu.memory_space<vmem>>
    %dma_start3A_686 = arith.constant 0 : i32
    %dma_start3A_687 = tpu.memref_slice %arg5[%add3A_678, %dma_start3A_686] : memref<128x128xi32, #tpu.memory_space<vmem>> -> memref<1x128xi32, #tpu.memory_space<vmem>>
    %dma_start3A_688 = tpu.memref_squeeze %dma_start3A_687 : memref<1x128xi32, #tpu.memory_space<vmem>> -> memref<128xi32, #tpu.memory_space<vmem>>
    %dma_start3A_689 = arith.constant 0 : i32
    %dma_start3A_690 = tpu.memref_slice %arg3[%dma_start3A_689] : memref<32000000xf32, #tpu.memory_space<hbm>> -> memref<32000000xf32, #tpu.memory_space<hbm>>
    tpu.enqueue_indirect_dma source(%dma_start3A_690 : memref<32000000xf32, #tpu.memory_space<hbm>>) target(%dma_start3A_685 : memref<128xf32, #tpu.memory_space<vmem>>) offsets(%dma_start3A_688 : memref<128xi32, #tpu.memory_space<vmem>>) semaphore(%arg7 : memref<!tpu.dma_semaphore, #tpu.memory_space<semaphore_mem>>)
    %mul3A_691 = arith.constant 128 : i32
    %mul3A_692 = arith.muli %scan3A_3, %mul3A_691 : i32
    %add3A_693 = arith.constant 43 : i32
    %add3A_694 = arith.addi %mul3A_692, %add3A_693 : i32
    %mul3A_695 = arith.constant 128 : i32
    %mul3A_696 = arith.muli %scan3A_3, %mul3A_695 : i32
    %add3A_697 = arith.constant 43 : i32
    %add3A_698 = arith.addi %mul3A_696, %add3A_697 : i32
    %dma_start3A_699 = arith.constant 0 : i32
    %dma_start3A_700 = tpu.memref_slice %arg6[%add3A_698, %dma_start3A_699] : memref<128x128xf32, #tpu.memory_space<vmem>> -> memref<1x128xf32, #tpu.memory_space<vmem>>
    %dma_start3A_701 = tpu.memref_squeeze %dma_start3A_700 : memref<1x128xf32, #tpu.memory_space<vmem>> -> memref<128xf32, #tpu.memory_space<vmem>>
    %dma_start3A_702 = arith.constant 0 : i32
    %dma_start3A_703 = tpu.memref_slice %arg5[%add3A_694, %dma_start3A_702] : memref<128x128xi32, #tpu.memory_space<vmem>> -> memref<1x128xi32, #tpu.memory_space<vmem>>
    %dma_start3A_704 = tpu.memref_squeeze %dma_start3A_703 : memref<1x128xi32, #tpu.memory_space<vmem>> -> memref<128xi32, #tpu.memory_space<vmem>>
    %dma_start3A_705 = arith.constant 0 : i32
    %dma_start3A_706 = tpu.memref_slice %arg3[%dma_start3A_705] : memref<32000000xf32, #tpu.memory_space<hbm>> -> memref<32000000xf32, #tpu.memory_space<hbm>>
    tpu.enqueue_indirect_dma source(%dma_start3A_706 : memref<32000000xf32, #tpu.memory_space<hbm>>) target(%dma_start3A_701 : memref<128xf32, #tpu.memory_space<vmem>>) offsets(%dma_start3A_704 : memref<128xi32, #tpu.memory_space<vmem>>) semaphore(%arg7 : memref<!tpu.dma_semaphore, #tpu.memory_space<semaphore_mem>>)
    %mul3A_707 = arith.constant 128 : i32
    %mul3A_708 = arith.muli %scan3A_3, %mul3A_707 : i32
    %add3A_709 = arith.constant 44 : i32
    %add3A_710 = arith.addi %mul3A_708, %add3A_709 : i32
    %mul3A_711 = arith.constant 128 : i32
    %mul3A_712 = arith.muli %scan3A_3, %mul3A_711 : i32
    %add3A_713 = arith.constant 44 : i32
    %add3A_714 = arith.addi %mul3A_712, %add3A_713 : i32
    %dma_start3A_715 = arith.constant 0 : i32
    %dma_start3A_716 = tpu.memref_slice %arg6[%add3A_714, %dma_start3A_715] : memref<128x128xf32, #tpu.memory_space<vmem>> -> memref<1x128xf32, #tpu.memory_space<vmem>>
    %dma_start3A_717 = tpu.memref_squeeze %dma_start3A_716 : memref<1x128xf32, #tpu.memory_space<vmem>> -> memref<128xf32, #tpu.memory_space<vmem>>
    %dma_start3A_718 = arith.constant 0 : i32
    %dma_start3A_719 = tpu.memref_slice %arg5[%add3A_710, %dma_start3A_718] : memref<128x128xi32, #tpu.memory_space<vmem>> -> memref<1x128xi32, #tpu.memory_space<vmem>>
    %dma_start3A_720 = tpu.memref_squeeze %dma_start3A_719 : memref<1x128xi32, #tpu.memory_space<vmem>> -> memref<128xi32, #tpu.memory_space<vmem>>
    %dma_start3A_721 = arith.constant 0 : i32
    %dma_start3A_722 = tpu.memref_slice %arg3[%dma_start3A_721] : memref<32000000xf32, #tpu.memory_space<hbm>> -> memref<32000000xf32, #tpu.memory_space<hbm>>
    tpu.enqueue_indirect_dma source(%dma_start3A_722 : memref<32000000xf32, #tpu.memory_space<hbm>>) target(%dma_start3A_717 : memref<128xf32, #tpu.memory_space<vmem>>) offsets(%dma_start3A_720 : memref<128xi32, #tpu.memory_space<vmem>>) semaphore(%arg7 : memref<!tpu.dma_semaphore, #tpu.memory_space<semaphore_mem>>)
    %mul3A_723 = arith.constant 128 : i32
    %mul3A_724 = arith.muli %scan3A_3, %mul3A_723 : i32
    %add3A_725 = arith.constant 45 : i32
    %add3A_726 = arith.addi %mul3A_724, %add3A_725 : i32
    %mul3A_727 = arith.constant 128 : i32
    %mul3A_728 = arith.muli %scan3A_3, %mul3A_727 : i32
    %add3A_729 = arith.constant 45 : i32
    %add3A_730 = arith.addi %mul3A_728, %add3A_729 : i32
    %dma_start3A_731 = arith.constant 0 : i32
    %dma_start3A_732 = tpu.memref_slice %arg6[%add3A_730, %dma_start3A_731] : memref<128x128xf32, #tpu.memory_space<vmem>> -> memref<1x128xf32, #tpu.memory_space<vmem>>
    %dma_start3A_733 = tpu.memref_squeeze %dma_start3A_732 : memref<1x128xf32, #tpu.memory_space<vmem>> -> memref<128xf32, #tpu.memory_space<vmem>>
    %dma_start3A_734 = arith.constant 0 : i32
    %dma_start3A_735 = tpu.memref_slice %arg5[%add3A_726, %dma_start3A_734] : memref<128x128xi32, #tpu.memory_space<vmem>> -> memref<1x128xi32, #tpu.memory_space<vmem>>
    %dma_start3A_736 = tpu.memref_squeeze %dma_start3A_735 : memref<1x128xi32, #tpu.memory_space<vmem>> -> memref<128xi32, #tpu.memory_space<vmem>>
    %dma_start3A_737 = arith.constant 0 : i32
    %dma_start3A_738 = tpu.memref_slice %arg3[%dma_start3A_737] : memref<32000000xf32, #tpu.memory_space<hbm>> -> memref<32000000xf32, #tpu.memory_space<hbm>>
    tpu.enqueue_indirect_dma source(%dma_start3A_738 : memref<32000000xf32, #tpu.memory_space<hbm>>) target(%dma_start3A_733 : memref<128xf32, #tpu.memory_space<vmem>>) offsets(%dma_start3A_736 : memref<128xi32, #tpu.memory_space<vmem>>) semaphore(%arg7 : memref<!tpu.dma_semaphore, #tpu.memory_space<semaphore_mem>>)
    %mul3A_739 = arith.constant 128 : i32
    %mul3A_740 = arith.muli %scan3A_3, %mul3A_739 : i32
    %add3A_741 = arith.constant 46 : i32
    %add3A_742 = arith.addi %mul3A_740, %add3A_741 : i32
    %mul3A_743 = arith.constant 128 : i32
    %mul3A_744 = arith.muli %scan3A_3, %mul3A_743 : i32
    %add3A_745 = arith.constant 46 : i32
    %add3A_746 = arith.addi %mul3A_744, %add3A_745 : i32
    %dma_start3A_747 = arith.constant 0 : i32
    %dma_start3A_748 = tpu.memref_slice %arg6[%add3A_746, %dma_start3A_747] : memref<128x128xf32, #tpu.memory_space<vmem>> -> memref<1x128xf32, #tpu.memory_space<vmem>>
    %dma_start3A_749 = tpu.memref_squeeze %dma_start3A_748 : memref<1x128xf32, #tpu.memory_space<vmem>> -> memref<128xf32, #tpu.memory_space<vmem>>
    %dma_start3A_750 = arith.constant 0 : i32
    %dma_start3A_751 = tpu.memref_slice %arg5[%add3A_742, %dma_start3A_750] : memref<128x128xi32, #tpu.memory_space<vmem>> -> memref<1x128xi32, #tpu.memory_space<vmem>>
    %dma_start3A_752 = tpu.memref_squeeze %dma_start3A_751 : memref<1x128xi32, #tpu.memory_space<vmem>> -> memref<128xi32, #tpu.memory_space<vmem>>
    %dma_start3A_753 = arith.constant 0 : i32
    %dma_start3A_754 = tpu.memref_slice %arg3[%dma_start3A_753] : memref<32000000xf32, #tpu.memory_space<hbm>> -> memref<32000000xf32, #tpu.memory_space<hbm>>
    tpu.enqueue_indirect_dma source(%dma_start3A_754 : memref<32000000xf32, #tpu.memory_space<hbm>>) target(%dma_start3A_749 : memref<128xf32, #tpu.memory_space<vmem>>) offsets(%dma_start3A_752 : memref<128xi32, #tpu.memory_space<vmem>>) semaphore(%arg7 : memref<!tpu.dma_semaphore, #tpu.memory_space<semaphore_mem>>)
    %mul3A_755 = arith.constant 128 : i32
    %mul3A_756 = arith.muli %scan3A_3, %mul3A_755 : i32
    %add3A_757 = arith.constant 47 : i32
    %add3A_758 = arith.addi %mul3A_756, %add3A_757 : i32
    %mul3A_759 = arith.constant 128 : i32
    %mul3A_760 = arith.muli %scan3A_3, %mul3A_759 : i32
    %add3A_761 = arith.constant 47 : i32
    %add3A_762 = arith.addi %mul3A_760, %add3A_761 : i32
    %dma_start3A_763 = arith.constant 0 : i32
    %dma_start3A_764 = tpu.memref_slice %arg6[%add3A_762, %dma_start3A_763] : memref<128x128xf32, #tpu.memory_space<vmem>> -> memref<1x128xf32, #tpu.memory_space<vmem>>
    %dma_start3A_765 = tpu.memref_squeeze %dma_start3A_764 : memref<1x128xf32, #tpu.memory_space<vmem>> -> memref<128xf32, #tpu.memory_space<vmem>>
    %dma_start3A_766 = arith.constant 0 : i32
    %dma_start3A_767 = tpu.memref_slice %arg5[%add3A_758, %dma_start3A_766] : memref<128x128xi32, #tpu.memory_space<vmem>> -> memref<1x128xi32, #tpu.memory_space<vmem>>
    %dma_start3A_768 = tpu.memref_squeeze %dma_start3A_767 : memref<1x128xi32, #tpu.memory_space<vmem>> -> memref<128xi32, #tpu.memory_space<vmem>>
    %dma_start3A_769 = arith.constant 0 : i32
    %dma_start3A_770 = tpu.memref_slice %arg3[%dma_start3A_769] : memref<32000000xf32, #tpu.memory_space<hbm>> -> memref<32000000xf32, #tpu.memory_space<hbm>>
    tpu.enqueue_indirect_dma source(%dma_start3A_770 : memref<32000000xf32, #tpu.memory_space<hbm>>) target(%dma_start3A_765 : memref<128xf32, #tpu.memory_space<vmem>>) offsets(%dma_start3A_768 : memref<128xi32, #tpu.memory_space<vmem>>) semaphore(%arg7 : memref<!tpu.dma_semaphore, #tpu.memory_space<semaphore_mem>>)
    %mul3A_771 = arith.constant 128 : i32
    %mul3A_772 = arith.muli %scan3A_3, %mul3A_771 : i32
    %add3A_773 = arith.constant 48 : i32
    %add3A_774 = arith.addi %mul3A_772, %add3A_773 : i32
    %mul3A_775 = arith.constant 128 : i32
    %mul3A_776 = arith.muli %scan3A_3, %mul3A_775 : i32
    %add3A_777 = arith.constant 48 : i32
    %add3A_778 = arith.addi %mul3A_776, %add3A_777 : i32
    %dma_start3A_779 = arith.constant 0 : i32
    %dma_start3A_780 = tpu.memref_slice %arg6[%add3A_778, %dma_start3A_779] : memref<128x128xf32, #tpu.memory_space<vmem>> -> memref<1x128xf32, #tpu.memory_space<vmem>>
    %dma_start3A_781 = tpu.memref_squeeze %dma_start3A_780 : memref<1x128xf32, #tpu.memory_space<vmem>> -> memref<128xf32, #tpu.memory_space<vmem>>
    %dma_start3A_782 = arith.constant 0 : i32
    %dma_start3A_783 = tpu.memref_slice %arg5[%add3A_774, %dma_start3A_782] : memref<128x128xi32, #tpu.memory_space<vmem>> -> memref<1x128xi32, #tpu.memory_space<vmem>>
    %dma_start3A_784 = tpu.memref_squeeze %dma_start3A_783 : memref<1x128xi32, #tpu.memory_space<vmem>> -> memref<128xi32, #tpu.memory_space<vmem>>
    %dma_start3A_785 = arith.constant 0 : i32
    %dma_start3A_786 = tpu.memref_slice %arg3[%dma_start3A_785] : memref<32000000xf32, #tpu.memory_space<hbm>> -> memref<32000000xf32, #tpu.memory_space<hbm>>
    tpu.enqueue_indirect_dma source(%dma_start3A_786 : memref<32000000xf32, #tpu.memory_space<hbm>>) target(%dma_start3A_781 : memref<128xf32, #tpu.memory_space<vmem>>) offsets(%dma_start3A_784 : memref<128xi32, #tpu.memory_space<vmem>>) semaphore(%arg7 : memref<!tpu.dma_semaphore, #tpu.memory_space<semaphore_mem>>)
    %mul3A_787 = arith.constant 128 : i32
    %mul3A_788 = arith.muli %scan3A_3, %mul3A_787 : i32
    %add3A_789 = arith.constant 49 : i32
    %add3A_790 = arith.addi %mul3A_788, %add3A_789 : i32
    %mul3A_791 = arith.constant 128 : i32
    %mul3A_792 = arith.muli %scan3A_3, %mul3A_791 : i32
    %add3A_793 = arith.constant 49 : i32
    %add3A_794 = arith.addi %mul3A_792, %add3A_793 : i32
    %dma_start3A_795 = arith.constant 0 : i32
    %dma_start3A_796 = tpu.memref_slice %arg6[%add3A_794, %dma_start3A_795] : memref<128x128xf32, #tpu.memory_space<vmem>> -> memref<1x128xf32, #tpu.memory_space<vmem>>
    %dma_start3A_797 = tpu.memref_squeeze %dma_start3A_796 : memref<1x128xf32, #tpu.memory_space<vmem>> -> memref<128xf32, #tpu.memory_space<vmem>>
    %dma_start3A_798 = arith.constant 0 : i32
    %dma_start3A_799 = tpu.memref_slice %arg5[%add3A_790, %dma_start3A_798] : memref<128x128xi32, #tpu.memory_space<vmem>> -> memref<1x128xi32, #tpu.memory_space<vmem>>
    %dma_start3A_800 = tpu.memref_squeeze %dma_start3A_799 : memref<1x128xi32, #tpu.memory_space<vmem>> -> memref<128xi32, #tpu.memory_space<vmem>>
    %dma_start3A_801 = arith.constant 0 : i32
    %dma_start3A_802 = tpu.memref_slice %arg3[%dma_start3A_801] : memref<32000000xf32, #tpu.memory_space<hbm>> -> memref<32000000xf32, #tpu.memory_space<hbm>>
    tpu.enqueue_indirect_dma source(%dma_start3A_802 : memref<32000000xf32, #tpu.memory_space<hbm>>) target(%dma_start3A_797 : memref<128xf32, #tpu.memory_space<vmem>>) offsets(%dma_start3A_800 : memref<128xi32, #tpu.memory_space<vmem>>) semaphore(%arg7 : memref<!tpu.dma_semaphore, #tpu.memory_space<semaphore_mem>>)
    %mul3A_803 = arith.constant 128 : i32
    %mul3A_804 = arith.muli %scan3A_3, %mul3A_803 : i32
    %add3A_805 = arith.constant 50 : i32
    %add3A_806 = arith.addi %mul3A_804, %add3A_805 : i32
    %mul3A_807 = arith.constant 128 : i32
    %mul3A_808 = arith.muli %scan3A_3, %mul3A_807 : i32
    %add3A_809 = arith.constant 50 : i32
    %add3A_810 = arith.addi %mul3A_808, %add3A_809 : i32
    %dma_start3A_811 = arith.constant 0 : i32
    %dma_start3A_812 = tpu.memref_slice %arg6[%add3A_810, %dma_start3A_811] : memref<128x128xf32, #tpu.memory_space<vmem>> -> memref<1x128xf32, #tpu.memory_space<vmem>>
    %dma_start3A_813 = tpu.memref_squeeze %dma_start3A_812 : memref<1x128xf32, #tpu.memory_space<vmem>> -> memref<128xf32, #tpu.memory_space<vmem>>
    %dma_start3A_814 = arith.constant 0 : i32
    %dma_start3A_815 = tpu.memref_slice %arg5[%add3A_806, %dma_start3A_814] : memref<128x128xi32, #tpu.memory_space<vmem>> -> memref<1x128xi32, #tpu.memory_space<vmem>>
    %dma_start3A_816 = tpu.memref_squeeze %dma_start3A_815 : memref<1x128xi32, #tpu.memory_space<vmem>> -> memref<128xi32, #tpu.memory_space<vmem>>
    %dma_start3A_817 = arith.constant 0 : i32
    %dma_start3A_818 = tpu.memref_slice %arg3[%dma_start3A_817] : memref<32000000xf32, #tpu.memory_space<hbm>> -> memref<32000000xf32, #tpu.memory_space<hbm>>
    tpu.enqueue_indirect_dma source(%dma_start3A_818 : memref<32000000xf32, #tpu.memory_space<hbm>>) target(%dma_start3A_813 : memref<128xf32, #tpu.memory_space<vmem>>) offsets(%dma_start3A_816 : memref<128xi32, #tpu.memory_space<vmem>>) semaphore(%arg7 : memref<!tpu.dma_semaphore, #tpu.memory_space<semaphore_mem>>)
    %mul3A_819 = arith.constant 128 : i32
    %mul3A_820 = arith.muli %scan3A_3, %mul3A_819 : i32
    %add3A_821 = arith.constant 51 : i32
    %add3A_822 = arith.addi %mul3A_820, %add3A_821 : i32
    %mul3A_823 = arith.constant 128 : i32
    %mul3A_824 = arith.muli %scan3A_3, %mul3A_823 : i32
    %add3A_825 = arith.constant 51 : i32
    %add3A_826 = arith.addi %mul3A_824, %add3A_825 : i32
    %dma_start3A_827 = arith.constant 0 : i32
    %dma_start3A_828 = tpu.memref_slice %arg6[%add3A_826, %dma_start3A_827] : memref<128x128xf32, #tpu.memory_space<vmem>> -> memref<1x128xf32, #tpu.memory_space<vmem>>
    %dma_start3A_829 = tpu.memref_squeeze %dma_start3A_828 : memref<1x128xf32, #tpu.memory_space<vmem>> -> memref<128xf32, #tpu.memory_space<vmem>>
    %dma_start3A_830 = arith.constant 0 : i32
    %dma_start3A_831 = tpu.memref_slice %arg5[%add3A_822, %dma_start3A_830] : memref<128x128xi32, #tpu.memory_space<vmem>> -> memref<1x128xi32, #tpu.memory_space<vmem>>
    %dma_start3A_832 = tpu.memref_squeeze %dma_start3A_831 : memref<1x128xi32, #tpu.memory_space<vmem>> -> memref<128xi32, #tpu.memory_space<vmem>>
    %dma_start3A_833 = arith.constant 0 : i32
    %dma_start3A_834 = tpu.memref_slice %arg3[%dma_start3A_833] : memref<32000000xf32, #tpu.memory_space<hbm>> -> memref<32000000xf32, #tpu.memory_space<hbm>>
    tpu.enqueue_indirect_dma source(%dma_start3A_834 : memref<32000000xf32, #tpu.memory_space<hbm>>) target(%dma_start3A_829 : memref<128xf32, #tpu.memory_space<vmem>>) offsets(%dma_start3A_832 : memref<128xi32, #tpu.memory_space<vmem>>) semaphore(%arg7 : memref<!tpu.dma_semaphore, #tpu.memory_space<semaphore_mem>>)
    %mul3A_835 = arith.constant 128 : i32
    %mul3A_836 = arith.muli %scan3A_3, %mul3A_835 : i32
    %add3A_837 = arith.constant 52 : i32
    %add3A_838 = arith.addi %mul3A_836, %add3A_837 : i32
    %mul3A_839 = arith.constant 128 : i32
    %mul3A_840 = arith.muli %scan3A_3, %mul3A_839 : i32
    %add3A_841 = arith.constant 52 : i32
    %add3A_842 = arith.addi %mul3A_840, %add3A_841 : i32
    %dma_start3A_843 = arith.constant 0 : i32
    %dma_start3A_844 = tpu.memref_slice %arg6[%add3A_842, %dma_start3A_843] : memref<128x128xf32, #tpu.memory_space<vmem>> -> memref<1x128xf32, #tpu.memory_space<vmem>>
    %dma_start3A_845 = tpu.memref_squeeze %dma_start3A_844 : memref<1x128xf32, #tpu.memory_space<vmem>> -> memref<128xf32, #tpu.memory_space<vmem>>
    %dma_start3A_846 = arith.constant 0 : i32
    %dma_start3A_847 = tpu.memref_slice %arg5[%add3A_838, %dma_start3A_846] : memref<128x128xi32, #tpu.memory_space<vmem>> -> memref<1x128xi32, #tpu.memory_space<vmem>>
    %dma_start3A_848 = tpu.memref_squeeze %dma_start3A_847 : memref<1x128xi32, #tpu.memory_space<vmem>> -> memref<128xi32, #tpu.memory_space<vmem>>
    %dma_start3A_849 = arith.constant 0 : i32
    %dma_start3A_850 = tpu.memref_slice %arg3[%dma_start3A_849] : memref<32000000xf32, #tpu.memory_space<hbm>> -> memref<32000000xf32, #tpu.memory_space<hbm>>
    tpu.enqueue_indirect_dma source(%dma_start3A_850 : memref<32000000xf32, #tpu.memory_space<hbm>>) target(%dma_start3A_845 : memref<128xf32, #tpu.memory_space<vmem>>) offsets(%dma_start3A_848 : memref<128xi32, #tpu.memory_space<vmem>>) semaphore(%arg7 : memref<!tpu.dma_semaphore, #tpu.memory_space<semaphore_mem>>)
    %mul3A_851 = arith.constant 128 : i32
    %mul3A_852 = arith.muli %scan3A_3, %mul3A_851 : i32
    %add3A_853 = arith.constant 53 : i32
    %add3A_854 = arith.addi %mul3A_852, %add3A_853 : i32
    %mul3A_855 = arith.constant 128 : i32
    %mul3A_856 = arith.muli %scan3A_3, %mul3A_855 : i32
    %add3A_857 = arith.constant 53 : i32
    %add3A_858 = arith.addi %mul3A_856, %add3A_857 : i32
    %dma_start3A_859 = arith.constant 0 : i32
    %dma_start3A_860 = tpu.memref_slice %arg6[%add3A_858, %dma_start3A_859] : memref<128x128xf32, #tpu.memory_space<vmem>> -> memref<1x128xf32, #tpu.memory_space<vmem>>
    %dma_start3A_861 = tpu.memref_squeeze %dma_start3A_860 : memref<1x128xf32, #tpu.memory_space<vmem>> -> memref<128xf32, #tpu.memory_space<vmem>>
    %dma_start3A_862 = arith.constant 0 : i32
    %dma_start3A_863 = tpu.memref_slice %arg5[%add3A_854, %dma_start3A_862] : memref<128x128xi32, #tpu.memory_space<vmem>> -> memref<1x128xi32, #tpu.memory_space<vmem>>
    %dma_start3A_864 = tpu.memref_squeeze %dma_start3A_863 : memref<1x128xi32, #tpu.memory_space<vmem>> -> memref<128xi32, #tpu.memory_space<vmem>>
    %dma_start3A_865 = arith.constant 0 : i32
    %dma_start3A_866 = tpu.memref_slice %arg3[%dma_start3A_865] : memref<32000000xf32, #tpu.memory_space<hbm>> -> memref<32000000xf32, #tpu.memory_space<hbm>>
    tpu.enqueue_indirect_dma source(%dma_start3A_866 : memref<32000000xf32, #tpu.memory_space<hbm>>) target(%dma_start3A_861 : memref<128xf32, #tpu.memory_space<vmem>>) offsets(%dma_start3A_864 : memref<128xi32, #tpu.memory_space<vmem>>) semaphore(%arg7 : memref<!tpu.dma_semaphore, #tpu.memory_space<semaphore_mem>>)
    %mul3A_867 = arith.constant 128 : i32
    %mul3A_868 = arith.muli %scan3A_3, %mul3A_867 : i32
    %add3A_869 = arith.constant 54 : i32
    %add3A_870 = arith.addi %mul3A_868, %add3A_869 : i32
    %mul3A_871 = arith.constant 128 : i32
    %mul3A_872 = arith.muli %scan3A_3, %mul3A_871 : i32
    %add3A_873 = arith.constant 54 : i32
    %add3A_874 = arith.addi %mul3A_872, %add3A_873 : i32
    %dma_start3A_875 = arith.constant 0 : i32
    %dma_start3A_876 = tpu.memref_slice %arg6[%add3A_874, %dma_start3A_875] : memref<128x128xf32, #tpu.memory_space<vmem>> -> memref<1x128xf32, #tpu.memory_space<vmem>>
    %dma_start3A_877 = tpu.memref_squeeze %dma_start3A_876 : memref<1x128xf32, #tpu.memory_space<vmem>> -> memref<128xf32, #tpu.memory_space<vmem>>
    %dma_start3A_878 = arith.constant 0 : i32
    %dma_start3A_879 = tpu.memref_slice %arg5[%add3A_870, %dma_start3A_878] : memref<128x128xi32, #tpu.memory_space<vmem>> -> memref<1x128xi32, #tpu.memory_space<vmem>>
    %dma_start3A_880 = tpu.memref_squeeze %dma_start3A_879 : memref<1x128xi32, #tpu.memory_space<vmem>> -> memref<128xi32, #tpu.memory_space<vmem>>
    %dma_start3A_881 = arith.constant 0 : i32
    %dma_start3A_882 = tpu.memref_slice %arg3[%dma_start3A_881] : memref<32000000xf32, #tpu.memory_space<hbm>> -> memref<32000000xf32, #tpu.memory_space<hbm>>
    tpu.enqueue_indirect_dma source(%dma_start3A_882 : memref<32000000xf32, #tpu.memory_space<hbm>>) target(%dma_start3A_877 : memref<128xf32, #tpu.memory_space<vmem>>) offsets(%dma_start3A_880 : memref<128xi32, #tpu.memory_space<vmem>>) semaphore(%arg7 : memref<!tpu.dma_semaphore, #tpu.memory_space<semaphore_mem>>)
    %mul3A_883 = arith.constant 128 : i32
    %mul3A_884 = arith.muli %scan3A_3, %mul3A_883 : i32
    %add3A_885 = arith.constant 55 : i32
    %add3A_886 = arith.addi %mul3A_884, %add3A_885 : i32
    %mul3A_887 = arith.constant 128 : i32
    %mul3A_888 = arith.muli %scan3A_3, %mul3A_887 : i32
    %add3A_889 = arith.constant 55 : i32
    %add3A_890 = arith.addi %mul3A_888, %add3A_889 : i32
    %dma_start3A_891 = arith.constant 0 : i32
    %dma_start3A_892 = tpu.memref_slice %arg6[%add3A_890, %dma_start3A_891] : memref<128x128xf32, #tpu.memory_space<vmem>> -> memref<1x128xf32, #tpu.memory_space<vmem>>
    %dma_start3A_893 = tpu.memref_squeeze %dma_start3A_892 : memref<1x128xf32, #tpu.memory_space<vmem>> -> memref<128xf32, #tpu.memory_space<vmem>>
    %dma_start3A_894 = arith.constant 0 : i32
    %dma_start3A_895 = tpu.memref_slice %arg5[%add3A_886, %dma_start3A_894] : memref<128x128xi32, #tpu.memory_space<vmem>> -> memref<1x128xi32, #tpu.memory_space<vmem>>
    %dma_start3A_896 = tpu.memref_squeeze %dma_start3A_895 : memref<1x128xi32, #tpu.memory_space<vmem>> -> memref<128xi32, #tpu.memory_space<vmem>>
    %dma_start3A_897 = arith.constant 0 : i32
    %dma_start3A_898 = tpu.memref_slice %arg3[%dma_start3A_897] : memref<32000000xf32, #tpu.memory_space<hbm>> -> memref<32000000xf32, #tpu.memory_space<hbm>>
    tpu.enqueue_indirect_dma source(%dma_start3A_898 : memref<32000000xf32, #tpu.memory_space<hbm>>) target(%dma_start3A_893 : memref<128xf32, #tpu.memory_space<vmem>>) offsets(%dma_start3A_896 : memref<128xi32, #tpu.memory_space<vmem>>) semaphore(%arg7 : memref<!tpu.dma_semaphore, #tpu.memory_space<semaphore_mem>>)
    %mul3A_899 = arith.constant 128 : i32
    %mul3A_900 = arith.muli %scan3A_3, %mul3A_899 : i32
    %add3A_901 = arith.constant 56 : i32
    %add3A_902 = arith.addi %mul3A_900, %add3A_901 : i32
    %mul3A_903 = arith.constant 128 : i32
    %mul3A_904 = arith.muli %scan3A_3, %mul3A_903 : i32
    %add3A_905 = arith.constant 56 : i32
    %add3A_906 = arith.addi %mul3A_904, %add3A_905 : i32
    %dma_start3A_907 = arith.constant 0 : i32
    %dma_start3A_908 = tpu.memref_slice %arg6[%add3A_906, %dma_start3A_907] : memref<128x128xf32, #tpu.memory_space<vmem>> -> memref<1x128xf32, #tpu.memory_space<vmem>>
    %dma_start3A_909 = tpu.memref_squeeze %dma_start3A_908 : memref<1x128xf32, #tpu.memory_space<vmem>> -> memref<128xf32, #tpu.memory_space<vmem>>
    %dma_start3A_910 = arith.constant 0 : i32
    %dma_start3A_911 = tpu.memref_slice %arg5[%add3A_902, %dma_start3A_910] : memref<128x128xi32, #tpu.memory_space<vmem>> -> memref<1x128xi32, #tpu.memory_space<vmem>>
    %dma_start3A_912 = tpu.memref_squeeze %dma_start3A_911 : memref<1x128xi32, #tpu.memory_space<vmem>> -> memref<128xi32, #tpu.memory_space<vmem>>
    %dma_start3A_913 = arith.constant 0 : i32
    %dma_start3A_914 = tpu.memref_slice %arg3[%dma_start3A_913] : memref<32000000xf32, #tpu.memory_space<hbm>> -> memref<32000000xf32, #tpu.memory_space<hbm>>
    tpu.enqueue_indirect_dma source(%dma_start3A_914 : memref<32000000xf32, #tpu.memory_space<hbm>>) target(%dma_start3A_909 : memref<128xf32, #tpu.memory_space<vmem>>) offsets(%dma_start3A_912 : memref<128xi32, #tpu.memory_space<vmem>>) semaphore(%arg7 : memref<!tpu.dma_semaphore, #tpu.memory_space<semaphore_mem>>)
    %mul3A_915 = arith.constant 128 : i32
    %mul3A_916 = arith.muli %scan3A_3, %mul3A_915 : i32
    %add3A_917 = arith.constant 57 : i32
    %add3A_918 = arith.addi %mul3A_916, %add3A_917 : i32
    %mul3A_919 = arith.constant 128 : i32
    %mul3A_920 = arith.muli %scan3A_3, %mul3A_919 : i32
    %add3A_921 = arith.constant 57 : i32
    %add3A_922 = arith.addi %mul3A_920, %add3A_921 : i32
    %dma_start3A_923 = arith.constant 0 : i32
    %dma_start3A_924 = tpu.memref_slice %arg6[%add3A_922, %dma_start3A_923] : memref<128x128xf32, #tpu.memory_space<vmem>> -> memref<1x128xf32, #tpu.memory_space<vmem>>
    %dma_start3A_925 = tpu.memref_squeeze %dma_start3A_924 : memref<1x128xf32, #tpu.memory_space<vmem>> -> memref<128xf32, #tpu.memory_space<vmem>>
    %dma_start3A_926 = arith.constant 0 : i32
    %dma_start3A_927 = tpu.memref_slice %arg5[%add3A_918, %dma_start3A_926] : memref<128x128xi32, #tpu.memory_space<vmem>> -> memref<1x128xi32, #tpu.memory_space<vmem>>
    %dma_start3A_928 = tpu.memref_squeeze %dma_start3A_927 : memref<1x128xi32, #tpu.memory_space<vmem>> -> memref<128xi32, #tpu.memory_space<vmem>>
    %dma_start3A_929 = arith.constant 0 : i32
    %dma_start3A_930 = tpu.memref_slice %arg3[%dma_start3A_929] : memref<32000000xf32, #tpu.memory_space<hbm>> -> memref<32000000xf32, #tpu.memory_space<hbm>>
    tpu.enqueue_indirect_dma source(%dma_start3A_930 : memref<32000000xf32, #tpu.memory_space<hbm>>) target(%dma_start3A_925 : memref<128xf32, #tpu.memory_space<vmem>>) offsets(%dma_start3A_928 : memref<128xi32, #tpu.memory_space<vmem>>) semaphore(%arg7 : memref<!tpu.dma_semaphore, #tpu.memory_space<semaphore_mem>>)
    %mul3A_931 = arith.constant 128 : i32
    %mul3A_932 = arith.muli %scan3A_3, %mul3A_931 : i32
    %add3A_933 = arith.constant 58 : i32
    %add3A_934 = arith.addi %mul3A_932, %add3A_933 : i32
    %mul3A_935 = arith.constant 128 : i32
    %mul3A_936 = arith.muli %scan3A_3, %mul3A_935 : i32
    %add3A_937 = arith.constant 58 : i32
    %add3A_938 = arith.addi %mul3A_936, %add3A_937 : i32
    %dma_start3A_939 = arith.constant 0 : i32
    %dma_start3A_940 = tpu.memref_slice %arg6[%add3A_938, %dma_start3A_939] : memref<128x128xf32, #tpu.memory_space<vmem>> -> memref<1x128xf32, #tpu.memory_space<vmem>>
    %dma_start3A_941 = tpu.memref_squeeze %dma_start3A_940 : memref<1x128xf32, #tpu.memory_space<vmem>> -> memref<128xf32, #tpu.memory_space<vmem>>
    %dma_start3A_942 = arith.constant 0 : i32
    %dma_start3A_943 = tpu.memref_slice %arg5[%add3A_934, %dma_start3A_942] : memref<128x128xi32, #tpu.memory_space<vmem>> -> memref<1x128xi32, #tpu.memory_space<vmem>>
    %dma_start3A_944 = tpu.memref_squeeze %dma_start3A_943 : memref<1x128xi32, #tpu.memory_space<vmem>> -> memref<128xi32, #tpu.memory_space<vmem>>
    %dma_start3A_945 = arith.constant 0 : i32
    %dma_start3A_946 = tpu.memref_slice %arg3[%dma_start3A_945] : memref<32000000xf32, #tpu.memory_space<hbm>> -> memref<32000000xf32, #tpu.memory_space<hbm>>
    tpu.enqueue_indirect_dma source(%dma_start3A_946 : memref<32000000xf32, #tpu.memory_space<hbm>>) target(%dma_start3A_941 : memref<128xf32, #tpu.memory_space<vmem>>) offsets(%dma_start3A_944 : memref<128xi32, #tpu.memory_space<vmem>>) semaphore(%arg7 : memref<!tpu.dma_semaphore, #tpu.memory_space<semaphore_mem>>)
    %mul3A_947 = arith.constant 128 : i32
    %mul3A_948 = arith.muli %scan3A_3, %mul3A_947 : i32
    %add3A_949 = arith.constant 59 : i32
    %add3A_950 = arith.addi %mul3A_948, %add3A_949 : i32
    %mul3A_951 = arith.constant 128 : i32
    %mul3A_952 = arith.muli %scan3A_3, %mul3A_951 : i32
    %add3A_953 = arith.constant 59 : i32
    %add3A_954 = arith.addi %mul3A_952, %add3A_953 : i32
    %dma_start3A_955 = arith.constant 0 : i32
    %dma_start3A_956 = tpu.memref_slice %arg6[%add3A_954, %dma_start3A_955] : memref<128x128xf32, #tpu.memory_space<vmem>> -> memref<1x128xf32, #tpu.memory_space<vmem>>
    %dma_start3A_957 = tpu.memref_squeeze %dma_start3A_956 : memref<1x128xf32, #tpu.memory_space<vmem>> -> memref<128xf32, #tpu.memory_space<vmem>>
    %dma_start3A_958 = arith.constant 0 : i32
    %dma_start3A_959 = tpu.memref_slice %arg5[%add3A_950, %dma_start3A_958] : memref<128x128xi32, #tpu.memory_space<vmem>> -> memref<1x128xi32, #tpu.memory_space<vmem>>
    %dma_start3A_960 = tpu.memref_squeeze %dma_start3A_959 : memref<1x128xi32, #tpu.memory_space<vmem>> -> memref<128xi32, #tpu.memory_space<vmem>>
    %dma_start3A_961 = arith.constant 0 : i32
    %dma_start3A_962 = tpu.memref_slice %arg3[%dma_start3A_961] : memref<32000000xf32, #tpu.memory_space<hbm>> -> memref<32000000xf32, #tpu.memory_space<hbm>>
    tpu.enqueue_indirect_dma source(%dma_start3A_962 : memref<32000000xf32, #tpu.memory_space<hbm>>) target(%dma_start3A_957 : memref<128xf32, #tpu.memory_space<vmem>>) offsets(%dma_start3A_960 : memref<128xi32, #tpu.memory_space<vmem>>) semaphore(%arg7 : memref<!tpu.dma_semaphore, #tpu.memory_space<semaphore_mem>>)
    %mul3A_963 = arith.constant 128 : i32
    %mul3A_964 = arith.muli %scan3A_3, %mul3A_963 : i32
    %add3A_965 = arith.constant 60 : i32
    %add3A_966 = arith.addi %mul3A_964, %add3A_965 : i32
    %mul3A_967 = arith.constant 128 : i32
    %mul3A_968 = arith.muli %scan3A_3, %mul3A_967 : i32
    %add3A_969 = arith.constant 60 : i32
    %add3A_970 = arith.addi %mul3A_968, %add3A_969 : i32
    %dma_start3A_971 = arith.constant 0 : i32
    %dma_start3A_972 = tpu.memref_slice %arg6[%add3A_970, %dma_start3A_971] : memref<128x128xf32, #tpu.memory_space<vmem>> -> memref<1x128xf32, #tpu.memory_space<vmem>>
    %dma_start3A_973 = tpu.memref_squeeze %dma_start3A_972 : memref<1x128xf32, #tpu.memory_space<vmem>> -> memref<128xf32, #tpu.memory_space<vmem>>
    %dma_start3A_974 = arith.constant 0 : i32
    %dma_start3A_975 = tpu.memref_slice %arg5[%add3A_966, %dma_start3A_974] : memref<128x128xi32, #tpu.memory_space<vmem>> -> memref<1x128xi32, #tpu.memory_space<vmem>>
    %dma_start3A_976 = tpu.memref_squeeze %dma_start3A_975 : memref<1x128xi32, #tpu.memory_space<vmem>> -> memref<128xi32, #tpu.memory_space<vmem>>
    %dma_start3A_977 = arith.constant 0 : i32
    %dma_start3A_978 = tpu.memref_slice %arg3[%dma_start3A_977] : memref<32000000xf32, #tpu.memory_space<hbm>> -> memref<32000000xf32, #tpu.memory_space<hbm>>
    tpu.enqueue_indirect_dma source(%dma_start3A_978 : memref<32000000xf32, #tpu.memory_space<hbm>>) target(%dma_start3A_973 : memref<128xf32, #tpu.memory_space<vmem>>) offsets(%dma_start3A_976 : memref<128xi32, #tpu.memory_space<vmem>>) semaphore(%arg7 : memref<!tpu.dma_semaphore, #tpu.memory_space<semaphore_mem>>)
    %mul3A_979 = arith.constant 128 : i32
    %mul3A_980 = arith.muli %scan3A_3, %mul3A_979 : i32
    %add3A_981 = arith.constant 61 : i32
    %add3A_982 = arith.addi %mul3A_980, %add3A_981 : i32
    %mul3A_983 = arith.constant 128 : i32
    %mul3A_984 = arith.muli %scan3A_3, %mul3A_983 : i32
    %add3A_985 = arith.constant 61 : i32
    %add3A_986 = arith.addi %mul3A_984, %add3A_985 : i32
    %dma_start3A_987 = arith.constant 0 : i32
    %dma_start3A_988 = tpu.memref_slice %arg6[%add3A_986, %dma_start3A_987] : memref<128x128xf32, #tpu.memory_space<vmem>> -> memref<1x128xf32, #tpu.memory_space<vmem>>
    %dma_start3A_989 = tpu.memref_squeeze %dma_start3A_988 : memref<1x128xf32, #tpu.memory_space<vmem>> -> memref<128xf32, #tpu.memory_space<vmem>>
    %dma_start3A_990 = arith.constant 0 : i32
    %dma_start3A_991 = tpu.memref_slice %arg5[%add3A_982, %dma_start3A_990] : memref<128x128xi32, #tpu.memory_space<vmem>> -> memref<1x128xi32, #tpu.memory_space<vmem>>
    %dma_start3A_992 = tpu.memref_squeeze %dma_start3A_991 : memref<1x128xi32, #tpu.memory_space<vmem>> -> memref<128xi32, #tpu.memory_space<vmem>>
    %dma_start3A_993 = arith.constant 0 : i32
    %dma_start3A_994 = tpu.memref_slice %arg3[%dma_start3A_993] : memref<32000000xf32, #tpu.memory_space<hbm>> -> memref<32000000xf32, #tpu.memory_space<hbm>>
    tpu.enqueue_indirect_dma source(%dma_start3A_994 : memref<32000000xf32, #tpu.memory_space<hbm>>) target(%dma_start3A_989 : memref<128xf32, #tpu.memory_space<vmem>>) offsets(%dma_start3A_992 : memref<128xi32, #tpu.memory_space<vmem>>) semaphore(%arg7 : memref<!tpu.dma_semaphore, #tpu.memory_space<semaphore_mem>>)
    %mul3A_995 = arith.constant 128 : i32
    %mul3A_996 = arith.muli %scan3A_3, %mul3A_995 : i32
    %add3A_997 = arith.constant 62 : i32
    %add3A_998 = arith.addi %mul3A_996, %add3A_997 : i32
    %mul3A_999 = arith.constant 128 : i32
    %mul3A_1000 = arith.muli %scan3A_3, %mul3A_999 : i32
    %add3A_1001 = arith.constant 62 : i32
    %add3A_1002 = arith.addi %mul3A_1000, %add3A_1001 : i32
    %dma_start3A_1003 = arith.constant 0 : i32
    %dma_start3A_1004 = tpu.memref_slice %arg6[%add3A_1002, %dma_start3A_1003] : memref<128x128xf32, #tpu.memory_space<vmem>> -> memref<1x128xf32, #tpu.memory_space<vmem>>
    %dma_start3A_1005 = tpu.memref_squeeze %dma_start3A_1004 : memref<1x128xf32, #tpu.memory_space<vmem>> -> memref<128xf32, #tpu.memory_space<vmem>>
    %dma_start3A_1006 = arith.constant 0 : i32
    %dma_start3A_1007 = tpu.memref_slice %arg5[%add3A_998, %dma_start3A_1006] : memref<128x128xi32, #tpu.memory_space<vmem>> -> memref<1x128xi32, #tpu.memory_space<vmem>>
    %dma_start3A_1008 = tpu.memref_squeeze %dma_start3A_1007 : memref<1x128xi32, #tpu.memory_space<vmem>> -> memref<128xi32, #tpu.memory_space<vmem>>
    %dma_start3A_1009 = arith.constant 0 : i32
    %dma_start3A_1010 = tpu.memref_slice %arg3[%dma_start3A_1009] : memref<32000000xf32, #tpu.memory_space<hbm>> -> memref<32000000xf32, #tpu.memory_space<hbm>>
    tpu.enqueue_indirect_dma source(%dma_start3A_1010 : memref<32000000xf32, #tpu.memory_space<hbm>>) target(%dma_start3A_1005 : memref<128xf32, #tpu.memory_space<vmem>>) offsets(%dma_start3A_1008 : memref<128xi32, #tpu.memory_space<vmem>>) semaphore(%arg7 : memref<!tpu.dma_semaphore, #tpu.memory_space<semaphore_mem>>)
    %mul3A_1011 = arith.constant 128 : i32
    %mul3A_1012 = arith.muli %scan3A_3, %mul3A_1011 : i32
    %add3A_1013 = arith.constant 63 : i32
    %add3A_1014 = arith.addi %mul3A_1012, %add3A_1013 : i32
    %mul3A_1015 = arith.constant 128 : i32
    %mul3A_1016 = arith.muli %scan3A_3, %mul3A_1015 : i32
    %add3A_1017 = arith.constant 63 : i32
    %add3A_1018 = arith.addi %mul3A_1016, %add3A_1017 : i32
    %dma_start3A_1019 = arith.constant 0 : i32
    %dma_start3A_1020 = tpu.memref_slice %arg6[%add3A_1018, %dma_start3A_1019] : memref<128x128xf32, #tpu.memory_space<vmem>> -> memref<1x128xf32, #tpu.memory_space<vmem>>
    %dma_start3A_1021 = tpu.memref_squeeze %dma_start3A_1020 : memref<1x128xf32, #tpu.memory_space<vmem>> -> memref<128xf32, #tpu.memory_space<vmem>>
    %dma_start3A_1022 = arith.constant 0 : i32
    %dma_start3A_1023 = tpu.memref_slice %arg5[%add3A_1014, %dma_start3A_1022] : memref<128x128xi32, #tpu.memory_space<vmem>> -> memref<1x128xi32, #tpu.memory_space<vmem>>
    %dma_start3A_1024 = tpu.memref_squeeze %dma_start3A_1023 : memref<1x128xi32, #tpu.memory_space<vmem>> -> memref<128xi32, #tpu.memory_space<vmem>>
    %dma_start3A_1025 = arith.constant 0 : i32
    %dma_start3A_1026 = tpu.memref_slice %arg3[%dma_start3A_1025] : memref<32000000xf32, #tpu.memory_space<hbm>> -> memref<32000000xf32, #tpu.memory_space<hbm>>
    tpu.enqueue_indirect_dma source(%dma_start3A_1026 : memref<32000000xf32, #tpu.memory_space<hbm>>) target(%dma_start3A_1021 : memref<128xf32, #tpu.memory_space<vmem>>) offsets(%dma_start3A_1024 : memref<128xi32, #tpu.memory_space<vmem>>) semaphore(%arg7 : memref<!tpu.dma_semaphore, #tpu.memory_space<semaphore_mem>>)
    %mul3A_1027 = arith.constant 128 : i32
    %mul3A_1028 = arith.muli %scan3A_3, %mul3A_1027 : i32
    %add3A_1029 = arith.constant 64 : i32
    %add3A_1030 = arith.addi %mul3A_1028, %add3A_1029 : i32
    %mul3A_1031 = arith.constant 128 : i32
    %mul3A_1032 = arith.muli %scan3A_3, %mul3A_1031 : i32
    %add3A_1033 = arith.constant 64 : i32
    %add3A_1034 = arith.addi %mul3A_1032, %add3A_1033 : i32
    %dma_start3A_1035 = arith.constant 0 : i32
    %dma_start3A_1036 = tpu.memref_slice %arg6[%add3A_1034, %dma_start3A_1035] : memref<128x128xf32, #tpu.memory_space<vmem>> -> memref<1x128xf32, #tpu.memory_space<vmem>>
    %dma_start3A_1037 = tpu.memref_squeeze %dma_start3A_1036 : memref<1x128xf32, #tpu.memory_space<vmem>> -> memref<128xf32, #tpu.memory_space<vmem>>
    %dma_start3A_1038 = arith.constant 0 : i32
    %dma_start3A_1039 = tpu.memref_slice %arg5[%add3A_1030, %dma_start3A_1038] : memref<128x128xi32, #tpu.memory_space<vmem>> -> memref<1x128xi32, #tpu.memory_space<vmem>>
    %dma_start3A_1040 = tpu.memref_squeeze %dma_start3A_1039 : memref<1x128xi32, #tpu.memory_space<vmem>> -> memref<128xi32, #tpu.memory_space<vmem>>
    %dma_start3A_1041 = arith.constant 0 : i32
    %dma_start3A_1042 = tpu.memref_slice %arg3[%dma_start3A_1041] : memref<32000000xf32, #tpu.memory_space<hbm>> -> memref<32000000xf32, #tpu.memory_space<hbm>>
    tpu.enqueue_indirect_dma source(%dma_start3A_1042 : memref<32000000xf32, #tpu.memory_space<hbm>>) target(%dma_start3A_1037 : memref<128xf32, #tpu.memory_space<vmem>>) offsets(%dma_start3A_1040 : memref<128xi32, #tpu.memory_space<vmem>>) semaphore(%arg7 : memref<!tpu.dma_semaphore, #tpu.memory_space<semaphore_mem>>)
    %mul3A_1043 = arith.constant 128 : i32
    %mul3A_1044 = arith.muli %scan3A_3, %mul3A_1043 : i32
    %add3A_1045 = arith.constant 65 : i32
    %add3A_1046 = arith.addi %mul3A_1044, %add3A_1045 : i32
    %mul3A_1047 = arith.constant 128 : i32
    %mul3A_1048 = arith.muli %scan3A_3, %mul3A_1047 : i32
    %add3A_1049 = arith.constant 65 : i32
    %add3A_1050 = arith.addi %mul3A_1048, %add3A_1049 : i32
    %dma_start3A_1051 = arith.constant 0 : i32
    %dma_start3A_1052 = tpu.memref_slice %arg6[%add3A_1050, %dma_start3A_1051] : memref<128x128xf32, #tpu.memory_space<vmem>> -> memref<1x128xf32, #tpu.memory_space<vmem>>
    %dma_start3A_1053 = tpu.memref_squeeze %dma_start3A_1052 : memref<1x128xf32, #tpu.memory_space<vmem>> -> memref<128xf32, #tpu.memory_space<vmem>>
    %dma_start3A_1054 = arith.constant 0 : i32
    %dma_start3A_1055 = tpu.memref_slice %arg5[%add3A_1046, %dma_start3A_1054] : memref<128x128xi32, #tpu.memory_space<vmem>> -> memref<1x128xi32, #tpu.memory_space<vmem>>
    %dma_start3A_1056 = tpu.memref_squeeze %dma_start3A_1055 : memref<1x128xi32, #tpu.memory_space<vmem>> -> memref<128xi32, #tpu.memory_space<vmem>>
    %dma_start3A_1057 = arith.constant 0 : i32
    %dma_start3A_1058 = tpu.memref_slice %arg3[%dma_start3A_1057] : memref<32000000xf32, #tpu.memory_space<hbm>> -> memref<32000000xf32, #tpu.memory_space<hbm>>
    tpu.enqueue_indirect_dma source(%dma_start3A_1058 : memref<32000000xf32, #tpu.memory_space<hbm>>) target(%dma_start3A_1053 : memref<128xf32, #tpu.memory_space<vmem>>) offsets(%dma_start3A_1056 : memref<128xi32, #tpu.memory_space<vmem>>) semaphore(%arg7 : memref<!tpu.dma_semaphore, #tpu.memory_space<semaphore_mem>>)
    %mul3A_1059 = arith.constant 128 : i32
    %mul3A_1060 = arith.muli %scan3A_3, %mul3A_1059 : i32
    %add3A_1061 = arith.constant 66 : i32
    %add3A_1062 = arith.addi %mul3A_1060, %add3A_1061 : i32
    %mul3A_1063 = arith.constant 128 : i32
    %mul3A_1064 = arith.muli %scan3A_3, %mul3A_1063 : i32
    %add3A_1065 = arith.constant 66 : i32
    %add3A_1066 = arith.addi %mul3A_1064, %add3A_1065 : i32
    %dma_start3A_1067 = arith.constant 0 : i32
    %dma_start3A_1068 = tpu.memref_slice %arg6[%add3A_1066, %dma_start3A_1067] : memref<128x128xf32, #tpu.memory_space<vmem>> -> memref<1x128xf32, #tpu.memory_space<vmem>>
    %dma_start3A_1069 = tpu.memref_squeeze %dma_start3A_1068 : memref<1x128xf32, #tpu.memory_space<vmem>> -> memref<128xf32, #tpu.memory_space<vmem>>
    %dma_start3A_1070 = arith.constant 0 : i32
    %dma_start3A_1071 = tpu.memref_slice %arg5[%add3A_1062, %dma_start3A_1070] : memref<128x128xi32, #tpu.memory_space<vmem>> -> memref<1x128xi32, #tpu.memory_space<vmem>>
    %dma_start3A_1072 = tpu.memref_squeeze %dma_start3A_1071 : memref<1x128xi32, #tpu.memory_space<vmem>> -> memref<128xi32, #tpu.memory_space<vmem>>
    %dma_start3A_1073 = arith.constant 0 : i32
    %dma_start3A_1074 = tpu.memref_slice %arg3[%dma_start3A_1073] : memref<32000000xf32, #tpu.memory_space<hbm>> -> memref<32000000xf32, #tpu.memory_space<hbm>>
    tpu.enqueue_indirect_dma source(%dma_start3A_1074 : memref<32000000xf32, #tpu.memory_space<hbm>>) target(%dma_start3A_1069 : memref<128xf32, #tpu.memory_space<vmem>>) offsets(%dma_start3A_1072 : memref<128xi32, #tpu.memory_space<vmem>>) semaphore(%arg7 : memref<!tpu.dma_semaphore, #tpu.memory_space<semaphore_mem>>)
    %mul3A_1075 = arith.constant 128 : i32
    %mul3A_1076 = arith.muli %scan3A_3, %mul3A_1075 : i32
    %add3A_1077 = arith.constant 67 : i32
    %add3A_1078 = arith.addi %mul3A_1076, %add3A_1077 : i32
    %mul3A_1079 = arith.constant 128 : i32
    %mul3A_1080 = arith.muli %scan3A_3, %mul3A_1079 : i32
    %add3A_1081 = arith.constant 67 : i32
    %add3A_1082 = arith.addi %mul3A_1080, %add3A_1081 : i32
    %dma_start3A_1083 = arith.constant 0 : i32
    %dma_start3A_1084 = tpu.memref_slice %arg6[%add3A_1082, %dma_start3A_1083] : memref<128x128xf32, #tpu.memory_space<vmem>> -> memref<1x128xf32, #tpu.memory_space<vmem>>
    %dma_start3A_1085 = tpu.memref_squeeze %dma_start3A_1084 : memref<1x128xf32, #tpu.memory_space<vmem>> -> memref<128xf32, #tpu.memory_space<vmem>>
    %dma_start3A_1086 = arith.constant 0 : i32
    %dma_start3A_1087 = tpu.memref_slice %arg5[%add3A_1078, %dma_start3A_1086] : memref<128x128xi32, #tpu.memory_space<vmem>> -> memref<1x128xi32, #tpu.memory_space<vmem>>
    %dma_start3A_1088 = tpu.memref_squeeze %dma_start3A_1087 : memref<1x128xi32, #tpu.memory_space<vmem>> -> memref<128xi32, #tpu.memory_space<vmem>>
    %dma_start3A_1089 = arith.constant 0 : i32
    %dma_start3A_1090 = tpu.memref_slice %arg3[%dma_start3A_1089] : memref<32000000xf32, #tpu.memory_space<hbm>> -> memref<32000000xf32, #tpu.memory_space<hbm>>
    tpu.enqueue_indirect_dma source(%dma_start3A_1090 : memref<32000000xf32, #tpu.memory_space<hbm>>) target(%dma_start3A_1085 : memref<128xf32, #tpu.memory_space<vmem>>) offsets(%dma_start3A_1088 : memref<128xi32, #tpu.memory_space<vmem>>) semaphore(%arg7 : memref<!tpu.dma_semaphore, #tpu.memory_space<semaphore_mem>>)
    %mul3A_1091 = arith.constant 128 : i32
    %mul3A_1092 = arith.muli %scan3A_3, %mul3A_1091 : i32
    %add3A_1093 = arith.constant 68 : i32
    %add3A_1094 = arith.addi %mul3A_1092, %add3A_1093 : i32
    %mul3A_1095 = arith.constant 128 : i32
    %mul3A_1096 = arith.muli %scan3A_3, %mul3A_1095 : i32
    %add3A_1097 = arith.constant 68 : i32
    %add3A_1098 = arith.addi %mul3A_1096, %add3A_1097 : i32
    %dma_start3A_1099 = arith.constant 0 : i32
    %dma_start3A_1100 = tpu.memref_slice %arg6[%add3A_1098, %dma_start3A_1099] : memref<128x128xf32, #tpu.memory_space<vmem>> -> memref<1x128xf32, #tpu.memory_space<vmem>>
    %dma_start3A_1101 = tpu.memref_squeeze %dma_start3A_1100 : memref<1x128xf32, #tpu.memory_space<vmem>> -> memref<128xf32, #tpu.memory_space<vmem>>
    %dma_start3A_1102 = arith.constant 0 : i32
    %dma_start3A_1103 = tpu.memref_slice %arg5[%add3A_1094, %dma_start3A_1102] : memref<128x128xi32, #tpu.memory_space<vmem>> -> memref<1x128xi32, #tpu.memory_space<vmem>>
    %dma_start3A_1104 = tpu.memref_squeeze %dma_start3A_1103 : memref<1x128xi32, #tpu.memory_space<vmem>> -> memref<128xi32, #tpu.memory_space<vmem>>
    %dma_start3A_1105 = arith.constant 0 : i32
    %dma_start3A_1106 = tpu.memref_slice %arg3[%dma_start3A_1105] : memref<32000000xf32, #tpu.memory_space<hbm>> -> memref<32000000xf32, #tpu.memory_space<hbm>>
    tpu.enqueue_indirect_dma source(%dma_start3A_1106 : memref<32000000xf32, #tpu.memory_space<hbm>>) target(%dma_start3A_1101 : memref<128xf32, #tpu.memory_space<vmem>>) offsets(%dma_start3A_1104 : memref<128xi32, #tpu.memory_space<vmem>>) semaphore(%arg7 : memref<!tpu.dma_semaphore, #tpu.memory_space<semaphore_mem>>)
    %mul3A_1107 = arith.constant 128 : i32
    %mul3A_1108 = arith.muli %scan3A_3, %mul3A_1107 : i32
    %add3A_1109 = arith.constant 69 : i32
    %add3A_1110 = arith.addi %mul3A_1108, %add3A_1109 : i32
    %mul3A_1111 = arith.constant 128 : i32
    %mul3A_1112 = arith.muli %scan3A_3, %mul3A_1111 : i32
    %add3A_1113 = arith.constant 69 : i32
    %add3A_1114 = arith.addi %mul3A_1112, %add3A_1113 : i32
    %dma_start3A_1115 = arith.constant 0 : i32
    %dma_start3A_1116 = tpu.memref_slice %arg6[%add3A_1114, %dma_start3A_1115] : memref<128x128xf32, #tpu.memory_space<vmem>> -> memref<1x128xf32, #tpu.memory_space<vmem>>
    %dma_start3A_1117 = tpu.memref_squeeze %dma_start3A_1116 : memref<1x128xf32, #tpu.memory_space<vmem>> -> memref<128xf32, #tpu.memory_space<vmem>>
    %dma_start3A_1118 = arith.constant 0 : i32
    %dma_start3A_1119 = tpu.memref_slice %arg5[%add3A_1110, %dma_start3A_1118] : memref<128x128xi32, #tpu.memory_space<vmem>> -> memref<1x128xi32, #tpu.memory_space<vmem>>
    %dma_start3A_1120 = tpu.memref_squeeze %dma_start3A_1119 : memref<1x128xi32, #tpu.memory_space<vmem>> -> memref<128xi32, #tpu.memory_space<vmem>>
    %dma_start3A_1121 = arith.constant 0 : i32
    %dma_start3A_1122 = tpu.memref_slice %arg3[%dma_start3A_1121] : memref<32000000xf32, #tpu.memory_space<hbm>> -> memref<32000000xf32, #tpu.memory_space<hbm>>
    tpu.enqueue_indirect_dma source(%dma_start3A_1122 : memref<32000000xf32, #tpu.memory_space<hbm>>) target(%dma_start3A_1117 : memref<128xf32, #tpu.memory_space<vmem>>) offsets(%dma_start3A_1120 : memref<128xi32, #tpu.memory_space<vmem>>) semaphore(%arg7 : memref<!tpu.dma_semaphore, #tpu.memory_space<semaphore_mem>>)
    %mul3A_1123 = arith.constant 128 : i32
    %mul3A_1124 = arith.muli %scan3A_3, %mul3A_1123 : i32
    %add3A_1125 = arith.constant 70 : i32
    %add3A_1126 = arith.addi %mul3A_1124, %add3A_1125 : i32
    %mul3A_1127 = arith.constant 128 : i32
    %mul3A_1128 = arith.muli %scan3A_3, %mul3A_1127 : i32
    %add3A_1129 = arith.constant 70 : i32
    %add3A_1130 = arith.addi %mul3A_1128, %add3A_1129 : i32
    %dma_start3A_1131 = arith.constant 0 : i32
    %dma_start3A_1132 = tpu.memref_slice %arg6[%add3A_1130, %dma_start3A_1131] : memref<128x128xf32, #tpu.memory_space<vmem>> -> memref<1x128xf32, #tpu.memory_space<vmem>>
    %dma_start3A_1133 = tpu.memref_squeeze %dma_start3A_1132 : memref<1x128xf32, #tpu.memory_space<vmem>> -> memref<128xf32, #tpu.memory_space<vmem>>
    %dma_start3A_1134 = arith.constant 0 : i32
    %dma_start3A_1135 = tpu.memref_slice %arg5[%add3A_1126, %dma_start3A_1134] : memref<128x128xi32, #tpu.memory_space<vmem>> -> memref<1x128xi32, #tpu.memory_space<vmem>>
    %dma_start3A_1136 = tpu.memref_squeeze %dma_start3A_1135 : memref<1x128xi32, #tpu.memory_space<vmem>> -> memref<128xi32, #tpu.memory_space<vmem>>
    %dma_start3A_1137 = arith.constant 0 : i32
    %dma_start3A_1138 = tpu.memref_slice %arg3[%dma_start3A_1137] : memref<32000000xf32, #tpu.memory_space<hbm>> -> memref<32000000xf32, #tpu.memory_space<hbm>>
    tpu.enqueue_indirect_dma source(%dma_start3A_1138 : memref<32000000xf32, #tpu.memory_space<hbm>>) target(%dma_start3A_1133 : memref<128xf32, #tpu.memory_space<vmem>>) offsets(%dma_start3A_1136 : memref<128xi32, #tpu.memory_space<vmem>>) semaphore(%arg7 : memref<!tpu.dma_semaphore, #tpu.memory_space<semaphore_mem>>)
    %mul3A_1139 = arith.constant 128 : i32
    %mul3A_1140 = arith.muli %scan3A_3, %mul3A_1139 : i32
    %add3A_1141 = arith.constant 71 : i32
    %add3A_1142 = arith.addi %mul3A_1140, %add3A_1141 : i32
    %mul3A_1143 = arith.constant 128 : i32
    %mul3A_1144 = arith.muli %scan3A_3, %mul3A_1143 : i32
    %add3A_1145 = arith.constant 71 : i32
    %add3A_1146 = arith.addi %mul3A_1144, %add3A_1145 : i32
    %dma_start3A_1147 = arith.constant 0 : i32
    %dma_start3A_1148 = tpu.memref_slice %arg6[%add3A_1146, %dma_start3A_1147] : memref<128x128xf32, #tpu.memory_space<vmem>> -> memref<1x128xf32, #tpu.memory_space<vmem>>
    %dma_start3A_1149 = tpu.memref_squeeze %dma_start3A_1148 : memref<1x128xf32, #tpu.memory_space<vmem>> -> memref<128xf32, #tpu.memory_space<vmem>>
    %dma_start3A_1150 = arith.constant 0 : i32
    %dma_start3A_1151 = tpu.memref_slice %arg5[%add3A_1142, %dma_start3A_1150] : memref<128x128xi32, #tpu.memory_space<vmem>> -> memref<1x128xi32, #tpu.memory_space<vmem>>
    %dma_start3A_1152 = tpu.memref_squeeze %dma_start3A_1151 : memref<1x128xi32, #tpu.memory_space<vmem>> -> memref<128xi32, #tpu.memory_space<vmem>>
    %dma_start3A_1153 = arith.constant 0 : i32
    %dma_start3A_1154 = tpu.memref_slice %arg3[%dma_start3A_1153] : memref<32000000xf32, #tpu.memory_space<hbm>> -> memref<32000000xf32, #tpu.memory_space<hbm>>
    tpu.enqueue_indirect_dma source(%dma_start3A_1154 : memref<32000000xf32, #tpu.memory_space<hbm>>) target(%dma_start3A_1149 : memref<128xf32, #tpu.memory_space<vmem>>) offsets(%dma_start3A_1152 : memref<128xi32, #tpu.memory_space<vmem>>) semaphore(%arg7 : memref<!tpu.dma_semaphore, #tpu.memory_space<semaphore_mem>>)
    %mul3A_1155 = arith.constant 128 : i32
    %mul3A_1156 = arith.muli %scan3A_3, %mul3A_1155 : i32
    %add3A_1157 = arith.constant 72 : i32
    %add3A_1158 = arith.addi %mul3A_1156, %add3A_1157 : i32
    %mul3A_1159 = arith.constant 128 : i32
    %mul3A_1160 = arith.muli %scan3A_3, %mul3A_1159 : i32
    %add3A_1161 = arith.constant 72 : i32
    %add3A_1162 = arith.addi %mul3A_1160, %add3A_1161 : i32
    %dma_start3A_1163 = arith.constant 0 : i32
    %dma_start3A_1164 = tpu.memref_slice %arg6[%add3A_1162, %dma_start3A_1163] : memref<128x128xf32, #tpu.memory_space<vmem>> -> memref<1x128xf32, #tpu.memory_space<vmem>>
    %dma_start3A_1165 = tpu.memref_squeeze %dma_start3A_1164 : memref<1x128xf32, #tpu.memory_space<vmem>> -> memref<128xf32, #tpu.memory_space<vmem>>
    %dma_start3A_1166 = arith.constant 0 : i32
    %dma_start3A_1167 = tpu.memref_slice %arg5[%add3A_1158, %dma_start3A_1166] : memref<128x128xi32, #tpu.memory_space<vmem>> -> memref<1x128xi32, #tpu.memory_space<vmem>>
    %dma_start3A_1168 = tpu.memref_squeeze %dma_start3A_1167 : memref<1x128xi32, #tpu.memory_space<vmem>> -> memref<128xi32, #tpu.memory_space<vmem>>
    %dma_start3A_1169 = arith.constant 0 : i32
    %dma_start3A_1170 = tpu.memref_slice %arg3[%dma_start3A_1169] : memref<32000000xf32, #tpu.memory_space<hbm>> -> memref<32000000xf32, #tpu.memory_space<hbm>>
    tpu.enqueue_indirect_dma source(%dma_start3A_1170 : memref<32000000xf32, #tpu.memory_space<hbm>>) target(%dma_start3A_1165 : memref<128xf32, #tpu.memory_space<vmem>>) offsets(%dma_start3A_1168 : memref<128xi32, #tpu.memory_space<vmem>>) semaphore(%arg7 : memref<!tpu.dma_semaphore, #tpu.memory_space<semaphore_mem>>)
    %mul3A_1171 = arith.constant 128 : i32
    %mul3A_1172 = arith.muli %scan3A_3, %mul3A_1171 : i32
    %add3A_1173 = arith.constant 73 : i32
    %add3A_1174 = arith.addi %mul3A_1172, %add3A_1173 : i32
    %mul3A_1175 = arith.constant 128 : i32
    %mul3A_1176 = arith.muli %scan3A_3, %mul3A_1175 : i32
    %add3A_1177 = arith.constant 73 : i32
    %add3A_1178 = arith.addi %mul3A_1176, %add3A_1177 : i32
    %dma_start3A_1179 = arith.constant 0 : i32
    %dma_start3A_1180 = tpu.memref_slice %arg6[%add3A_1178, %dma_start3A_1179] : memref<128x128xf32, #tpu.memory_space<vmem>> -> memref<1x128xf32, #tpu.memory_space<vmem>>
    %dma_start3A_1181 = tpu.memref_squeeze %dma_start3A_1180 : memref<1x128xf32, #tpu.memory_space<vmem>> -> memref<128xf32, #tpu.memory_space<vmem>>
    %dma_start3A_1182 = arith.constant 0 : i32
    %dma_start3A_1183 = tpu.memref_slice %arg5[%add3A_1174, %dma_start3A_1182] : memref<128x128xi32, #tpu.memory_space<vmem>> -> memref<1x128xi32, #tpu.memory_space<vmem>>
    %dma_start3A_1184 = tpu.memref_squeeze %dma_start3A_1183 : memref<1x128xi32, #tpu.memory_space<vmem>> -> memref<128xi32, #tpu.memory_space<vmem>>
    %dma_start3A_1185 = arith.constant 0 : i32
    %dma_start3A_1186 = tpu.memref_slice %arg3[%dma_start3A_1185] : memref<32000000xf32, #tpu.memory_space<hbm>> -> memref<32000000xf32, #tpu.memory_space<hbm>>
    tpu.enqueue_indirect_dma source(%dma_start3A_1186 : memref<32000000xf32, #tpu.memory_space<hbm>>) target(%dma_start3A_1181 : memref<128xf32, #tpu.memory_space<vmem>>) offsets(%dma_start3A_1184 : memref<128xi32, #tpu.memory_space<vmem>>) semaphore(%arg7 : memref<!tpu.dma_semaphore, #tpu.memory_space<semaphore_mem>>)
    %mul3A_1187 = arith.constant 128 : i32
    %mul3A_1188 = arith.muli %scan3A_3, %mul3A_1187 : i32
    %add3A_1189 = arith.constant 74 : i32
    %add3A_1190 = arith.addi %mul3A_1188, %add3A_1189 : i32
    %mul3A_1191 = arith.constant 128 : i32
    %mul3A_1192 = arith.muli %scan3A_3, %mul3A_1191 : i32
    %add3A_1193 = arith.constant 74 : i32
    %add3A_1194 = arith.addi %mul3A_1192, %add3A_1193 : i32
    %dma_start3A_1195 = arith.constant 0 : i32
    %dma_start3A_1196 = tpu.memref_slice %arg6[%add3A_1194, %dma_start3A_1195] : memref<128x128xf32, #tpu.memory_space<vmem>> -> memref<1x128xf32, #tpu.memory_space<vmem>>
    %dma_start3A_1197 = tpu.memref_squeeze %dma_start3A_1196 : memref<1x128xf32, #tpu.memory_space<vmem>> -> memref<128xf32, #tpu.memory_space<vmem>>
    %dma_start3A_1198 = arith.constant 0 : i32
    %dma_start3A_1199 = tpu.memref_slice %arg5[%add3A_1190, %dma_start3A_1198] : memref<128x128xi32, #tpu.memory_space<vmem>> -> memref<1x128xi32, #tpu.memory_space<vmem>>
    %dma_start3A_1200 = tpu.memref_squeeze %dma_start3A_1199 : memref<1x128xi32, #tpu.memory_space<vmem>> -> memref<128xi32, #tpu.memory_space<vmem>>
    %dma_start3A_1201 = arith.constant 0 : i32
    %dma_start3A_1202 = tpu.memref_slice %arg3[%dma_start3A_1201] : memref<32000000xf32, #tpu.memory_space<hbm>> -> memref<32000000xf32, #tpu.memory_space<hbm>>
    tpu.enqueue_indirect_dma source(%dma_start3A_1202 : memref<32000000xf32, #tpu.memory_space<hbm>>) target(%dma_start3A_1197 : memref<128xf32, #tpu.memory_space<vmem>>) offsets(%dma_start3A_1200 : memref<128xi32, #tpu.memory_space<vmem>>) semaphore(%arg7 : memref<!tpu.dma_semaphore, #tpu.memory_space<semaphore_mem>>)
    %mul3A_1203 = arith.constant 128 : i32
    %mul3A_1204 = arith.muli %scan3A_3, %mul3A_1203 : i32
    %add3A_1205 = arith.constant 75 : i32
    %add3A_1206 = arith.addi %mul3A_1204, %add3A_1205 : i32
    %mul3A_1207 = arith.constant 128 : i32
    %mul3A_1208 = arith.muli %scan3A_3, %mul3A_1207 : i32
    %add3A_1209 = arith.constant 75 : i32
    %add3A_1210 = arith.addi %mul3A_1208, %add3A_1209 : i32
    %dma_start3A_1211 = arith.constant 0 : i32
    %dma_start3A_1212 = tpu.memref_slice %arg6[%add3A_1210, %dma_start3A_1211] : memref<128x128xf32, #tpu.memory_space<vmem>> -> memref<1x128xf32, #tpu.memory_space<vmem>>
    %dma_start3A_1213 = tpu.memref_squeeze %dma_start3A_1212 : memref<1x128xf32, #tpu.memory_space<vmem>> -> memref<128xf32, #tpu.memory_space<vmem>>
    %dma_start3A_1214 = arith.constant 0 : i32
    %dma_start3A_1215 = tpu.memref_slice %arg5[%add3A_1206, %dma_start3A_1214] : memref<128x128xi32, #tpu.memory_space<vmem>> -> memref<1x128xi32, #tpu.memory_space<vmem>>
    %dma_start3A_1216 = tpu.memref_squeeze %dma_start3A_1215 : memref<1x128xi32, #tpu.memory_space<vmem>> -> memref<128xi32, #tpu.memory_space<vmem>>
    %dma_start3A_1217 = arith.constant 0 : i32
    %dma_start3A_1218 = tpu.memref_slice %arg3[%dma_start3A_1217] : memref<32000000xf32, #tpu.memory_space<hbm>> -> memref<32000000xf32, #tpu.memory_space<hbm>>
    tpu.enqueue_indirect_dma source(%dma_start3A_1218 : memref<32000000xf32, #tpu.memory_space<hbm>>) target(%dma_start3A_1213 : memref<128xf32, #tpu.memory_space<vmem>>) offsets(%dma_start3A_1216 : memref<128xi32, #tpu.memory_space<vmem>>) semaphore(%arg7 : memref<!tpu.dma_semaphore, #tpu.memory_space<semaphore_mem>>)
    %mul3A_1219 = arith.constant 128 : i32
    %mul3A_1220 = arith.muli %scan3A_3, %mul3A_1219 : i32
    %add3A_1221 = arith.constant 76 : i32
    %add3A_1222 = arith.addi %mul3A_1220, %add3A_1221 : i32
    %mul3A_1223 = arith.constant 128 : i32
    %mul3A_1224 = arith.muli %scan3A_3, %mul3A_1223 : i32
    %add3A_1225 = arith.constant 76 : i32
    %add3A_1226 = arith.addi %mul3A_1224, %add3A_1225 : i32
    %dma_start3A_1227 = arith.constant 0 : i32
    %dma_start3A_1228 = tpu.memref_slice %arg6[%add3A_1226, %dma_start3A_1227] : memref<128x128xf32, #tpu.memory_space<vmem>> -> memref<1x128xf32, #tpu.memory_space<vmem>>
    %dma_start3A_1229 = tpu.memref_squeeze %dma_start3A_1228 : memref<1x128xf32, #tpu.memory_space<vmem>> -> memref<128xf32, #tpu.memory_space<vmem>>
    %dma_start3A_1230 = arith.constant 0 : i32
    %dma_start3A_1231 = tpu.memref_slice %arg5[%add3A_1222, %dma_start3A_1230] : memref<128x128xi32, #tpu.memory_space<vmem>> -> memref<1x128xi32, #tpu.memory_space<vmem>>
    %dma_start3A_1232 = tpu.memref_squeeze %dma_start3A_1231 : memref<1x128xi32, #tpu.memory_space<vmem>> -> memref<128xi32, #tpu.memory_space<vmem>>
    %dma_start3A_1233 = arith.constant 0 : i32
    %dma_start3A_1234 = tpu.memref_slice %arg3[%dma_start3A_1233] : memref<32000000xf32, #tpu.memory_space<hbm>> -> memref<32000000xf32, #tpu.memory_space<hbm>>
    tpu.enqueue_indirect_dma source(%dma_start3A_1234 : memref<32000000xf32, #tpu.memory_space<hbm>>) target(%dma_start3A_1229 : memref<128xf32, #tpu.memory_space<vmem>>) offsets(%dma_start3A_1232 : memref<128xi32, #tpu.memory_space<vmem>>) semaphore(%arg7 : memref<!tpu.dma_semaphore, #tpu.memory_space<semaphore_mem>>)
    %mul3A_1235 = arith.constant 128 : i32
    %mul3A_1236 = arith.muli %scan3A_3, %mul3A_1235 : i32
    %add3A_1237 = arith.constant 77 : i32
    %add3A_1238 = arith.addi %mul3A_1236, %add3A_1237 : i32
    %mul3A_1239 = arith.constant 128 : i32
    %mul3A_1240 = arith.muli %scan3A_3, %mul3A_1239 : i32
    %add3A_1241 = arith.constant 77 : i32
    %add3A_1242 = arith.addi %mul3A_1240, %add3A_1241 : i32
    %dma_start3A_1243 = arith.constant 0 : i32
    %dma_start3A_1244 = tpu.memref_slice %arg6[%add3A_1242, %dma_start3A_1243] : memref<128x128xf32, #tpu.memory_space<vmem>> -> memref<1x128xf32, #tpu.memory_space<vmem>>
    %dma_start3A_1245 = tpu.memref_squeeze %dma_start3A_1244 : memref<1x128xf32, #tpu.memory_space<vmem>> -> memref<128xf32, #tpu.memory_space<vmem>>
    %dma_start3A_1246 = arith.constant 0 : i32
    %dma_start3A_1247 = tpu.memref_slice %arg5[%add3A_1238, %dma_start3A_1246] : memref<128x128xi32, #tpu.memory_space<vmem>> -> memref<1x128xi32, #tpu.memory_space<vmem>>
    %dma_start3A_1248 = tpu.memref_squeeze %dma_start3A_1247 : memref<1x128xi32, #tpu.memory_space<vmem>> -> memref<128xi32, #tpu.memory_space<vmem>>
    %dma_start3A_1249 = arith.constant 0 : i32
    %dma_start3A_1250 = tpu.memref_slice %arg3[%dma_start3A_1249] : memref<32000000xf32, #tpu.memory_space<hbm>> -> memref<32000000xf32, #tpu.memory_space<hbm>>
    tpu.enqueue_indirect_dma source(%dma_start3A_1250 : memref<32000000xf32, #tpu.memory_space<hbm>>) target(%dma_start3A_1245 : memref<128xf32, #tpu.memory_space<vmem>>) offsets(%dma_start3A_1248 : memref<128xi32, #tpu.memory_space<vmem>>) semaphore(%arg7 : memref<!tpu.dma_semaphore, #tpu.memory_space<semaphore_mem>>)
    %mul3A_1251 = arith.constant 128 : i32
    %mul3A_1252 = arith.muli %scan3A_3, %mul3A_1251 : i32
    %add3A_1253 = arith.constant 78 : i32
    %add3A_1254 = arith.addi %mul3A_1252, %add3A_1253 : i32
    %mul3A_1255 = arith.constant 128 : i32
    %mul3A_1256 = arith.muli %scan3A_3, %mul3A_1255 : i32
    %add3A_1257 = arith.constant 78 : i32
    %add3A_1258 = arith.addi %mul3A_1256, %add3A_1257 : i32
    %dma_start3A_1259 = arith.constant 0 : i32
    %dma_start3A_1260 = tpu.memref_slice %arg6[%add3A_1258, %dma_start3A_1259] : memref<128x128xf32, #tpu.memory_space<vmem>> -> memref<1x128xf32, #tpu.memory_space<vmem>>
    %dma_start3A_1261 = tpu.memref_squeeze %dma_start3A_1260 : memref<1x128xf32, #tpu.memory_space<vmem>> -> memref<128xf32, #tpu.memory_space<vmem>>
    %dma_start3A_1262 = arith.constant 0 : i32
    %dma_start3A_1263 = tpu.memref_slice %arg5[%add3A_1254, %dma_start3A_1262] : memref<128x128xi32, #tpu.memory_space<vmem>> -> memref<1x128xi32, #tpu.memory_space<vmem>>
    %dma_start3A_1264 = tpu.memref_squeeze %dma_start3A_1263 : memref<1x128xi32, #tpu.memory_space<vmem>> -> memref<128xi32, #tpu.memory_space<vmem>>
    %dma_start3A_1265 = arith.constant 0 : i32
    %dma_start3A_1266 = tpu.memref_slice %arg3[%dma_start3A_1265] : memref<32000000xf32, #tpu.memory_space<hbm>> -> memref<32000000xf32, #tpu.memory_space<hbm>>
    tpu.enqueue_indirect_dma source(%dma_start3A_1266 : memref<32000000xf32, #tpu.memory_space<hbm>>) target(%dma_start3A_1261 : memref<128xf32, #tpu.memory_space<vmem>>) offsets(%dma_start3A_1264 : memref<128xi32, #tpu.memory_space<vmem>>) semaphore(%arg7 : memref<!tpu.dma_semaphore, #tpu.memory_space<semaphore_mem>>)
    %mul3A_1267 = arith.constant 128 : i32
    %mul3A_1268 = arith.muli %scan3A_3, %mul3A_1267 : i32
    %add3A_1269 = arith.constant 79 : i32
    %add3A_1270 = arith.addi %mul3A_1268, %add3A_1269 : i32
    %mul3A_1271 = arith.constant 128 : i32
    %mul3A_1272 = arith.muli %scan3A_3, %mul3A_1271 : i32
    %add3A_1273 = arith.constant 79 : i32
    %add3A_1274 = arith.addi %mul3A_1272, %add3A_1273 : i32
    %dma_start3A_1275 = arith.constant 0 : i32
    %dma_start3A_1276 = tpu.memref_slice %arg6[%add3A_1274, %dma_start3A_1275] : memref<128x128xf32, #tpu.memory_space<vmem>> -> memref<1x128xf32, #tpu.memory_space<vmem>>
    %dma_start3A_1277 = tpu.memref_squeeze %dma_start3A_1276 : memref<1x128xf32, #tpu.memory_space<vmem>> -> memref<128xf32, #tpu.memory_space<vmem>>
    %dma_start3A_1278 = arith.constant 0 : i32
    %dma_start3A_1279 = tpu.memref_slice %arg5[%add3A_1270, %dma_start3A_1278] : memref<128x128xi32, #tpu.memory_space<vmem>> -> memref<1x128xi32, #tpu.memory_space<vmem>>
    %dma_start3A_1280 = tpu.memref_squeeze %dma_start3A_1279 : memref<1x128xi32, #tpu.memory_space<vmem>> -> memref<128xi32, #tpu.memory_space<vmem>>
    %dma_start3A_1281 = arith.constant 0 : i32
    %dma_start3A_1282 = tpu.memref_slice %arg3[%dma_start3A_1281] : memref<32000000xf32, #tpu.memory_space<hbm>> -> memref<32000000xf32, #tpu.memory_space<hbm>>
    tpu.enqueue_indirect_dma source(%dma_start3A_1282 : memref<32000000xf32, #tpu.memory_space<hbm>>) target(%dma_start3A_1277 : memref<128xf32, #tpu.memory_space<vmem>>) offsets(%dma_start3A_1280 : memref<128xi32, #tpu.memory_space<vmem>>) semaphore(%arg7 : memref<!tpu.dma_semaphore, #tpu.memory_space<semaphore_mem>>)
    %mul3A_1283 = arith.constant 128 : i32
    %mul3A_1284 = arith.muli %scan3A_3, %mul3A_1283 : i32
    %add3A_1285 = arith.constant 80 : i32
    %add3A_1286 = arith.addi %mul3A_1284, %add3A_1285 : i32
    %mul3A_1287 = arith.constant 128 : i32
    %mul3A_1288 = arith.muli %scan3A_3, %mul3A_1287 : i32
    %add3A_1289 = arith.constant 80 : i32
    %add3A_1290 = arith.addi %mul3A_1288, %add3A_1289 : i32
    %dma_start3A_1291 = arith.constant 0 : i32
    %dma_start3A_1292 = tpu.memref_slice %arg6[%add3A_1290, %dma_start3A_1291] : memref<128x128xf32, #tpu.memory_space<vmem>> -> memref<1x128xf32, #tpu.memory_space<vmem>>
    %dma_start3A_1293 = tpu.memref_squeeze %dma_start3A_1292 : memref<1x128xf32, #tpu.memory_space<vmem>> -> memref<128xf32, #tpu.memory_space<vmem>>
    %dma_start3A_1294 = arith.constant 0 : i32
    %dma_start3A_1295 = tpu.memref_slice %arg5[%add3A_1286, %dma_start3A_1294] : memref<128x128xi32, #tpu.memory_space<vmem>> -> memref<1x128xi32, #tpu.memory_space<vmem>>
    %dma_start3A_1296 = tpu.memref_squeeze %dma_start3A_1295 : memref<1x128xi32, #tpu.memory_space<vmem>> -> memref<128xi32, #tpu.memory_space<vmem>>
    %dma_start3A_1297 = arith.constant 0 : i32
    %dma_start3A_1298 = tpu.memref_slice %arg3[%dma_start3A_1297] : memref<32000000xf32, #tpu.memory_space<hbm>> -> memref<32000000xf32, #tpu.memory_space<hbm>>
    tpu.enqueue_indirect_dma source(%dma_start3A_1298 : memref<32000000xf32, #tpu.memory_space<hbm>>) target(%dma_start3A_1293 : memref<128xf32, #tpu.memory_space<vmem>>) offsets(%dma_start3A_1296 : memref<128xi32, #tpu.memory_space<vmem>>) semaphore(%arg7 : memref<!tpu.dma_semaphore, #tpu.memory_space<semaphore_mem>>)
    %mul3A_1299 = arith.constant 128 : i32
    %mul3A_1300 = arith.muli %scan3A_3, %mul3A_1299 : i32
    %add3A_1301 = arith.constant 81 : i32
    %add3A_1302 = arith.addi %mul3A_1300, %add3A_1301 : i32
    %mul3A_1303 = arith.constant 128 : i32
    %mul3A_1304 = arith.muli %scan3A_3, %mul3A_1303 : i32
    %add3A_1305 = arith.constant 81 : i32
    %add3A_1306 = arith.addi %mul3A_1304, %add3A_1305 : i32
    %dma_start3A_1307 = arith.constant 0 : i32
    %dma_start3A_1308 = tpu.memref_slice %arg6[%add3A_1306, %dma_start3A_1307] : memref<128x128xf32, #tpu.memory_space<vmem>> -> memref<1x128xf32, #tpu.memory_space<vmem>>
    %dma_start3A_1309 = tpu.memref_squeeze %dma_start3A_1308 : memref<1x128xf32, #tpu.memory_space<vmem>> -> memref<128xf32, #tpu.memory_space<vmem>>
    %dma_start3A_1310 = arith.constant 0 : i32
    %dma_start3A_1311 = tpu.memref_slice %arg5[%add3A_1302, %dma_start3A_1310] : memref<128x128xi32, #tpu.memory_space<vmem>> -> memref<1x128xi32, #tpu.memory_space<vmem>>
    %dma_start3A_1312 = tpu.memref_squeeze %dma_start3A_1311 : memref<1x128xi32, #tpu.memory_space<vmem>> -> memref<128xi32, #tpu.memory_space<vmem>>
    %dma_start3A_1313 = arith.constant 0 : i32
    %dma_start3A_1314 = tpu.memref_slice %arg3[%dma_start3A_1313] : memref<32000000xf32, #tpu.memory_space<hbm>> -> memref<32000000xf32, #tpu.memory_space<hbm>>
    tpu.enqueue_indirect_dma source(%dma_start3A_1314 : memref<32000000xf32, #tpu.memory_space<hbm>>) target(%dma_start3A_1309 : memref<128xf32, #tpu.memory_space<vmem>>) offsets(%dma_start3A_1312 : memref<128xi32, #tpu.memory_space<vmem>>) semaphore(%arg7 : memref<!tpu.dma_semaphore, #tpu.memory_space<semaphore_mem>>)
    %mul3A_1315 = arith.constant 128 : i32
    %mul3A_1316 = arith.muli %scan3A_3, %mul3A_1315 : i32
    %add3A_1317 = arith.constant 82 : i32
    %add3A_1318 = arith.addi %mul3A_1316, %add3A_1317 : i32
    %mul3A_1319 = arith.constant 128 : i32
    %mul3A_1320 = arith.muli %scan3A_3, %mul3A_1319 : i32
    %add3A_1321 = arith.constant 82 : i32
    %add3A_1322 = arith.addi %mul3A_1320, %add3A_1321 : i32
    %dma_start3A_1323 = arith.constant 0 : i32
    %dma_start3A_1324 = tpu.memref_slice %arg6[%add3A_1322, %dma_start3A_1323] : memref<128x128xf32, #tpu.memory_space<vmem>> -> memref<1x128xf32, #tpu.memory_space<vmem>>
    %dma_start3A_1325 = tpu.memref_squeeze %dma_start3A_1324 : memref<1x128xf32, #tpu.memory_space<vmem>> -> memref<128xf32, #tpu.memory_space<vmem>>
    %dma_start3A_1326 = arith.constant 0 : i32
    %dma_start3A_1327 = tpu.memref_slice %arg5[%add3A_1318, %dma_start3A_1326] : memref<128x128xi32, #tpu.memory_space<vmem>> -> memref<1x128xi32, #tpu.memory_space<vmem>>
    %dma_start3A_1328 = tpu.memref_squeeze %dma_start3A_1327 : memref<1x128xi32, #tpu.memory_space<vmem>> -> memref<128xi32, #tpu.memory_space<vmem>>
    %dma_start3A_1329 = arith.constant 0 : i32
    %dma_start3A_1330 = tpu.memref_slice %arg3[%dma_start3A_1329] : memref<32000000xf32, #tpu.memory_space<hbm>> -> memref<32000000xf32, #tpu.memory_space<hbm>>
    tpu.enqueue_indirect_dma source(%dma_start3A_1330 : memref<32000000xf32, #tpu.memory_space<hbm>>) target(%dma_start3A_1325 : memref<128xf32, #tpu.memory_space<vmem>>) offsets(%dma_start3A_1328 : memref<128xi32, #tpu.memory_space<vmem>>) semaphore(%arg7 : memref<!tpu.dma_semaphore, #tpu.memory_space<semaphore_mem>>)
    %mul3A_1331 = arith.constant 128 : i32
    %mul3A_1332 = arith.muli %scan3A_3, %mul3A_1331 : i32
    %add3A_1333 = arith.constant 83 : i32
    %add3A_1334 = arith.addi %mul3A_1332, %add3A_1333 : i32
    %mul3A_1335 = arith.constant 128 : i32
    %mul3A_1336 = arith.muli %scan3A_3, %mul3A_1335 : i32
    %add3A_1337 = arith.constant 83 : i32
    %add3A_1338 = arith.addi %mul3A_1336, %add3A_1337 : i32
    %dma_start3A_1339 = arith.constant 0 : i32
    %dma_start3A_1340 = tpu.memref_slice %arg6[%add3A_1338, %dma_start3A_1339] : memref<128x128xf32, #tpu.memory_space<vmem>> -> memref<1x128xf32, #tpu.memory_space<vmem>>
    %dma_start3A_1341 = tpu.memref_squeeze %dma_start3A_1340 : memref<1x128xf32, #tpu.memory_space<vmem>> -> memref<128xf32, #tpu.memory_space<vmem>>
    %dma_start3A_1342 = arith.constant 0 : i32
    %dma_start3A_1343 = tpu.memref_slice %arg5[%add3A_1334, %dma_start3A_1342] : memref<128x128xi32, #tpu.memory_space<vmem>> -> memref<1x128xi32, #tpu.memory_space<vmem>>
    %dma_start3A_1344 = tpu.memref_squeeze %dma_start3A_1343 : memref<1x128xi32, #tpu.memory_space<vmem>> -> memref<128xi32, #tpu.memory_space<vmem>>
    %dma_start3A_1345 = arith.constant 0 : i32
    %dma_start3A_1346 = tpu.memref_slice %arg3[%dma_start3A_1345] : memref<32000000xf32, #tpu.memory_space<hbm>> -> memref<32000000xf32, #tpu.memory_space<hbm>>
    tpu.enqueue_indirect_dma source(%dma_start3A_1346 : memref<32000000xf32, #tpu.memory_space<hbm>>) target(%dma_start3A_1341 : memref<128xf32, #tpu.memory_space<vmem>>) offsets(%dma_start3A_1344 : memref<128xi32, #tpu.memory_space<vmem>>) semaphore(%arg7 : memref<!tpu.dma_semaphore, #tpu.memory_space<semaphore_mem>>)
    %mul3A_1347 = arith.constant 128 : i32
    %mul3A_1348 = arith.muli %scan3A_3, %mul3A_1347 : i32
    %add3A_1349 = arith.constant 84 : i32
    %add3A_1350 = arith.addi %mul3A_1348, %add3A_1349 : i32
    %mul3A_1351 = arith.constant 128 : i32
    %mul3A_1352 = arith.muli %scan3A_3, %mul3A_1351 : i32
    %add3A_1353 = arith.constant 84 : i32
    %add3A_1354 = arith.addi %mul3A_1352, %add3A_1353 : i32
    %dma_start3A_1355 = arith.constant 0 : i32
    %dma_start3A_1356 = tpu.memref_slice %arg6[%add3A_1354, %dma_start3A_1355] : memref<128x128xf32, #tpu.memory_space<vmem>> -> memref<1x128xf32, #tpu.memory_space<vmem>>
    %dma_start3A_1357 = tpu.memref_squeeze %dma_start3A_1356 : memref<1x128xf32, #tpu.memory_space<vmem>> -> memref<128xf32, #tpu.memory_space<vmem>>
    %dma_start3A_1358 = arith.constant 0 : i32
    %dma_start3A_1359 = tpu.memref_slice %arg5[%add3A_1350, %dma_start3A_1358] : memref<128x128xi32, #tpu.memory_space<vmem>> -> memref<1x128xi32, #tpu.memory_space<vmem>>
    %dma_start3A_1360 = tpu.memref_squeeze %dma_start3A_1359 : memref<1x128xi32, #tpu.memory_space<vmem>> -> memref<128xi32, #tpu.memory_space<vmem>>
    %dma_start3A_1361 = arith.constant 0 : i32
    %dma_start3A_1362 = tpu.memref_slice %arg3[%dma_start3A_1361] : memref<32000000xf32, #tpu.memory_space<hbm>> -> memref<32000000xf32, #tpu.memory_space<hbm>>
    tpu.enqueue_indirect_dma source(%dma_start3A_1362 : memref<32000000xf32, #tpu.memory_space<hbm>>) target(%dma_start3A_1357 : memref<128xf32, #tpu.memory_space<vmem>>) offsets(%dma_start3A_1360 : memref<128xi32, #tpu.memory_space<vmem>>) semaphore(%arg7 : memref<!tpu.dma_semaphore, #tpu.memory_space<semaphore_mem>>)
    %mul3A_1363 = arith.constant 128 : i32
    %mul3A_1364 = arith.muli %scan3A_3, %mul3A_1363 : i32
    %add3A_1365 = arith.constant 85 : i32
    %add3A_1366 = arith.addi %mul3A_1364, %add3A_1365 : i32
    %mul3A_1367 = arith.constant 128 : i32
    %mul3A_1368 = arith.muli %scan3A_3, %mul3A_1367 : i32
    %add3A_1369 = arith.constant 85 : i32
    %add3A_1370 = arith.addi %mul3A_1368, %add3A_1369 : i32
    %dma_start3A_1371 = arith.constant 0 : i32
    %dma_start3A_1372 = tpu.memref_slice %arg6[%add3A_1370, %dma_start3A_1371] : memref<128x128xf32, #tpu.memory_space<vmem>> -> memref<1x128xf32, #tpu.memory_space<vmem>>
    %dma_start3A_1373 = tpu.memref_squeeze %dma_start3A_1372 : memref<1x128xf32, #tpu.memory_space<vmem>> -> memref<128xf32, #tpu.memory_space<vmem>>
    %dma_start3A_1374 = arith.constant 0 : i32
    %dma_start3A_1375 = tpu.memref_slice %arg5[%add3A_1366, %dma_start3A_1374] : memref<128x128xi32, #tpu.memory_space<vmem>> -> memref<1x128xi32, #tpu.memory_space<vmem>>
    %dma_start3A_1376 = tpu.memref_squeeze %dma_start3A_1375 : memref<1x128xi32, #tpu.memory_space<vmem>> -> memref<128xi32, #tpu.memory_space<vmem>>
    %dma_start3A_1377 = arith.constant 0 : i32
    %dma_start3A_1378 = tpu.memref_slice %arg3[%dma_start3A_1377] : memref<32000000xf32, #tpu.memory_space<hbm>> -> memref<32000000xf32, #tpu.memory_space<hbm>>
    tpu.enqueue_indirect_dma source(%dma_start3A_1378 : memref<32000000xf32, #tpu.memory_space<hbm>>) target(%dma_start3A_1373 : memref<128xf32, #tpu.memory_space<vmem>>) offsets(%dma_start3A_1376 : memref<128xi32, #tpu.memory_space<vmem>>) semaphore(%arg7 : memref<!tpu.dma_semaphore, #tpu.memory_space<semaphore_mem>>)
    %mul3A_1379 = arith.constant 128 : i32
    %mul3A_1380 = arith.muli %scan3A_3, %mul3A_1379 : i32
    %add3A_1381 = arith.constant 86 : i32
    %add3A_1382 = arith.addi %mul3A_1380, %add3A_1381 : i32
    %mul3A_1383 = arith.constant 128 : i32
    %mul3A_1384 = arith.muli %scan3A_3, %mul3A_1383 : i32
    %add3A_1385 = arith.constant 86 : i32
    %add3A_1386 = arith.addi %mul3A_1384, %add3A_1385 : i32
    %dma_start3A_1387 = arith.constant 0 : i32
    %dma_start3A_1388 = tpu.memref_slice %arg6[%add3A_1386, %dma_start3A_1387] : memref<128x128xf32, #tpu.memory_space<vmem>> -> memref<1x128xf32, #tpu.memory_space<vmem>>
    %dma_start3A_1389 = tpu.memref_squeeze %dma_start3A_1388 : memref<1x128xf32, #tpu.memory_space<vmem>> -> memref<128xf32, #tpu.memory_space<vmem>>
    %dma_start3A_1390 = arith.constant 0 : i32
    %dma_start3A_1391 = tpu.memref_slice %arg5[%add3A_1382, %dma_start3A_1390] : memref<128x128xi32, #tpu.memory_space<vmem>> -> memref<1x128xi32, #tpu.memory_space<vmem>>
    %dma_start3A_1392 = tpu.memref_squeeze %dma_start3A_1391 : memref<1x128xi32, #tpu.memory_space<vmem>> -> memref<128xi32, #tpu.memory_space<vmem>>
    %dma_start3A_1393 = arith.constant 0 : i32
    %dma_start3A_1394 = tpu.memref_slice %arg3[%dma_start3A_1393] : memref<32000000xf32, #tpu.memory_space<hbm>> -> memref<32000000xf32, #tpu.memory_space<hbm>>
    tpu.enqueue_indirect_dma source(%dma_start3A_1394 : memref<32000000xf32, #tpu.memory_space<hbm>>) target(%dma_start3A_1389 : memref<128xf32, #tpu.memory_space<vmem>>) offsets(%dma_start3A_1392 : memref<128xi32, #tpu.memory_space<vmem>>) semaphore(%arg7 : memref<!tpu.dma_semaphore, #tpu.memory_space<semaphore_mem>>)
    %mul3A_1395 = arith.constant 128 : i32
    %mul3A_1396 = arith.muli %scan3A_3, %mul3A_1395 : i32
    %add3A_1397 = arith.constant 87 : i32
    %add3A_1398 = arith.addi %mul3A_1396, %add3A_1397 : i32
    %mul3A_1399 = arith.constant 128 : i32
    %mul3A_1400 = arith.muli %scan3A_3, %mul3A_1399 : i32
    %add3A_1401 = arith.constant 87 : i32
    %add3A_1402 = arith.addi %mul3A_1400, %add3A_1401 : i32
    %dma_start3A_1403 = arith.constant 0 : i32
    %dma_start3A_1404 = tpu.memref_slice %arg6[%add3A_1402, %dma_start3A_1403] : memref<128x128xf32, #tpu.memory_space<vmem>> -> memref<1x128xf32, #tpu.memory_space<vmem>>
    %dma_start3A_1405 = tpu.memref_squeeze %dma_start3A_1404 : memref<1x128xf32, #tpu.memory_space<vmem>> -> memref<128xf32, #tpu.memory_space<vmem>>
    %dma_start3A_1406 = arith.constant 0 : i32
    %dma_start3A_1407 = tpu.memref_slice %arg5[%add3A_1398, %dma_start3A_1406] : memref<128x128xi32, #tpu.memory_space<vmem>> -> memref<1x128xi32, #tpu.memory_space<vmem>>
    %dma_start3A_1408 = tpu.memref_squeeze %dma_start3A_1407 : memref<1x128xi32, #tpu.memory_space<vmem>> -> memref<128xi32, #tpu.memory_space<vmem>>
    %dma_start3A_1409 = arith.constant 0 : i32
    %dma_start3A_1410 = tpu.memref_slice %arg3[%dma_start3A_1409] : memref<32000000xf32, #tpu.memory_space<hbm>> -> memref<32000000xf32, #tpu.memory_space<hbm>>
    tpu.enqueue_indirect_dma source(%dma_start3A_1410 : memref<32000000xf32, #tpu.memory_space<hbm>>) target(%dma_start3A_1405 : memref<128xf32, #tpu.memory_space<vmem>>) offsets(%dma_start3A_1408 : memref<128xi32, #tpu.memory_space<vmem>>) semaphore(%arg7 : memref<!tpu.dma_semaphore, #tpu.memory_space<semaphore_mem>>)
    %mul3A_1411 = arith.constant 128 : i32
    %mul3A_1412 = arith.muli %scan3A_3, %mul3A_1411 : i32
    %add3A_1413 = arith.constant 88 : i32
    %add3A_1414 = arith.addi %mul3A_1412, %add3A_1413 : i32
    %mul3A_1415 = arith.constant 128 : i32
    %mul3A_1416 = arith.muli %scan3A_3, %mul3A_1415 : i32
    %add3A_1417 = arith.constant 88 : i32
    %add3A_1418 = arith.addi %mul3A_1416, %add3A_1417 : i32
    %dma_start3A_1419 = arith.constant 0 : i32
    %dma_start3A_1420 = tpu.memref_slice %arg6[%add3A_1418, %dma_start3A_1419] : memref<128x128xf32, #tpu.memory_space<vmem>> -> memref<1x128xf32, #tpu.memory_space<vmem>>
    %dma_start3A_1421 = tpu.memref_squeeze %dma_start3A_1420 : memref<1x128xf32, #tpu.memory_space<vmem>> -> memref<128xf32, #tpu.memory_space<vmem>>
    %dma_start3A_1422 = arith.constant 0 : i32
    %dma_start3A_1423 = tpu.memref_slice %arg5[%add3A_1414, %dma_start3A_1422] : memref<128x128xi32, #tpu.memory_space<vmem>> -> memref<1x128xi32, #tpu.memory_space<vmem>>
    %dma_start3A_1424 = tpu.memref_squeeze %dma_start3A_1423 : memref<1x128xi32, #tpu.memory_space<vmem>> -> memref<128xi32, #tpu.memory_space<vmem>>
    %dma_start3A_1425 = arith.constant 0 : i32
    %dma_start3A_1426 = tpu.memref_slice %arg3[%dma_start3A_1425] : memref<32000000xf32, #tpu.memory_space<hbm>> -> memref<32000000xf32, #tpu.memory_space<hbm>>
    tpu.enqueue_indirect_dma source(%dma_start3A_1426 : memref<32000000xf32, #tpu.memory_space<hbm>>) target(%dma_start3A_1421 : memref<128xf32, #tpu.memory_space<vmem>>) offsets(%dma_start3A_1424 : memref<128xi32, #tpu.memory_space<vmem>>) semaphore(%arg7 : memref<!tpu.dma_semaphore, #tpu.memory_space<semaphore_mem>>)
    %mul3A_1427 = arith.constant 128 : i32
    %mul3A_1428 = arith.muli %scan3A_3, %mul3A_1427 : i32
    %add3A_1429 = arith.constant 89 : i32
    %add3A_1430 = arith.addi %mul3A_1428, %add3A_1429 : i32
    %mul3A_1431 = arith.constant 128 : i32
    %mul3A_1432 = arith.muli %scan3A_3, %mul3A_1431 : i32
    %add3A_1433 = arith.constant 89 : i32
    %add3A_1434 = arith.addi %mul3A_1432, %add3A_1433 : i32
    %dma_start3A_1435 = arith.constant 0 : i32
    %dma_start3A_1436 = tpu.memref_slice %arg6[%add3A_1434, %dma_start3A_1435] : memref<128x128xf32, #tpu.memory_space<vmem>> -> memref<1x128xf32, #tpu.memory_space<vmem>>
    %dma_start3A_1437 = tpu.memref_squeeze %dma_start3A_1436 : memref<1x128xf32, #tpu.memory_space<vmem>> -> memref<128xf32, #tpu.memory_space<vmem>>
    %dma_start3A_1438 = arith.constant 0 : i32
    %dma_start3A_1439 = tpu.memref_slice %arg5[%add3A_1430, %dma_start3A_1438] : memref<128x128xi32, #tpu.memory_space<vmem>> -> memref<1x128xi32, #tpu.memory_space<vmem>>
    %dma_start3A_1440 = tpu.memref_squeeze %dma_start3A_1439 : memref<1x128xi32, #tpu.memory_space<vmem>> -> memref<128xi32, #tpu.memory_space<vmem>>
    %dma_start3A_1441 = arith.constant 0 : i32
    %dma_start3A_1442 = tpu.memref_slice %arg3[%dma_start3A_1441] : memref<32000000xf32, #tpu.memory_space<hbm>> -> memref<32000000xf32, #tpu.memory_space<hbm>>
    tpu.enqueue_indirect_dma source(%dma_start3A_1442 : memref<32000000xf32, #tpu.memory_space<hbm>>) target(%dma_start3A_1437 : memref<128xf32, #tpu.memory_space<vmem>>) offsets(%dma_start3A_1440 : memref<128xi32, #tpu.memory_space<vmem>>) semaphore(%arg7 : memref<!tpu.dma_semaphore, #tpu.memory_space<semaphore_mem>>)
    %mul3A_1443 = arith.constant 128 : i32
    %mul3A_1444 = arith.muli %scan3A_3, %mul3A_1443 : i32
    %add3A_1445 = arith.constant 90 : i32
    %add3A_1446 = arith.addi %mul3A_1444, %add3A_1445 : i32
    %mul3A_1447 = arith.constant 128 : i32
    %mul3A_1448 = arith.muli %scan3A_3, %mul3A_1447 : i32
    %add3A_1449 = arith.constant 90 : i32
    %add3A_1450 = arith.addi %mul3A_1448, %add3A_1449 : i32
    %dma_start3A_1451 = arith.constant 0 : i32
    %dma_start3A_1452 = tpu.memref_slice %arg6[%add3A_1450, %dma_start3A_1451] : memref<128x128xf32, #tpu.memory_space<vmem>> -> memref<1x128xf32, #tpu.memory_space<vmem>>
    %dma_start3A_1453 = tpu.memref_squeeze %dma_start3A_1452 : memref<1x128xf32, #tpu.memory_space<vmem>> -> memref<128xf32, #tpu.memory_space<vmem>>
    %dma_start3A_1454 = arith.constant 0 : i32
    %dma_start3A_1455 = tpu.memref_slice %arg5[%add3A_1446, %dma_start3A_1454] : memref<128x128xi32, #tpu.memory_space<vmem>> -> memref<1x128xi32, #tpu.memory_space<vmem>>
    %dma_start3A_1456 = tpu.memref_squeeze %dma_start3A_1455 : memref<1x128xi32, #tpu.memory_space<vmem>> -> memref<128xi32, #tpu.memory_space<vmem>>
    %dma_start3A_1457 = arith.constant 0 : i32
    %dma_start3A_1458 = tpu.memref_slice %arg3[%dma_start3A_1457] : memref<32000000xf32, #tpu.memory_space<hbm>> -> memref<32000000xf32, #tpu.memory_space<hbm>>
    tpu.enqueue_indirect_dma source(%dma_start3A_1458 : memref<32000000xf32, #tpu.memory_space<hbm>>) target(%dma_start3A_1453 : memref<128xf32, #tpu.memory_space<vmem>>) offsets(%dma_start3A_1456 : memref<128xi32, #tpu.memory_space<vmem>>) semaphore(%arg7 : memref<!tpu.dma_semaphore, #tpu.memory_space<semaphore_mem>>)
    %mul3A_1459 = arith.constant 128 : i32
    %mul3A_1460 = arith.muli %scan3A_3, %mul3A_1459 : i32
    %add3A_1461 = arith.constant 91 : i32
    %add3A_1462 = arith.addi %mul3A_1460, %add3A_1461 : i32
    %mul3A_1463 = arith.constant 128 : i32
    %mul3A_1464 = arith.muli %scan3A_3, %mul3A_1463 : i32
    %add3A_1465 = arith.constant 91 : i32
    %add3A_1466 = arith.addi %mul3A_1464, %add3A_1465 : i32
    %dma_start3A_1467 = arith.constant 0 : i32
    %dma_start3A_1468 = tpu.memref_slice %arg6[%add3A_1466, %dma_start3A_1467] : memref<128x128xf32, #tpu.memory_space<vmem>> -> memref<1x128xf32, #tpu.memory_space<vmem>>
    %dma_start3A_1469 = tpu.memref_squeeze %dma_start3A_1468 : memref<1x128xf32, #tpu.memory_space<vmem>> -> memref<128xf32, #tpu.memory_space<vmem>>
    %dma_start3A_1470 = arith.constant 0 : i32
    %dma_start3A_1471 = tpu.memref_slice %arg5[%add3A_1462, %dma_start3A_1470] : memref<128x128xi32, #tpu.memory_space<vmem>> -> memref<1x128xi32, #tpu.memory_space<vmem>>
    %dma_start3A_1472 = tpu.memref_squeeze %dma_start3A_1471 : memref<1x128xi32, #tpu.memory_space<vmem>> -> memref<128xi32, #tpu.memory_space<vmem>>
    %dma_start3A_1473 = arith.constant 0 : i32
    %dma_start3A_1474 = tpu.memref_slice %arg3[%dma_start3A_1473] : memref<32000000xf32, #tpu.memory_space<hbm>> -> memref<32000000xf32, #tpu.memory_space<hbm>>
    tpu.enqueue_indirect_dma source(%dma_start3A_1474 : memref<32000000xf32, #tpu.memory_space<hbm>>) target(%dma_start3A_1469 : memref<128xf32, #tpu.memory_space<vmem>>) offsets(%dma_start3A_1472 : memref<128xi32, #tpu.memory_space<vmem>>) semaphore(%arg7 : memref<!tpu.dma_semaphore, #tpu.memory_space<semaphore_mem>>)
    %mul3A_1475 = arith.constant 128 : i32
    %mul3A_1476 = arith.muli %scan3A_3, %mul3A_1475 : i32
    %add3A_1477 = arith.constant 92 : i32
    %add3A_1478 = arith.addi %mul3A_1476, %add3A_1477 : i32
    %mul3A_1479 = arith.constant 128 : i32
    %mul3A_1480 = arith.muli %scan3A_3, %mul3A_1479 : i32
    %add3A_1481 = arith.constant 92 : i32
    %add3A_1482 = arith.addi %mul3A_1480, %add3A_1481 : i32
    %dma_start3A_1483 = arith.constant 0 : i32
    %dma_start3A_1484 = tpu.memref_slice %arg6[%add3A_1482, %dma_start3A_1483] : memref<128x128xf32, #tpu.memory_space<vmem>> -> memref<1x128xf32, #tpu.memory_space<vmem>>
    %dma_start3A_1485 = tpu.memref_squeeze %dma_start3A_1484 : memref<1x128xf32, #tpu.memory_space<vmem>> -> memref<128xf32, #tpu.memory_space<vmem>>
    %dma_start3A_1486 = arith.constant 0 : i32
    %dma_start3A_1487 = tpu.memref_slice %arg5[%add3A_1478, %dma_start3A_1486] : memref<128x128xi32, #tpu.memory_space<vmem>> -> memref<1x128xi32, #tpu.memory_space<vmem>>
    %dma_start3A_1488 = tpu.memref_squeeze %dma_start3A_1487 : memref<1x128xi32, #tpu.memory_space<vmem>> -> memref<128xi32, #tpu.memory_space<vmem>>
    %dma_start3A_1489 = arith.constant 0 : i32
    %dma_start3A_1490 = tpu.memref_slice %arg3[%dma_start3A_1489] : memref<32000000xf32, #tpu.memory_space<hbm>> -> memref<32000000xf32, #tpu.memory_space<hbm>>
    tpu.enqueue_indirect_dma source(%dma_start3A_1490 : memref<32000000xf32, #tpu.memory_space<hbm>>) target(%dma_start3A_1485 : memref<128xf32, #tpu.memory_space<vmem>>) offsets(%dma_start3A_1488 : memref<128xi32, #tpu.memory_space<vmem>>) semaphore(%arg7 : memref<!tpu.dma_semaphore, #tpu.memory_space<semaphore_mem>>)
    %mul3A_1491 = arith.constant 128 : i32
    %mul3A_1492 = arith.muli %scan3A_3, %mul3A_1491 : i32
    %add3A_1493 = arith.constant 93 : i32
    %add3A_1494 = arith.addi %mul3A_1492, %add3A_1493 : i32
    %mul3A_1495 = arith.constant 128 : i32
    %mul3A_1496 = arith.muli %scan3A_3, %mul3A_1495 : i32
    %add3A_1497 = arith.constant 93 : i32
    %add3A_1498 = arith.addi %mul3A_1496, %add3A_1497 : i32
    %dma_start3A_1499 = arith.constant 0 : i32
    %dma_start3A_1500 = tpu.memref_slice %arg6[%add3A_1498, %dma_start3A_1499] : memref<128x128xf32, #tpu.memory_space<vmem>> -> memref<1x128xf32, #tpu.memory_space<vmem>>
    %dma_start3A_1501 = tpu.memref_squeeze %dma_start3A_1500 : memref<1x128xf32, #tpu.memory_space<vmem>> -> memref<128xf32, #tpu.memory_space<vmem>>
    %dma_start3A_1502 = arith.constant 0 : i32
    %dma_start3A_1503 = tpu.memref_slice %arg5[%add3A_1494, %dma_start3A_1502] : memref<128x128xi32, #tpu.memory_space<vmem>> -> memref<1x128xi32, #tpu.memory_space<vmem>>
    %dma_start3A_1504 = tpu.memref_squeeze %dma_start3A_1503 : memref<1x128xi32, #tpu.memory_space<vmem>> -> memref<128xi32, #tpu.memory_space<vmem>>
    %dma_start3A_1505 = arith.constant 0 : i32
    %dma_start3A_1506 = tpu.memref_slice %arg3[%dma_start3A_1505] : memref<32000000xf32, #tpu.memory_space<hbm>> -> memref<32000000xf32, #tpu.memory_space<hbm>>
    tpu.enqueue_indirect_dma source(%dma_start3A_1506 : memref<32000000xf32, #tpu.memory_space<hbm>>) target(%dma_start3A_1501 : memref<128xf32, #tpu.memory_space<vmem>>) offsets(%dma_start3A_1504 : memref<128xi32, #tpu.memory_space<vmem>>) semaphore(%arg7 : memref<!tpu.dma_semaphore, #tpu.memory_space<semaphore_mem>>)
    %mul3A_1507 = arith.constant 128 : i32
    %mul3A_1508 = arith.muli %scan3A_3, %mul3A_1507 : i32
    %add3A_1509 = arith.constant 94 : i32
    %add3A_1510 = arith.addi %mul3A_1508, %add3A_1509 : i32
    %mul3A_1511 = arith.constant 128 : i32
    %mul3A_1512 = arith.muli %scan3A_3, %mul3A_1511 : i32
    %add3A_1513 = arith.constant 94 : i32
    %add3A_1514 = arith.addi %mul3A_1512, %add3A_1513 : i32
    %dma_start3A_1515 = arith.constant 0 : i32
    %dma_start3A_1516 = tpu.memref_slice %arg6[%add3A_1514, %dma_start3A_1515] : memref<128x128xf32, #tpu.memory_space<vmem>> -> memref<1x128xf32, #tpu.memory_space<vmem>>
    %dma_start3A_1517 = tpu.memref_squeeze %dma_start3A_1516 : memref<1x128xf32, #tpu.memory_space<vmem>> -> memref<128xf32, #tpu.memory_space<vmem>>
    %dma_start3A_1518 = arith.constant 0 : i32
    %dma_start3A_1519 = tpu.memref_slice %arg5[%add3A_1510, %dma_start3A_1518] : memref<128x128xi32, #tpu.memory_space<vmem>> -> memref<1x128xi32, #tpu.memory_space<vmem>>
    %dma_start3A_1520 = tpu.memref_squeeze %dma_start3A_1519 : memref<1x128xi32, #tpu.memory_space<vmem>> -> memref<128xi32, #tpu.memory_space<vmem>>
    %dma_start3A_1521 = arith.constant 0 : i32
    %dma_start3A_1522 = tpu.memref_slice %arg3[%dma_start3A_1521] : memref<32000000xf32, #tpu.memory_space<hbm>> -> memref<32000000xf32, #tpu.memory_space<hbm>>
    tpu.enqueue_indirect_dma source(%dma_start3A_1522 : memref<32000000xf32, #tpu.memory_space<hbm>>) target(%dma_start3A_1517 : memref<128xf32, #tpu.memory_space<vmem>>) offsets(%dma_start3A_1520 : memref<128xi32, #tpu.memory_space<vmem>>) semaphore(%arg7 : memref<!tpu.dma_semaphore, #tpu.memory_space<semaphore_mem>>)
    %mul3A_1523 = arith.constant 128 : i32
    %mul3A_1524 = arith.muli %scan3A_3, %mul3A_1523 : i32
    %add3A_1525 = arith.constant 95 : i32
    %add3A_1526 = arith.addi %mul3A_1524, %add3A_1525 : i32
    %mul3A_1527 = arith.constant 128 : i32
    %mul3A_1528 = arith.muli %scan3A_3, %mul3A_1527 : i32
    %add3A_1529 = arith.constant 95 : i32
    %add3A_1530 = arith.addi %mul3A_1528, %add3A_1529 : i32
    %dma_start3A_1531 = arith.constant 0 : i32
    %dma_start3A_1532 = tpu.memref_slice %arg6[%add3A_1530, %dma_start3A_1531] : memref<128x128xf32, #tpu.memory_space<vmem>> -> memref<1x128xf32, #tpu.memory_space<vmem>>
    %dma_start3A_1533 = tpu.memref_squeeze %dma_start3A_1532 : memref<1x128xf32, #tpu.memory_space<vmem>> -> memref<128xf32, #tpu.memory_space<vmem>>
    %dma_start3A_1534 = arith.constant 0 : i32
    %dma_start3A_1535 = tpu.memref_slice %arg5[%add3A_1526, %dma_start3A_1534] : memref<128x128xi32, #tpu.memory_space<vmem>> -> memref<1x128xi32, #tpu.memory_space<vmem>>
    %dma_start3A_1536 = tpu.memref_squeeze %dma_start3A_1535 : memref<1x128xi32, #tpu.memory_space<vmem>> -> memref<128xi32, #tpu.memory_space<vmem>>
    %dma_start3A_1537 = arith.constant 0 : i32
    %dma_start3A_1538 = tpu.memref_slice %arg3[%dma_start3A_1537] : memref<32000000xf32, #tpu.memory_space<hbm>> -> memref<32000000xf32, #tpu.memory_space<hbm>>
    tpu.enqueue_indirect_dma source(%dma_start3A_1538 : memref<32000000xf32, #tpu.memory_space<hbm>>) target(%dma_start3A_1533 : memref<128xf32, #tpu.memory_space<vmem>>) offsets(%dma_start3A_1536 : memref<128xi32, #tpu.memory_space<vmem>>) semaphore(%arg7 : memref<!tpu.dma_semaphore, #tpu.memory_space<semaphore_mem>>)
    %mul3A_1539 = arith.constant 128 : i32
    %mul3A_1540 = arith.muli %scan3A_3, %mul3A_1539 : i32
    %add3A_1541 = arith.constant 96 : i32
    %add3A_1542 = arith.addi %mul3A_1540, %add3A_1541 : i32
    %mul3A_1543 = arith.constant 128 : i32
    %mul3A_1544 = arith.muli %scan3A_3, %mul3A_1543 : i32
    %add3A_1545 = arith.constant 96 : i32
    %add3A_1546 = arith.addi %mul3A_1544, %add3A_1545 : i32
    %dma_start3A_1547 = arith.constant 0 : i32
    %dma_start3A_1548 = tpu.memref_slice %arg6[%add3A_1546, %dma_start3A_1547] : memref<128x128xf32, #tpu.memory_space<vmem>> -> memref<1x128xf32, #tpu.memory_space<vmem>>
    %dma_start3A_1549 = tpu.memref_squeeze %dma_start3A_1548 : memref<1x128xf32, #tpu.memory_space<vmem>> -> memref<128xf32, #tpu.memory_space<vmem>>
    %dma_start3A_1550 = arith.constant 0 : i32
    %dma_start3A_1551 = tpu.memref_slice %arg5[%add3A_1542, %dma_start3A_1550] : memref<128x128xi32, #tpu.memory_space<vmem>> -> memref<1x128xi32, #tpu.memory_space<vmem>>
    %dma_start3A_1552 = tpu.memref_squeeze %dma_start3A_1551 : memref<1x128xi32, #tpu.memory_space<vmem>> -> memref<128xi32, #tpu.memory_space<vmem>>
    %dma_start3A_1553 = arith.constant 0 : i32
    %dma_start3A_1554 = tpu.memref_slice %arg3[%dma_start3A_1553] : memref<32000000xf32, #tpu.memory_space<hbm>> -> memref<32000000xf32, #tpu.memory_space<hbm>>
    tpu.enqueue_indirect_dma source(%dma_start3A_1554 : memref<32000000xf32, #tpu.memory_space<hbm>>) target(%dma_start3A_1549 : memref<128xf32, #tpu.memory_space<vmem>>) offsets(%dma_start3A_1552 : memref<128xi32, #tpu.memory_space<vmem>>) semaphore(%arg7 : memref<!tpu.dma_semaphore, #tpu.memory_space<semaphore_mem>>)
    %mul3A_1555 = arith.constant 128 : i32
    %mul3A_1556 = arith.muli %scan3A_3, %mul3A_1555 : i32
    %add3A_1557 = arith.constant 97 : i32
    %add3A_1558 = arith.addi %mul3A_1556, %add3A_1557 : i32
    %mul3A_1559 = arith.constant 128 : i32
    %mul3A_1560 = arith.muli %scan3A_3, %mul3A_1559 : i32
    %add3A_1561 = arith.constant 97 : i32
    %add3A_1562 = arith.addi %mul3A_1560, %add3A_1561 : i32
    %dma_start3A_1563 = arith.constant 0 : i32
    %dma_start3A_1564 = tpu.memref_slice %arg6[%add3A_1562, %dma_start3A_1563] : memref<128x128xf32, #tpu.memory_space<vmem>> -> memref<1x128xf32, #tpu.memory_space<vmem>>
    %dma_start3A_1565 = tpu.memref_squeeze %dma_start3A_1564 : memref<1x128xf32, #tpu.memory_space<vmem>> -> memref<128xf32, #tpu.memory_space<vmem>>
    %dma_start3A_1566 = arith.constant 0 : i32
    %dma_start3A_1567 = tpu.memref_slice %arg5[%add3A_1558, %dma_start3A_1566] : memref<128x128xi32, #tpu.memory_space<vmem>> -> memref<1x128xi32, #tpu.memory_space<vmem>>
    %dma_start3A_1568 = tpu.memref_squeeze %dma_start3A_1567 : memref<1x128xi32, #tpu.memory_space<vmem>> -> memref<128xi32, #tpu.memory_space<vmem>>
    %dma_start3A_1569 = arith.constant 0 : i32
    %dma_start3A_1570 = tpu.memref_slice %arg3[%dma_start3A_1569] : memref<32000000xf32, #tpu.memory_space<hbm>> -> memref<32000000xf32, #tpu.memory_space<hbm>>
    tpu.enqueue_indirect_dma source(%dma_start3A_1570 : memref<32000000xf32, #tpu.memory_space<hbm>>) target(%dma_start3A_1565 : memref<128xf32, #tpu.memory_space<vmem>>) offsets(%dma_start3A_1568 : memref<128xi32, #tpu.memory_space<vmem>>) semaphore(%arg7 : memref<!tpu.dma_semaphore, #tpu.memory_space<semaphore_mem>>)
    %mul3A_1571 = arith.constant 128 : i32
    %mul3A_1572 = arith.muli %scan3A_3, %mul3A_1571 : i32
    %add3A_1573 = arith.constant 98 : i32
    %add3A_1574 = arith.addi %mul3A_1572, %add3A_1573 : i32
    %mul3A_1575 = arith.constant 128 : i32
    %mul3A_1576 = arith.muli %scan3A_3, %mul3A_1575 : i32
    %add3A_1577 = arith.constant 98 : i32
    %add3A_1578 = arith.addi %mul3A_1576, %add3A_1577 : i32
    %dma_start3A_1579 = arith.constant 0 : i32
    %dma_start3A_1580 = tpu.memref_slice %arg6[%add3A_1578, %dma_start3A_1579] : memref<128x128xf32, #tpu.memory_space<vmem>> -> memref<1x128xf32, #tpu.memory_space<vmem>>
    %dma_start3A_1581 = tpu.memref_squeeze %dma_start3A_1580 : memref<1x128xf32, #tpu.memory_space<vmem>> -> memref<128xf32, #tpu.memory_space<vmem>>
    %dma_start3A_1582 = arith.constant 0 : i32
    %dma_start3A_1583 = tpu.memref_slice %arg5[%add3A_1574, %dma_start3A_1582] : memref<128x128xi32, #tpu.memory_space<vmem>> -> memref<1x128xi32, #tpu.memory_space<vmem>>
    %dma_start3A_1584 = tpu.memref_squeeze %dma_start3A_1583 : memref<1x128xi32, #tpu.memory_space<vmem>> -> memref<128xi32, #tpu.memory_space<vmem>>
    %dma_start3A_1585 = arith.constant 0 : i32
    %dma_start3A_1586 = tpu.memref_slice %arg3[%dma_start3A_1585] : memref<32000000xf32, #tpu.memory_space<hbm>> -> memref<32000000xf32, #tpu.memory_space<hbm>>
    tpu.enqueue_indirect_dma source(%dma_start3A_1586 : memref<32000000xf32, #tpu.memory_space<hbm>>) target(%dma_start3A_1581 : memref<128xf32, #tpu.memory_space<vmem>>) offsets(%dma_start3A_1584 : memref<128xi32, #tpu.memory_space<vmem>>) semaphore(%arg7 : memref<!tpu.dma_semaphore, #tpu.memory_space<semaphore_mem>>)
    %mul3A_1587 = arith.constant 128 : i32
    %mul3A_1588 = arith.muli %scan3A_3, %mul3A_1587 : i32
    %add3A_1589 = arith.constant 99 : i32
    %add3A_1590 = arith.addi %mul3A_1588, %add3A_1589 : i32
    %mul3A_1591 = arith.constant 128 : i32
    %mul3A_1592 = arith.muli %scan3A_3, %mul3A_1591 : i32
    %add3A_1593 = arith.constant 99 : i32
    %add3A_1594 = arith.addi %mul3A_1592, %add3A_1593 : i32
    %dma_start3A_1595 = arith.constant 0 : i32
    %dma_start3A_1596 = tpu.memref_slice %arg6[%add3A_1594, %dma_start3A_1595] : memref<128x128xf32, #tpu.memory_space<vmem>> -> memref<1x128xf32, #tpu.memory_space<vmem>>
    %dma_start3A_1597 = tpu.memref_squeeze %dma_start3A_1596 : memref<1x128xf32, #tpu.memory_space<vmem>> -> memref<128xf32, #tpu.memory_space<vmem>>
    %dma_start3A_1598 = arith.constant 0 : i32
    %dma_start3A_1599 = tpu.memref_slice %arg5[%add3A_1590, %dma_start3A_1598] : memref<128x128xi32, #tpu.memory_space<vmem>> -> memref<1x128xi32, #tpu.memory_space<vmem>>
    %dma_start3A_1600 = tpu.memref_squeeze %dma_start3A_1599 : memref<1x128xi32, #tpu.memory_space<vmem>> -> memref<128xi32, #tpu.memory_space<vmem>>
    %dma_start3A_1601 = arith.constant 0 : i32
    %dma_start3A_1602 = tpu.memref_slice %arg3[%dma_start3A_1601] : memref<32000000xf32, #tpu.memory_space<hbm>> -> memref<32000000xf32, #tpu.memory_space<hbm>>
    tpu.enqueue_indirect_dma source(%dma_start3A_1602 : memref<32000000xf32, #tpu.memory_space<hbm>>) target(%dma_start3A_1597 : memref<128xf32, #tpu.memory_space<vmem>>) offsets(%dma_start3A_1600 : memref<128xi32, #tpu.memory_space<vmem>>) semaphore(%arg7 : memref<!tpu.dma_semaphore, #tpu.memory_space<semaphore_mem>>)
    %mul3A_1603 = arith.constant 128 : i32
    %mul3A_1604 = arith.muli %scan3A_3, %mul3A_1603 : i32
    %add3A_1605 = arith.constant 100 : i32
    %add3A_1606 = arith.addi %mul3A_1604, %add3A_1605 : i32
    %mul3A_1607 = arith.constant 128 : i32
    %mul3A_1608 = arith.muli %scan3A_3, %mul3A_1607 : i32
    %add3A_1609 = arith.constant 100 : i32
    %add3A_1610 = arith.addi %mul3A_1608, %add3A_1609 : i32
    %dma_start3A_1611 = arith.constant 0 : i32
    %dma_start3A_1612 = tpu.memref_slice %arg6[%add3A_1610, %dma_start3A_1611] : memref<128x128xf32, #tpu.memory_space<vmem>> -> memref<1x128xf32, #tpu.memory_space<vmem>>
    %dma_start3A_1613 = tpu.memref_squeeze %dma_start3A_1612 : memref<1x128xf32, #tpu.memory_space<vmem>> -> memref<128xf32, #tpu.memory_space<vmem>>
    %dma_start3A_1614 = arith.constant 0 : i32
    %dma_start3A_1615 = tpu.memref_slice %arg5[%add3A_1606, %dma_start3A_1614] : memref<128x128xi32, #tpu.memory_space<vmem>> -> memref<1x128xi32, #tpu.memory_space<vmem>>
    %dma_start3A_1616 = tpu.memref_squeeze %dma_start3A_1615 : memref<1x128xi32, #tpu.memory_space<vmem>> -> memref<128xi32, #tpu.memory_space<vmem>>
    %dma_start3A_1617 = arith.constant 0 : i32
    %dma_start3A_1618 = tpu.memref_slice %arg3[%dma_start3A_1617] : memref<32000000xf32, #tpu.memory_space<hbm>> -> memref<32000000xf32, #tpu.memory_space<hbm>>
    tpu.enqueue_indirect_dma source(%dma_start3A_1618 : memref<32000000xf32, #tpu.memory_space<hbm>>) target(%dma_start3A_1613 : memref<128xf32, #tpu.memory_space<vmem>>) offsets(%dma_start3A_1616 : memref<128xi32, #tpu.memory_space<vmem>>) semaphore(%arg7 : memref<!tpu.dma_semaphore, #tpu.memory_space<semaphore_mem>>)
    %mul3A_1619 = arith.constant 128 : i32
    %mul3A_1620 = arith.muli %scan3A_3, %mul3A_1619 : i32
    %add3A_1621 = arith.constant 101 : i32
    %add3A_1622 = arith.addi %mul3A_1620, %add3A_1621 : i32
    %mul3A_1623 = arith.constant 128 : i32
    %mul3A_1624 = arith.muli %scan3A_3, %mul3A_1623 : i32
    %add3A_1625 = arith.constant 101 : i32
    %add3A_1626 = arith.addi %mul3A_1624, %add3A_1625 : i32
    %dma_start3A_1627 = arith.constant 0 : i32
    %dma_start3A_1628 = tpu.memref_slice %arg6[%add3A_1626, %dma_start3A_1627] : memref<128x128xf32, #tpu.memory_space<vmem>> -> memref<1x128xf32, #tpu.memory_space<vmem>>
    %dma_start3A_1629 = tpu.memref_squeeze %dma_start3A_1628 : memref<1x128xf32, #tpu.memory_space<vmem>> -> memref<128xf32, #tpu.memory_space<vmem>>
    %dma_start3A_1630 = arith.constant 0 : i32
    %dma_start3A_1631 = tpu.memref_slice %arg5[%add3A_1622, %dma_start3A_1630] : memref<128x128xi32, #tpu.memory_space<vmem>> -> memref<1x128xi32, #tpu.memory_space<vmem>>
    %dma_start3A_1632 = tpu.memref_squeeze %dma_start3A_1631 : memref<1x128xi32, #tpu.memory_space<vmem>> -> memref<128xi32, #tpu.memory_space<vmem>>
    %dma_start3A_1633 = arith.constant 0 : i32
    %dma_start3A_1634 = tpu.memref_slice %arg3[%dma_start3A_1633] : memref<32000000xf32, #tpu.memory_space<hbm>> -> memref<32000000xf32, #tpu.memory_space<hbm>>
    tpu.enqueue_indirect_dma source(%dma_start3A_1634 : memref<32000000xf32, #tpu.memory_space<hbm>>) target(%dma_start3A_1629 : memref<128xf32, #tpu.memory_space<vmem>>) offsets(%dma_start3A_1632 : memref<128xi32, #tpu.memory_space<vmem>>) semaphore(%arg7 : memref<!tpu.dma_semaphore, #tpu.memory_space<semaphore_mem>>)
    %mul3A_1635 = arith.constant 128 : i32
    %mul3A_1636 = arith.muli %scan3A_3, %mul3A_1635 : i32
    %add3A_1637 = arith.constant 102 : i32
    %add3A_1638 = arith.addi %mul3A_1636, %add3A_1637 : i32
    %mul3A_1639 = arith.constant 128 : i32
    %mul3A_1640 = arith.muli %scan3A_3, %mul3A_1639 : i32
    %add3A_1641 = arith.constant 102 : i32
    %add3A_1642 = arith.addi %mul3A_1640, %add3A_1641 : i32
    %dma_start3A_1643 = arith.constant 0 : i32
    %dma_start3A_1644 = tpu.memref_slice %arg6[%add3A_1642, %dma_start3A_1643] : memref<128x128xf32, #tpu.memory_space<vmem>> -> memref<1x128xf32, #tpu.memory_space<vmem>>
    %dma_start3A_1645 = tpu.memref_squeeze %dma_start3A_1644 : memref<1x128xf32, #tpu.memory_space<vmem>> -> memref<128xf32, #tpu.memory_space<vmem>>
    %dma_start3A_1646 = arith.constant 0 : i32
    %dma_start3A_1647 = tpu.memref_slice %arg5[%add3A_1638, %dma_start3A_1646] : memref<128x128xi32, #tpu.memory_space<vmem>> -> memref<1x128xi32, #tpu.memory_space<vmem>>
    %dma_start3A_1648 = tpu.memref_squeeze %dma_start3A_1647 : memref<1x128xi32, #tpu.memory_space<vmem>> -> memref<128xi32, #tpu.memory_space<vmem>>
    %dma_start3A_1649 = arith.constant 0 : i32
    %dma_start3A_1650 = tpu.memref_slice %arg3[%dma_start3A_1649] : memref<32000000xf32, #tpu.memory_space<hbm>> -> memref<32000000xf32, #tpu.memory_space<hbm>>
    tpu.enqueue_indirect_dma source(%dma_start3A_1650 : memref<32000000xf32, #tpu.memory_space<hbm>>) target(%dma_start3A_1645 : memref<128xf32, #tpu.memory_space<vmem>>) offsets(%dma_start3A_1648 : memref<128xi32, #tpu.memory_space<vmem>>) semaphore(%arg7 : memref<!tpu.dma_semaphore, #tpu.memory_space<semaphore_mem>>)
    %mul3A_1651 = arith.constant 128 : i32
    %mul3A_1652 = arith.muli %scan3A_3, %mul3A_1651 : i32
    %add3A_1653 = arith.constant 103 : i32
    %add3A_1654 = arith.addi %mul3A_1652, %add3A_1653 : i32
    %mul3A_1655 = arith.constant 128 : i32
    %mul3A_1656 = arith.muli %scan3A_3, %mul3A_1655 : i32
    %add3A_1657 = arith.constant 103 : i32
    %add3A_1658 = arith.addi %mul3A_1656, %add3A_1657 : i32
    %dma_start3A_1659 = arith.constant 0 : i32
    %dma_start3A_1660 = tpu.memref_slice %arg6[%add3A_1658, %dma_start3A_1659] : memref<128x128xf32, #tpu.memory_space<vmem>> -> memref<1x128xf32, #tpu.memory_space<vmem>>
    %dma_start3A_1661 = tpu.memref_squeeze %dma_start3A_1660 : memref<1x128xf32, #tpu.memory_space<vmem>> -> memref<128xf32, #tpu.memory_space<vmem>>
    %dma_start3A_1662 = arith.constant 0 : i32
    %dma_start3A_1663 = tpu.memref_slice %arg5[%add3A_1654, %dma_start3A_1662] : memref<128x128xi32, #tpu.memory_space<vmem>> -> memref<1x128xi32, #tpu.memory_space<vmem>>
    %dma_start3A_1664 = tpu.memref_squeeze %dma_start3A_1663 : memref<1x128xi32, #tpu.memory_space<vmem>> -> memref<128xi32, #tpu.memory_space<vmem>>
    %dma_start3A_1665 = arith.constant 0 : i32
    %dma_start3A_1666 = tpu.memref_slice %arg3[%dma_start3A_1665] : memref<32000000xf32, #tpu.memory_space<hbm>> -> memref<32000000xf32, #tpu.memory_space<hbm>>
    tpu.enqueue_indirect_dma source(%dma_start3A_1666 : memref<32000000xf32, #tpu.memory_space<hbm>>) target(%dma_start3A_1661 : memref<128xf32, #tpu.memory_space<vmem>>) offsets(%dma_start3A_1664 : memref<128xi32, #tpu.memory_space<vmem>>) semaphore(%arg7 : memref<!tpu.dma_semaphore, #tpu.memory_space<semaphore_mem>>)
    %mul3A_1667 = arith.constant 128 : i32
    %mul3A_1668 = arith.muli %scan3A_3, %mul3A_1667 : i32
    %add3A_1669 = arith.constant 104 : i32
    %add3A_1670 = arith.addi %mul3A_1668, %add3A_1669 : i32
    %mul3A_1671 = arith.constant 128 : i32
    %mul3A_1672 = arith.muli %scan3A_3, %mul3A_1671 : i32
    %add3A_1673 = arith.constant 104 : i32
    %add3A_1674 = arith.addi %mul3A_1672, %add3A_1673 : i32
    %dma_start3A_1675 = arith.constant 0 : i32
    %dma_start3A_1676 = tpu.memref_slice %arg6[%add3A_1674, %dma_start3A_1675] : memref<128x128xf32, #tpu.memory_space<vmem>> -> memref<1x128xf32, #tpu.memory_space<vmem>>
    %dma_start3A_1677 = tpu.memref_squeeze %dma_start3A_1676 : memref<1x128xf32, #tpu.memory_space<vmem>> -> memref<128xf32, #tpu.memory_space<vmem>>
    %dma_start3A_1678 = arith.constant 0 : i32
    %dma_start3A_1679 = tpu.memref_slice %arg5[%add3A_1670, %dma_start3A_1678] : memref<128x128xi32, #tpu.memory_space<vmem>> -> memref<1x128xi32, #tpu.memory_space<vmem>>
    %dma_start3A_1680 = tpu.memref_squeeze %dma_start3A_1679 : memref<1x128xi32, #tpu.memory_space<vmem>> -> memref<128xi32, #tpu.memory_space<vmem>>
    %dma_start3A_1681 = arith.constant 0 : i32
    %dma_start3A_1682 = tpu.memref_slice %arg3[%dma_start3A_1681] : memref<32000000xf32, #tpu.memory_space<hbm>> -> memref<32000000xf32, #tpu.memory_space<hbm>>
    tpu.enqueue_indirect_dma source(%dma_start3A_1682 : memref<32000000xf32, #tpu.memory_space<hbm>>) target(%dma_start3A_1677 : memref<128xf32, #tpu.memory_space<vmem>>) offsets(%dma_start3A_1680 : memref<128xi32, #tpu.memory_space<vmem>>) semaphore(%arg7 : memref<!tpu.dma_semaphore, #tpu.memory_space<semaphore_mem>>)
    %mul3A_1683 = arith.constant 128 : i32
    %mul3A_1684 = arith.muli %scan3A_3, %mul3A_1683 : i32
    %add3A_1685 = arith.constant 105 : i32
    %add3A_1686 = arith.addi %mul3A_1684, %add3A_1685 : i32
    %mul3A_1687 = arith.constant 128 : i32
    %mul3A_1688 = arith.muli %scan3A_3, %mul3A_1687 : i32
    %add3A_1689 = arith.constant 105 : i32
    %add3A_1690 = arith.addi %mul3A_1688, %add3A_1689 : i32
    %dma_start3A_1691 = arith.constant 0 : i32
    %dma_start3A_1692 = tpu.memref_slice %arg6[%add3A_1690, %dma_start3A_1691] : memref<128x128xf32, #tpu.memory_space<vmem>> -> memref<1x128xf32, #tpu.memory_space<vmem>>
    %dma_start3A_1693 = tpu.memref_squeeze %dma_start3A_1692 : memref<1x128xf32, #tpu.memory_space<vmem>> -> memref<128xf32, #tpu.memory_space<vmem>>
    %dma_start3A_1694 = arith.constant 0 : i32
    %dma_start3A_1695 = tpu.memref_slice %arg5[%add3A_1686, %dma_start3A_1694] : memref<128x128xi32, #tpu.memory_space<vmem>> -> memref<1x128xi32, #tpu.memory_space<vmem>>
    %dma_start3A_1696 = tpu.memref_squeeze %dma_start3A_1695 : memref<1x128xi32, #tpu.memory_space<vmem>> -> memref<128xi32, #tpu.memory_space<vmem>>
    %dma_start3A_1697 = arith.constant 0 : i32
    %dma_start3A_1698 = tpu.memref_slice %arg3[%dma_start3A_1697] : memref<32000000xf32, #tpu.memory_space<hbm>> -> memref<32000000xf32, #tpu.memory_space<hbm>>
    tpu.enqueue_indirect_dma source(%dma_start3A_1698 : memref<32000000xf32, #tpu.memory_space<hbm>>) target(%dma_start3A_1693 : memref<128xf32, #tpu.memory_space<vmem>>) offsets(%dma_start3A_1696 : memref<128xi32, #tpu.memory_space<vmem>>) semaphore(%arg7 : memref<!tpu.dma_semaphore, #tpu.memory_space<semaphore_mem>>)
    %mul3A_1699 = arith.constant 128 : i32
    %mul3A_1700 = arith.muli %scan3A_3, %mul3A_1699 : i32
    %add3A_1701 = arith.constant 106 : i32
    %add3A_1702 = arith.addi %mul3A_1700, %add3A_1701 : i32
    %mul3A_1703 = arith.constant 128 : i32
    %mul3A_1704 = arith.muli %scan3A_3, %mul3A_1703 : i32
    %add3A_1705 = arith.constant 106 : i32
    %add3A_1706 = arith.addi %mul3A_1704, %add3A_1705 : i32
    %dma_start3A_1707 = arith.constant 0 : i32
    %dma_start3A_1708 = tpu.memref_slice %arg6[%add3A_1706, %dma_start3A_1707] : memref<128x128xf32, #tpu.memory_space<vmem>> -> memref<1x128xf32, #tpu.memory_space<vmem>>
    %dma_start3A_1709 = tpu.memref_squeeze %dma_start3A_1708 : memref<1x128xf32, #tpu.memory_space<vmem>> -> memref<128xf32, #tpu.memory_space<vmem>>
    %dma_start3A_1710 = arith.constant 0 : i32
    %dma_start3A_1711 = tpu.memref_slice %arg5[%add3A_1702, %dma_start3A_1710] : memref<128x128xi32, #tpu.memory_space<vmem>> -> memref<1x128xi32, #tpu.memory_space<vmem>>
    %dma_start3A_1712 = tpu.memref_squeeze %dma_start3A_1711 : memref<1x128xi32, #tpu.memory_space<vmem>> -> memref<128xi32, #tpu.memory_space<vmem>>
    %dma_start3A_1713 = arith.constant 0 : i32
    %dma_start3A_1714 = tpu.memref_slice %arg3[%dma_start3A_1713] : memref<32000000xf32, #tpu.memory_space<hbm>> -> memref<32000000xf32, #tpu.memory_space<hbm>>
    tpu.enqueue_indirect_dma source(%dma_start3A_1714 : memref<32000000xf32, #tpu.memory_space<hbm>>) target(%dma_start3A_1709 : memref<128xf32, #tpu.memory_space<vmem>>) offsets(%dma_start3A_1712 : memref<128xi32, #tpu.memory_space<vmem>>) semaphore(%arg7 : memref<!tpu.dma_semaphore, #tpu.memory_space<semaphore_mem>>)
    %mul3A_1715 = arith.constant 128 : i32
    %mul3A_1716 = arith.muli %scan3A_3, %mul3A_1715 : i32
    %add3A_1717 = arith.constant 107 : i32
    %add3A_1718 = arith.addi %mul3A_1716, %add3A_1717 : i32
    %mul3A_1719 = arith.constant 128 : i32
    %mul3A_1720 = arith.muli %scan3A_3, %mul3A_1719 : i32
    %add3A_1721 = arith.constant 107 : i32
    %add3A_1722 = arith.addi %mul3A_1720, %add3A_1721 : i32
    %dma_start3A_1723 = arith.constant 0 : i32
    %dma_start3A_1724 = tpu.memref_slice %arg6[%add3A_1722, %dma_start3A_1723] : memref<128x128xf32, #tpu.memory_space<vmem>> -> memref<1x128xf32, #tpu.memory_space<vmem>>
    %dma_start3A_1725 = tpu.memref_squeeze %dma_start3A_1724 : memref<1x128xf32, #tpu.memory_space<vmem>> -> memref<128xf32, #tpu.memory_space<vmem>>
    %dma_start3A_1726 = arith.constant 0 : i32
    %dma_start3A_1727 = tpu.memref_slice %arg5[%add3A_1718, %dma_start3A_1726] : memref<128x128xi32, #tpu.memory_space<vmem>> -> memref<1x128xi32, #tpu.memory_space<vmem>>
    %dma_start3A_1728 = tpu.memref_squeeze %dma_start3A_1727 : memref<1x128xi32, #tpu.memory_space<vmem>> -> memref<128xi32, #tpu.memory_space<vmem>>
    %dma_start3A_1729 = arith.constant 0 : i32
    %dma_start3A_1730 = tpu.memref_slice %arg3[%dma_start3A_1729] : memref<32000000xf32, #tpu.memory_space<hbm>> -> memref<32000000xf32, #tpu.memory_space<hbm>>
    tpu.enqueue_indirect_dma source(%dma_start3A_1730 : memref<32000000xf32, #tpu.memory_space<hbm>>) target(%dma_start3A_1725 : memref<128xf32, #tpu.memory_space<vmem>>) offsets(%dma_start3A_1728 : memref<128xi32, #tpu.memory_space<vmem>>) semaphore(%arg7 : memref<!tpu.dma_semaphore, #tpu.memory_space<semaphore_mem>>)
    %mul3A_1731 = arith.constant 128 : i32
    %mul3A_1732 = arith.muli %scan3A_3, %mul3A_1731 : i32
    %add3A_1733 = arith.constant 108 : i32
    %add3A_1734 = arith.addi %mul3A_1732, %add3A_1733 : i32
    %mul3A_1735 = arith.constant 128 : i32
    %mul3A_1736 = arith.muli %scan3A_3, %mul3A_1735 : i32
    %add3A_1737 = arith.constant 108 : i32
    %add3A_1738 = arith.addi %mul3A_1736, %add3A_1737 : i32
    %dma_start3A_1739 = arith.constant 0 : i32
    %dma_start3A_1740 = tpu.memref_slice %arg6[%add3A_1738, %dma_start3A_1739] : memref<128x128xf32, #tpu.memory_space<vmem>> -> memref<1x128xf32, #tpu.memory_space<vmem>>
    %dma_start3A_1741 = tpu.memref_squeeze %dma_start3A_1740 : memref<1x128xf32, #tpu.memory_space<vmem>> -> memref<128xf32, #tpu.memory_space<vmem>>
    %dma_start3A_1742 = arith.constant 0 : i32
    %dma_start3A_1743 = tpu.memref_slice %arg5[%add3A_1734, %dma_start3A_1742] : memref<128x128xi32, #tpu.memory_space<vmem>> -> memref<1x128xi32, #tpu.memory_space<vmem>>
    %dma_start3A_1744 = tpu.memref_squeeze %dma_start3A_1743 : memref<1x128xi32, #tpu.memory_space<vmem>> -> memref<128xi32, #tpu.memory_space<vmem>>
    %dma_start3A_1745 = arith.constant 0 : i32
    %dma_start3A_1746 = tpu.memref_slice %arg3[%dma_start3A_1745] : memref<32000000xf32, #tpu.memory_space<hbm>> -> memref<32000000xf32, #tpu.memory_space<hbm>>
    tpu.enqueue_indirect_dma source(%dma_start3A_1746 : memref<32000000xf32, #tpu.memory_space<hbm>>) target(%dma_start3A_1741 : memref<128xf32, #tpu.memory_space<vmem>>) offsets(%dma_start3A_1744 : memref<128xi32, #tpu.memory_space<vmem>>) semaphore(%arg7 : memref<!tpu.dma_semaphore, #tpu.memory_space<semaphore_mem>>)
    %mul3A_1747 = arith.constant 128 : i32
    %mul3A_1748 = arith.muli %scan3A_3, %mul3A_1747 : i32
    %add3A_1749 = arith.constant 109 : i32
    %add3A_1750 = arith.addi %mul3A_1748, %add3A_1749 : i32
    %mul3A_1751 = arith.constant 128 : i32
    %mul3A_1752 = arith.muli %scan3A_3, %mul3A_1751 : i32
    %add3A_1753 = arith.constant 109 : i32
    %add3A_1754 = arith.addi %mul3A_1752, %add3A_1753 : i32
    %dma_start3A_1755 = arith.constant 0 : i32
    %dma_start3A_1756 = tpu.memref_slice %arg6[%add3A_1754, %dma_start3A_1755] : memref<128x128xf32, #tpu.memory_space<vmem>> -> memref<1x128xf32, #tpu.memory_space<vmem>>
    %dma_start3A_1757 = tpu.memref_squeeze %dma_start3A_1756 : memref<1x128xf32, #tpu.memory_space<vmem>> -> memref<128xf32, #tpu.memory_space<vmem>>
    %dma_start3A_1758 = arith.constant 0 : i32
    %dma_start3A_1759 = tpu.memref_slice %arg5[%add3A_1750, %dma_start3A_1758] : memref<128x128xi32, #tpu.memory_space<vmem>> -> memref<1x128xi32, #tpu.memory_space<vmem>>
    %dma_start3A_1760 = tpu.memref_squeeze %dma_start3A_1759 : memref<1x128xi32, #tpu.memory_space<vmem>> -> memref<128xi32, #tpu.memory_space<vmem>>
    %dma_start3A_1761 = arith.constant 0 : i32
    %dma_start3A_1762 = tpu.memref_slice %arg3[%dma_start3A_1761] : memref<32000000xf32, #tpu.memory_space<hbm>> -> memref<32000000xf32, #tpu.memory_space<hbm>>
    tpu.enqueue_indirect_dma source(%dma_start3A_1762 : memref<32000000xf32, #tpu.memory_space<hbm>>) target(%dma_start3A_1757 : memref<128xf32, #tpu.memory_space<vmem>>) offsets(%dma_start3A_1760 : memref<128xi32, #tpu.memory_space<vmem>>) semaphore(%arg7 : memref<!tpu.dma_semaphore, #tpu.memory_space<semaphore_mem>>)
    %mul3A_1763 = arith.constant 128 : i32
    %mul3A_1764 = arith.muli %scan3A_3, %mul3A_1763 : i32
    %add3A_1765 = arith.constant 110 : i32
    %add3A_1766 = arith.addi %mul3A_1764, %add3A_1765 : i32
    %mul3A_1767 = arith.constant 128 : i32
    %mul3A_1768 = arith.muli %scan3A_3, %mul3A_1767 : i32
    %add3A_1769 = arith.constant 110 : i32
    %add3A_1770 = arith.addi %mul3A_1768, %add3A_1769 : i32
    %dma_start3A_1771 = arith.constant 0 : i32
    %dma_start3A_1772 = tpu.memref_slice %arg6[%add3A_1770, %dma_start3A_1771] : memref<128x128xf32, #tpu.memory_space<vmem>> -> memref<1x128xf32, #tpu.memory_space<vmem>>
    %dma_start3A_1773 = tpu.memref_squeeze %dma_start3A_1772 : memref<1x128xf32, #tpu.memory_space<vmem>> -> memref<128xf32, #tpu.memory_space<vmem>>
    %dma_start3A_1774 = arith.constant 0 : i32
    %dma_start3A_1775 = tpu.memref_slice %arg5[%add3A_1766, %dma_start3A_1774] : memref<128x128xi32, #tpu.memory_space<vmem>> -> memref<1x128xi32, #tpu.memory_space<vmem>>
    %dma_start3A_1776 = tpu.memref_squeeze %dma_start3A_1775 : memref<1x128xi32, #tpu.memory_space<vmem>> -> memref<128xi32, #tpu.memory_space<vmem>>
    %dma_start3A_1777 = arith.constant 0 : i32
    %dma_start3A_1778 = tpu.memref_slice %arg3[%dma_start3A_1777] : memref<32000000xf32, #tpu.memory_space<hbm>> -> memref<32000000xf32, #tpu.memory_space<hbm>>
    tpu.enqueue_indirect_dma source(%dma_start3A_1778 : memref<32000000xf32, #tpu.memory_space<hbm>>) target(%dma_start3A_1773 : memref<128xf32, #tpu.memory_space<vmem>>) offsets(%dma_start3A_1776 : memref<128xi32, #tpu.memory_space<vmem>>) semaphore(%arg7 : memref<!tpu.dma_semaphore, #tpu.memory_space<semaphore_mem>>)
    %mul3A_1779 = arith.constant 128 : i32
    %mul3A_1780 = arith.muli %scan3A_3, %mul3A_1779 : i32
    %add3A_1781 = arith.constant 111 : i32
    %add3A_1782 = arith.addi %mul3A_1780, %add3A_1781 : i32
    %mul3A_1783 = arith.constant 128 : i32
    %mul3A_1784 = arith.muli %scan3A_3, %mul3A_1783 : i32
    %add3A_1785 = arith.constant 111 : i32
    %add3A_1786 = arith.addi %mul3A_1784, %add3A_1785 : i32
    %dma_start3A_1787 = arith.constant 0 : i32
    %dma_start3A_1788 = tpu.memref_slice %arg6[%add3A_1786, %dma_start3A_1787] : memref<128x128xf32, #tpu.memory_space<vmem>> -> memref<1x128xf32, #tpu.memory_space<vmem>>
    %dma_start3A_1789 = tpu.memref_squeeze %dma_start3A_1788 : memref<1x128xf32, #tpu.memory_space<vmem>> -> memref<128xf32, #tpu.memory_space<vmem>>
    %dma_start3A_1790 = arith.constant 0 : i32
    %dma_start3A_1791 = tpu.memref_slice %arg5[%add3A_1782, %dma_start3A_1790] : memref<128x128xi32, #tpu.memory_space<vmem>> -> memref<1x128xi32, #tpu.memory_space<vmem>>
    %dma_start3A_1792 = tpu.memref_squeeze %dma_start3A_1791 : memref<1x128xi32, #tpu.memory_space<vmem>> -> memref<128xi32, #tpu.memory_space<vmem>>
    %dma_start3A_1793 = arith.constant 0 : i32
    %dma_start3A_1794 = tpu.memref_slice %arg3[%dma_start3A_1793] : memref<32000000xf32, #tpu.memory_space<hbm>> -> memref<32000000xf32, #tpu.memory_space<hbm>>
    tpu.enqueue_indirect_dma source(%dma_start3A_1794 : memref<32000000xf32, #tpu.memory_space<hbm>>) target(%dma_start3A_1789 : memref<128xf32, #tpu.memory_space<vmem>>) offsets(%dma_start3A_1792 : memref<128xi32, #tpu.memory_space<vmem>>) semaphore(%arg7 : memref<!tpu.dma_semaphore, #tpu.memory_space<semaphore_mem>>)
    %mul3A_1795 = arith.constant 128 : i32
    %mul3A_1796 = arith.muli %scan3A_3, %mul3A_1795 : i32
    %add3A_1797 = arith.constant 112 : i32
    %add3A_1798 = arith.addi %mul3A_1796, %add3A_1797 : i32
    %mul3A_1799 = arith.constant 128 : i32
    %mul3A_1800 = arith.muli %scan3A_3, %mul3A_1799 : i32
    %add3A_1801 = arith.constant 112 : i32
    %add3A_1802 = arith.addi %mul3A_1800, %add3A_1801 : i32
    %dma_start3A_1803 = arith.constant 0 : i32
    %dma_start3A_1804 = tpu.memref_slice %arg6[%add3A_1802, %dma_start3A_1803] : memref<128x128xf32, #tpu.memory_space<vmem>> -> memref<1x128xf32, #tpu.memory_space<vmem>>
    %dma_start3A_1805 = tpu.memref_squeeze %dma_start3A_1804 : memref<1x128xf32, #tpu.memory_space<vmem>> -> memref<128xf32, #tpu.memory_space<vmem>>
    %dma_start3A_1806 = arith.constant 0 : i32
    %dma_start3A_1807 = tpu.memref_slice %arg5[%add3A_1798, %dma_start3A_1806] : memref<128x128xi32, #tpu.memory_space<vmem>> -> memref<1x128xi32, #tpu.memory_space<vmem>>
    %dma_start3A_1808 = tpu.memref_squeeze %dma_start3A_1807 : memref<1x128xi32, #tpu.memory_space<vmem>> -> memref<128xi32, #tpu.memory_space<vmem>>
    %dma_start3A_1809 = arith.constant 0 : i32
    %dma_start3A_1810 = tpu.memref_slice %arg3[%dma_start3A_1809] : memref<32000000xf32, #tpu.memory_space<hbm>> -> memref<32000000xf32, #tpu.memory_space<hbm>>
    tpu.enqueue_indirect_dma source(%dma_start3A_1810 : memref<32000000xf32, #tpu.memory_space<hbm>>) target(%dma_start3A_1805 : memref<128xf32, #tpu.memory_space<vmem>>) offsets(%dma_start3A_1808 : memref<128xi32, #tpu.memory_space<vmem>>) semaphore(%arg7 : memref<!tpu.dma_semaphore, #tpu.memory_space<semaphore_mem>>)
    %mul3A_1811 = arith.constant 128 : i32
    %mul3A_1812 = arith.muli %scan3A_3, %mul3A_1811 : i32
    %add3A_1813 = arith.constant 113 : i32
    %add3A_1814 = arith.addi %mul3A_1812, %add3A_1813 : i32
    %mul3A_1815 = arith.constant 128 : i32
    %mul3A_1816 = arith.muli %scan3A_3, %mul3A_1815 : i32
    %add3A_1817 = arith.constant 113 : i32
    %add3A_1818 = arith.addi %mul3A_1816, %add3A_1817 : i32
    %dma_start3A_1819 = arith.constant 0 : i32
    %dma_start3A_1820 = tpu.memref_slice %arg6[%add3A_1818, %dma_start3A_1819] : memref<128x128xf32, #tpu.memory_space<vmem>> -> memref<1x128xf32, #tpu.memory_space<vmem>>
    %dma_start3A_1821 = tpu.memref_squeeze %dma_start3A_1820 : memref<1x128xf32, #tpu.memory_space<vmem>> -> memref<128xf32, #tpu.memory_space<vmem>>
    %dma_start3A_1822 = arith.constant 0 : i32
    %dma_start3A_1823 = tpu.memref_slice %arg5[%add3A_1814, %dma_start3A_1822] : memref<128x128xi32, #tpu.memory_space<vmem>> -> memref<1x128xi32, #tpu.memory_space<vmem>>
    %dma_start3A_1824 = tpu.memref_squeeze %dma_start3A_1823 : memref<1x128xi32, #tpu.memory_space<vmem>> -> memref<128xi32, #tpu.memory_space<vmem>>
    %dma_start3A_1825 = arith.constant 0 : i32
    %dma_start3A_1826 = tpu.memref_slice %arg3[%dma_start3A_1825] : memref<32000000xf32, #tpu.memory_space<hbm>> -> memref<32000000xf32, #tpu.memory_space<hbm>>
    tpu.enqueue_indirect_dma source(%dma_start3A_1826 : memref<32000000xf32, #tpu.memory_space<hbm>>) target(%dma_start3A_1821 : memref<128xf32, #tpu.memory_space<vmem>>) offsets(%dma_start3A_1824 : memref<128xi32, #tpu.memory_space<vmem>>) semaphore(%arg7 : memref<!tpu.dma_semaphore, #tpu.memory_space<semaphore_mem>>)
    %mul3A_1827 = arith.constant 128 : i32
    %mul3A_1828 = arith.muli %scan3A_3, %mul3A_1827 : i32
    %add3A_1829 = arith.constant 114 : i32
    %add3A_1830 = arith.addi %mul3A_1828, %add3A_1829 : i32
    %mul3A_1831 = arith.constant 128 : i32
    %mul3A_1832 = arith.muli %scan3A_3, %mul3A_1831 : i32
    %add3A_1833 = arith.constant 114 : i32
    %add3A_1834 = arith.addi %mul3A_1832, %add3A_1833 : i32
    %dma_start3A_1835 = arith.constant 0 : i32
    %dma_start3A_1836 = tpu.memref_slice %arg6[%add3A_1834, %dma_start3A_1835] : memref<128x128xf32, #tpu.memory_space<vmem>> -> memref<1x128xf32, #tpu.memory_space<vmem>>
    %dma_start3A_1837 = tpu.memref_squeeze %dma_start3A_1836 : memref<1x128xf32, #tpu.memory_space<vmem>> -> memref<128xf32, #tpu.memory_space<vmem>>
    %dma_start3A_1838 = arith.constant 0 : i32
    %dma_start3A_1839 = tpu.memref_slice %arg5[%add3A_1830, %dma_start3A_1838] : memref<128x128xi32, #tpu.memory_space<vmem>> -> memref<1x128xi32, #tpu.memory_space<vmem>>
    %dma_start3A_1840 = tpu.memref_squeeze %dma_start3A_1839 : memref<1x128xi32, #tpu.memory_space<vmem>> -> memref<128xi32, #tpu.memory_space<vmem>>
    %dma_start3A_1841 = arith.constant 0 : i32
    %dma_start3A_1842 = tpu.memref_slice %arg3[%dma_start3A_1841] : memref<32000000xf32, #tpu.memory_space<hbm>> -> memref<32000000xf32, #tpu.memory_space<hbm>>
    tpu.enqueue_indirect_dma source(%dma_start3A_1842 : memref<32000000xf32, #tpu.memory_space<hbm>>) target(%dma_start3A_1837 : memref<128xf32, #tpu.memory_space<vmem>>) offsets(%dma_start3A_1840 : memref<128xi32, #tpu.memory_space<vmem>>) semaphore(%arg7 : memref<!tpu.dma_semaphore, #tpu.memory_space<semaphore_mem>>)
    %mul3A_1843 = arith.constant 128 : i32
    %mul3A_1844 = arith.muli %scan3A_3, %mul3A_1843 : i32
    %add3A_1845 = arith.constant 115 : i32
    %add3A_1846 = arith.addi %mul3A_1844, %add3A_1845 : i32
    %mul3A_1847 = arith.constant 128 : i32
    %mul3A_1848 = arith.muli %scan3A_3, %mul3A_1847 : i32
    %add3A_1849 = arith.constant 115 : i32
    %add3A_1850 = arith.addi %mul3A_1848, %add3A_1849 : i32
    %dma_start3A_1851 = arith.constant 0 : i32
    %dma_start3A_1852 = tpu.memref_slice %arg6[%add3A_1850, %dma_start3A_1851] : memref<128x128xf32, #tpu.memory_space<vmem>> -> memref<1x128xf32, #tpu.memory_space<vmem>>
    %dma_start3A_1853 = tpu.memref_squeeze %dma_start3A_1852 : memref<1x128xf32, #tpu.memory_space<vmem>> -> memref<128xf32, #tpu.memory_space<vmem>>
    %dma_start3A_1854 = arith.constant 0 : i32
    %dma_start3A_1855 = tpu.memref_slice %arg5[%add3A_1846, %dma_start3A_1854] : memref<128x128xi32, #tpu.memory_space<vmem>> -> memref<1x128xi32, #tpu.memory_space<vmem>>
    %dma_start3A_1856 = tpu.memref_squeeze %dma_start3A_1855 : memref<1x128xi32, #tpu.memory_space<vmem>> -> memref<128xi32, #tpu.memory_space<vmem>>
    %dma_start3A_1857 = arith.constant 0 : i32
    %dma_start3A_1858 = tpu.memref_slice %arg3[%dma_start3A_1857] : memref<32000000xf32, #tpu.memory_space<hbm>> -> memref<32000000xf32, #tpu.memory_space<hbm>>
    tpu.enqueue_indirect_dma source(%dma_start3A_1858 : memref<32000000xf32, #tpu.memory_space<hbm>>) target(%dma_start3A_1853 : memref<128xf32, #tpu.memory_space<vmem>>) offsets(%dma_start3A_1856 : memref<128xi32, #tpu.memory_space<vmem>>) semaphore(%arg7 : memref<!tpu.dma_semaphore, #tpu.memory_space<semaphore_mem>>)
    %mul3A_1859 = arith.constant 128 : i32
    %mul3A_1860 = arith.muli %scan3A_3, %mul3A_1859 : i32
    %add3A_1861 = arith.constant 116 : i32
    %add3A_1862 = arith.addi %mul3A_1860, %add3A_1861 : i32
    %mul3A_1863 = arith.constant 128 : i32
    %mul3A_1864 = arith.muli %scan3A_3, %mul3A_1863 : i32
    %add3A_1865 = arith.constant 116 : i32
    %add3A_1866 = arith.addi %mul3A_1864, %add3A_1865 : i32
    %dma_start3A_1867 = arith.constant 0 : i32
    %dma_start3A_1868 = tpu.memref_slice %arg6[%add3A_1866, %dma_start3A_1867] : memref<128x128xf32, #tpu.memory_space<vmem>> -> memref<1x128xf32, #tpu.memory_space<vmem>>
    %dma_start3A_1869 = tpu.memref_squeeze %dma_start3A_1868 : memref<1x128xf32, #tpu.memory_space<vmem>> -> memref<128xf32, #tpu.memory_space<vmem>>
    %dma_start3A_1870 = arith.constant 0 : i32
    %dma_start3A_1871 = tpu.memref_slice %arg5[%add3A_1862, %dma_start3A_1870] : memref<128x128xi32, #tpu.memory_space<vmem>> -> memref<1x128xi32, #tpu.memory_space<vmem>>
    %dma_start3A_1872 = tpu.memref_squeeze %dma_start3A_1871 : memref<1x128xi32, #tpu.memory_space<vmem>> -> memref<128xi32, #tpu.memory_space<vmem>>
    %dma_start3A_1873 = arith.constant 0 : i32
    %dma_start3A_1874 = tpu.memref_slice %arg3[%dma_start3A_1873] : memref<32000000xf32, #tpu.memory_space<hbm>> -> memref<32000000xf32, #tpu.memory_space<hbm>>
    tpu.enqueue_indirect_dma source(%dma_start3A_1874 : memref<32000000xf32, #tpu.memory_space<hbm>>) target(%dma_start3A_1869 : memref<128xf32, #tpu.memory_space<vmem>>) offsets(%dma_start3A_1872 : memref<128xi32, #tpu.memory_space<vmem>>) semaphore(%arg7 : memref<!tpu.dma_semaphore, #tpu.memory_space<semaphore_mem>>)
    %mul3A_1875 = arith.constant 128 : i32
    %mul3A_1876 = arith.muli %scan3A_3, %mul3A_1875 : i32
    %add3A_1877 = arith.constant 117 : i32
    %add3A_1878 = arith.addi %mul3A_1876, %add3A_1877 : i32
    %mul3A_1879 = arith.constant 128 : i32
    %mul3A_1880 = arith.muli %scan3A_3, %mul3A_1879 : i32
    %add3A_1881 = arith.constant 117 : i32
    %add3A_1882 = arith.addi %mul3A_1880, %add3A_1881 : i32
    %dma_start3A_1883 = arith.constant 0 : i32
    %dma_start3A_1884 = tpu.memref_slice %arg6[%add3A_1882, %dma_start3A_1883] : memref<128x128xf32, #tpu.memory_space<vmem>> -> memref<1x128xf32, #tpu.memory_space<vmem>>
    %dma_start3A_1885 = tpu.memref_squeeze %dma_start3A_1884 : memref<1x128xf32, #tpu.memory_space<vmem>> -> memref<128xf32, #tpu.memory_space<vmem>>
    %dma_start3A_1886 = arith.constant 0 : i32
    %dma_start3A_1887 = tpu.memref_slice %arg5[%add3A_1878, %dma_start3A_1886] : memref<128x128xi32, #tpu.memory_space<vmem>> -> memref<1x128xi32, #tpu.memory_space<vmem>>
    %dma_start3A_1888 = tpu.memref_squeeze %dma_start3A_1887 : memref<1x128xi32, #tpu.memory_space<vmem>> -> memref<128xi32, #tpu.memory_space<vmem>>
    %dma_start3A_1889 = arith.constant 0 : i32
    %dma_start3A_1890 = tpu.memref_slice %arg3[%dma_start3A_1889] : memref<32000000xf32, #tpu.memory_space<hbm>> -> memref<32000000xf32, #tpu.memory_space<hbm>>
    tpu.enqueue_indirect_dma source(%dma_start3A_1890 : memref<32000000xf32, #tpu.memory_space<hbm>>) target(%dma_start3A_1885 : memref<128xf32, #tpu.memory_space<vmem>>) offsets(%dma_start3A_1888 : memref<128xi32, #tpu.memory_space<vmem>>) semaphore(%arg7 : memref<!tpu.dma_semaphore, #tpu.memory_space<semaphore_mem>>)
    %mul3A_1891 = arith.constant 128 : i32
    %mul3A_1892 = arith.muli %scan3A_3, %mul3A_1891 : i32
    %add3A_1893 = arith.constant 118 : i32
    %add3A_1894 = arith.addi %mul3A_1892, %add3A_1893 : i32
    %mul3A_1895 = arith.constant 128 : i32
    %mul3A_1896 = arith.muli %scan3A_3, %mul3A_1895 : i32
    %add3A_1897 = arith.constant 118 : i32
    %add3A_1898 = arith.addi %mul3A_1896, %add3A_1897 : i32
    %dma_start3A_1899 = arith.constant 0 : i32
    %dma_start3A_1900 = tpu.memref_slice %arg6[%add3A_1898, %dma_start3A_1899] : memref<128x128xf32, #tpu.memory_space<vmem>> -> memref<1x128xf32, #tpu.memory_space<vmem>>
    %dma_start3A_1901 = tpu.memref_squeeze %dma_start3A_1900 : memref<1x128xf32, #tpu.memory_space<vmem>> -> memref<128xf32, #tpu.memory_space<vmem>>
    %dma_start3A_1902 = arith.constant 0 : i32
    %dma_start3A_1903 = tpu.memref_slice %arg5[%add3A_1894, %dma_start3A_1902] : memref<128x128xi32, #tpu.memory_space<vmem>> -> memref<1x128xi32, #tpu.memory_space<vmem>>
    %dma_start3A_1904 = tpu.memref_squeeze %dma_start3A_1903 : memref<1x128xi32, #tpu.memory_space<vmem>> -> memref<128xi32, #tpu.memory_space<vmem>>
    %dma_start3A_1905 = arith.constant 0 : i32
    %dma_start3A_1906 = tpu.memref_slice %arg3[%dma_start3A_1905] : memref<32000000xf32, #tpu.memory_space<hbm>> -> memref<32000000xf32, #tpu.memory_space<hbm>>
    tpu.enqueue_indirect_dma source(%dma_start3A_1906 : memref<32000000xf32, #tpu.memory_space<hbm>>) target(%dma_start3A_1901 : memref<128xf32, #tpu.memory_space<vmem>>) offsets(%dma_start3A_1904 : memref<128xi32, #tpu.memory_space<vmem>>) semaphore(%arg7 : memref<!tpu.dma_semaphore, #tpu.memory_space<semaphore_mem>>)
    %mul3A_1907 = arith.constant 128 : i32
    %mul3A_1908 = arith.muli %scan3A_3, %mul3A_1907 : i32
    %add3A_1909 = arith.constant 119 : i32
    %add3A_1910 = arith.addi %mul3A_1908, %add3A_1909 : i32
    %mul3A_1911 = arith.constant 128 : i32
    %mul3A_1912 = arith.muli %scan3A_3, %mul3A_1911 : i32
    %add3A_1913 = arith.constant 119 : i32
    %add3A_1914 = arith.addi %mul3A_1912, %add3A_1913 : i32
    %dma_start3A_1915 = arith.constant 0 : i32
    %dma_start3A_1916 = tpu.memref_slice %arg6[%add3A_1914, %dma_start3A_1915] : memref<128x128xf32, #tpu.memory_space<vmem>> -> memref<1x128xf32, #tpu.memory_space<vmem>>
    %dma_start3A_1917 = tpu.memref_squeeze %dma_start3A_1916 : memref<1x128xf32, #tpu.memory_space<vmem>> -> memref<128xf32, #tpu.memory_space<vmem>>
    %dma_start3A_1918 = arith.constant 0 : i32
    %dma_start3A_1919 = tpu.memref_slice %arg5[%add3A_1910, %dma_start3A_1918] : memref<128x128xi32, #tpu.memory_space<vmem>> -> memref<1x128xi32, #tpu.memory_space<vmem>>
    %dma_start3A_1920 = tpu.memref_squeeze %dma_start3A_1919 : memref<1x128xi32, #tpu.memory_space<vmem>> -> memref<128xi32, #tpu.memory_space<vmem>>
    %dma_start3A_1921 = arith.constant 0 : i32
    %dma_start3A_1922 = tpu.memref_slice %arg3[%dma_start3A_1921] : memref<32000000xf32, #tpu.memory_space<hbm>> -> memref<32000000xf32, #tpu.memory_space<hbm>>
    tpu.enqueue_indirect_dma source(%dma_start3A_1922 : memref<32000000xf32, #tpu.memory_space<hbm>>) target(%dma_start3A_1917 : memref<128xf32, #tpu.memory_space<vmem>>) offsets(%dma_start3A_1920 : memref<128xi32, #tpu.memory_space<vmem>>) semaphore(%arg7 : memref<!tpu.dma_semaphore, #tpu.memory_space<semaphore_mem>>)
    %mul3A_1923 = arith.constant 128 : i32
    %mul3A_1924 = arith.muli %scan3A_3, %mul3A_1923 : i32
    %add3A_1925 = arith.constant 120 : i32
    %add3A_1926 = arith.addi %mul3A_1924, %add3A_1925 : i32
    %mul3A_1927 = arith.constant 128 : i32
    %mul3A_1928 = arith.muli %scan3A_3, %mul3A_1927 : i32
    %add3A_1929 = arith.constant 120 : i32
    %add3A_1930 = arith.addi %mul3A_1928, %add3A_1929 : i32
    %dma_start3A_1931 = arith.constant 0 : i32
    %dma_start3A_1932 = tpu.memref_slice %arg6[%add3A_1930, %dma_start3A_1931] : memref<128x128xf32, #tpu.memory_space<vmem>> -> memref<1x128xf32, #tpu.memory_space<vmem>>
    %dma_start3A_1933 = tpu.memref_squeeze %dma_start3A_1932 : memref<1x128xf32, #tpu.memory_space<vmem>> -> memref<128xf32, #tpu.memory_space<vmem>>
    %dma_start3A_1934 = arith.constant 0 : i32
    %dma_start3A_1935 = tpu.memref_slice %arg5[%add3A_1926, %dma_start3A_1934] : memref<128x128xi32, #tpu.memory_space<vmem>> -> memref<1x128xi32, #tpu.memory_space<vmem>>
    %dma_start3A_1936 = tpu.memref_squeeze %dma_start3A_1935 : memref<1x128xi32, #tpu.memory_space<vmem>> -> memref<128xi32, #tpu.memory_space<vmem>>
    %dma_start3A_1937 = arith.constant 0 : i32
    %dma_start3A_1938 = tpu.memref_slice %arg3[%dma_start3A_1937] : memref<32000000xf32, #tpu.memory_space<hbm>> -> memref<32000000xf32, #tpu.memory_space<hbm>>
    tpu.enqueue_indirect_dma source(%dma_start3A_1938 : memref<32000000xf32, #tpu.memory_space<hbm>>) target(%dma_start3A_1933 : memref<128xf32, #tpu.memory_space<vmem>>) offsets(%dma_start3A_1936 : memref<128xi32, #tpu.memory_space<vmem>>) semaphore(%arg7 : memref<!tpu.dma_semaphore, #tpu.memory_space<semaphore_mem>>)
    %mul3A_1939 = arith.constant 128 : i32
    %mul3A_1940 = arith.muli %scan3A_3, %mul3A_1939 : i32
    %add3A_1941 = arith.constant 121 : i32
    %add3A_1942 = arith.addi %mul3A_1940, %add3A_1941 : i32
    %mul3A_1943 = arith.constant 128 : i32
    %mul3A_1944 = arith.muli %scan3A_3, %mul3A_1943 : i32
    %add3A_1945 = arith.constant 121 : i32
    %add3A_1946 = arith.addi %mul3A_1944, %add3A_1945 : i32
    %dma_start3A_1947 = arith.constant 0 : i32
    %dma_start3A_1948 = tpu.memref_slice %arg6[%add3A_1946, %dma_start3A_1947] : memref<128x128xf32, #tpu.memory_space<vmem>> -> memref<1x128xf32, #tpu.memory_space<vmem>>
    %dma_start3A_1949 = tpu.memref_squeeze %dma_start3A_1948 : memref<1x128xf32, #tpu.memory_space<vmem>> -> memref<128xf32, #tpu.memory_space<vmem>>
    %dma_start3A_1950 = arith.constant 0 : i32
    %dma_start3A_1951 = tpu.memref_slice %arg5[%add3A_1942, %dma_start3A_1950] : memref<128x128xi32, #tpu.memory_space<vmem>> -> memref<1x128xi32, #tpu.memory_space<vmem>>
    %dma_start3A_1952 = tpu.memref_squeeze %dma_start3A_1951 : memref<1x128xi32, #tpu.memory_space<vmem>> -> memref<128xi32, #tpu.memory_space<vmem>>
    %dma_start3A_1953 = arith.constant 0 : i32
    %dma_start3A_1954 = tpu.memref_slice %arg3[%dma_start3A_1953] : memref<32000000xf32, #tpu.memory_space<hbm>> -> memref<32000000xf32, #tpu.memory_space<hbm>>
    tpu.enqueue_indirect_dma source(%dma_start3A_1954 : memref<32000000xf32, #tpu.memory_space<hbm>>) target(%dma_start3A_1949 : memref<128xf32, #tpu.memory_space<vmem>>) offsets(%dma_start3A_1952 : memref<128xi32, #tpu.memory_space<vmem>>) semaphore(%arg7 : memref<!tpu.dma_semaphore, #tpu.memory_space<semaphore_mem>>)
    %mul3A_1955 = arith.constant 128 : i32
    %mul3A_1956 = arith.muli %scan3A_3, %mul3A_1955 : i32
    %add3A_1957 = arith.constant 122 : i32
    %add3A_1958 = arith.addi %mul3A_1956, %add3A_1957 : i32
    %mul3A_1959 = arith.constant 128 : i32
    %mul3A_1960 = arith.muli %scan3A_3, %mul3A_1959 : i32
    %add3A_1961 = arith.constant 122 : i32
    %add3A_1962 = arith.addi %mul3A_1960, %add3A_1961 : i32
    %dma_start3A_1963 = arith.constant 0 : i32
    %dma_start3A_1964 = tpu.memref_slice %arg6[%add3A_1962, %dma_start3A_1963] : memref<128x128xf32, #tpu.memory_space<vmem>> -> memref<1x128xf32, #tpu.memory_space<vmem>>
    %dma_start3A_1965 = tpu.memref_squeeze %dma_start3A_1964 : memref<1x128xf32, #tpu.memory_space<vmem>> -> memref<128xf32, #tpu.memory_space<vmem>>
    %dma_start3A_1966 = arith.constant 0 : i32
    %dma_start3A_1967 = tpu.memref_slice %arg5[%add3A_1958, %dma_start3A_1966] : memref<128x128xi32, #tpu.memory_space<vmem>> -> memref<1x128xi32, #tpu.memory_space<vmem>>
    %dma_start3A_1968 = tpu.memref_squeeze %dma_start3A_1967 : memref<1x128xi32, #tpu.memory_space<vmem>> -> memref<128xi32, #tpu.memory_space<vmem>>
    %dma_start3A_1969 = arith.constant 0 : i32
    %dma_start3A_1970 = tpu.memref_slice %arg3[%dma_start3A_1969] : memref<32000000xf32, #tpu.memory_space<hbm>> -> memref<32000000xf32, #tpu.memory_space<hbm>>
    tpu.enqueue_indirect_dma source(%dma_start3A_1970 : memref<32000000xf32, #tpu.memory_space<hbm>>) target(%dma_start3A_1965 : memref<128xf32, #tpu.memory_space<vmem>>) offsets(%dma_start3A_1968 : memref<128xi32, #tpu.memory_space<vmem>>) semaphore(%arg7 : memref<!tpu.dma_semaphore, #tpu.memory_space<semaphore_mem>>)
    %mul3A_1971 = arith.constant 128 : i32
    %mul3A_1972 = arith.muli %scan3A_3, %mul3A_1971 : i32
    %add3A_1973 = arith.constant 123 : i32
    %add3A_1974 = arith.addi %mul3A_1972, %add3A_1973 : i32
    %mul3A_1975 = arith.constant 128 : i32
    %mul3A_1976 = arith.muli %scan3A_3, %mul3A_1975 : i32
    %add3A_1977 = arith.constant 123 : i32
    %add3A_1978 = arith.addi %mul3A_1976, %add3A_1977 : i32
    %dma_start3A_1979 = arith.constant 0 : i32
    %dma_start3A_1980 = tpu.memref_slice %arg6[%add3A_1978, %dma_start3A_1979] : memref<128x128xf32, #tpu.memory_space<vmem>> -> memref<1x128xf32, #tpu.memory_space<vmem>>
    %dma_start3A_1981 = tpu.memref_squeeze %dma_start3A_1980 : memref<1x128xf32, #tpu.memory_space<vmem>> -> memref<128xf32, #tpu.memory_space<vmem>>
    %dma_start3A_1982 = arith.constant 0 : i32
    %dma_start3A_1983 = tpu.memref_slice %arg5[%add3A_1974, %dma_start3A_1982] : memref<128x128xi32, #tpu.memory_space<vmem>> -> memref<1x128xi32, #tpu.memory_space<vmem>>
    %dma_start3A_1984 = tpu.memref_squeeze %dma_start3A_1983 : memref<1x128xi32, #tpu.memory_space<vmem>> -> memref<128xi32, #tpu.memory_space<vmem>>
    %dma_start3A_1985 = arith.constant 0 : i32
    %dma_start3A_1986 = tpu.memref_slice %arg3[%dma_start3A_1985] : memref<32000000xf32, #tpu.memory_space<hbm>> -> memref<32000000xf32, #tpu.memory_space<hbm>>
    tpu.enqueue_indirect_dma source(%dma_start3A_1986 : memref<32000000xf32, #tpu.memory_space<hbm>>) target(%dma_start3A_1981 : memref<128xf32, #tpu.memory_space<vmem>>) offsets(%dma_start3A_1984 : memref<128xi32, #tpu.memory_space<vmem>>) semaphore(%arg7 : memref<!tpu.dma_semaphore, #tpu.memory_space<semaphore_mem>>)
    %mul3A_1987 = arith.constant 128 : i32
    %mul3A_1988 = arith.muli %scan3A_3, %mul3A_1987 : i32
    %add3A_1989 = arith.constant 124 : i32
    %add3A_1990 = arith.addi %mul3A_1988, %add3A_1989 : i32
    %mul3A_1991 = arith.constant 128 : i32
    %mul3A_1992 = arith.muli %scan3A_3, %mul3A_1991 : i32
    %add3A_1993 = arith.constant 124 : i32
    %add3A_1994 = arith.addi %mul3A_1992, %add3A_1993 : i32
    %dma_start3A_1995 = arith.constant 0 : i32
    %dma_start3A_1996 = tpu.memref_slice %arg6[%add3A_1994, %dma_start3A_1995] : memref<128x128xf32, #tpu.memory_space<vmem>> -> memref<1x128xf32, #tpu.memory_space<vmem>>
    %dma_start3A_1997 = tpu.memref_squeeze %dma_start3A_1996 : memref<1x128xf32, #tpu.memory_space<vmem>> -> memref<128xf32, #tpu.memory_space<vmem>>
    %dma_start3A_1998 = arith.constant 0 : i32
    %dma_start3A_1999 = tpu.memref_slice %arg5[%add3A_1990, %dma_start3A_1998] : memref<128x128xi32, #tpu.memory_space<vmem>> -> memref<1x128xi32, #tpu.memory_space<vmem>>
    %dma_start3A_2000 = tpu.memref_squeeze %dma_start3A_1999 : memref<1x128xi32, #tpu.memory_space<vmem>> -> memref<128xi32, #tpu.memory_space<vmem>>
    %dma_start3A_2001 = arith.constant 0 : i32
    %dma_start3A_2002 = tpu.memref_slice %arg3[%dma_start3A_2001] : memref<32000000xf32, #tpu.memory_space<hbm>> -> memref<32000000xf32, #tpu.memory_space<hbm>>
    tpu.enqueue_indirect_dma source(%dma_start3A_2002 : memref<32000000xf32, #tpu.memory_space<hbm>>) target(%dma_start3A_1997 : memref<128xf32, #tpu.memory_space<vmem>>) offsets(%dma_start3A_2000 : memref<128xi32, #tpu.memory_space<vmem>>) semaphore(%arg7 : memref<!tpu.dma_semaphore, #tpu.memory_space<semaphore_mem>>)
    %mul3A_2003 = arith.constant 128 : i32
    %mul3A_2004 = arith.muli %scan3A_3, %mul3A_2003 : i32
    %add3A_2005 = arith.constant 125 : i32
    %add3A_2006 = arith.addi %mul3A_2004, %add3A_2005 : i32
    %mul3A_2007 = arith.constant 128 : i32
    %mul3A_2008 = arith.muli %scan3A_3, %mul3A_2007 : i32
    %add3A_2009 = arith.constant 125 : i32
    %add3A_2010 = arith.addi %mul3A_2008, %add3A_2009 : i32
    %dma_start3A_2011 = arith.constant 0 : i32
    %dma_start3A_2012 = tpu.memref_slice %arg6[%add3A_2010, %dma_start3A_2011] : memref<128x128xf32, #tpu.memory_space<vmem>> -> memref<1x128xf32, #tpu.memory_space<vmem>>
    %dma_start3A_2013 = tpu.memref_squeeze %dma_start3A_2012 : memref<1x128xf32, #tpu.memory_space<vmem>> -> memref<128xf32, #tpu.memory_space<vmem>>
    %dma_start3A_2014 = arith.constant 0 : i32
    %dma_start3A_2015 = tpu.memref_slice %arg5[%add3A_2006, %dma_start3A_2014] : memref<128x128xi32, #tpu.memory_space<vmem>> -> memref<1x128xi32, #tpu.memory_space<vmem>>
    %dma_start3A_2016 = tpu.memref_squeeze %dma_start3A_2015 : memref<1x128xi32, #tpu.memory_space<vmem>> -> memref<128xi32, #tpu.memory_space<vmem>>
    %dma_start3A_2017 = arith.constant 0 : i32
    %dma_start3A_2018 = tpu.memref_slice %arg3[%dma_start3A_2017] : memref<32000000xf32, #tpu.memory_space<hbm>> -> memref<32000000xf32, #tpu.memory_space<hbm>>
    tpu.enqueue_indirect_dma source(%dma_start3A_2018 : memref<32000000xf32, #tpu.memory_space<hbm>>) target(%dma_start3A_2013 : memref<128xf32, #tpu.memory_space<vmem>>) offsets(%dma_start3A_2016 : memref<128xi32, #tpu.memory_space<vmem>>) semaphore(%arg7 : memref<!tpu.dma_semaphore, #tpu.memory_space<semaphore_mem>>)
    %mul3A_2019 = arith.constant 128 : i32
    %mul3A_2020 = arith.muli %scan3A_3, %mul3A_2019 : i32
    %add3A_2021 = arith.constant 126 : i32
    %add3A_2022 = arith.addi %mul3A_2020, %add3A_2021 : i32
    %mul3A_2023 = arith.constant 128 : i32
    %mul3A_2024 = arith.muli %scan3A_3, %mul3A_2023 : i32
    %add3A_2025 = arith.constant 126 : i32
    %add3A_2026 = arith.addi %mul3A_2024, %add3A_2025 : i32
    %dma_start3A_2027 = arith.constant 0 : i32
    %dma_start3A_2028 = tpu.memref_slice %arg6[%add3A_2026, %dma_start3A_2027] : memref<128x128xf32, #tpu.memory_space<vmem>> -> memref<1x128xf32, #tpu.memory_space<vmem>>
    %dma_start3A_2029 = tpu.memref_squeeze %dma_start3A_2028 : memref<1x128xf32, #tpu.memory_space<vmem>> -> memref<128xf32, #tpu.memory_space<vmem>>
    %dma_start3A_2030 = arith.constant 0 : i32
    %dma_start3A_2031 = tpu.memref_slice %arg5[%add3A_2022, %dma_start3A_2030] : memref<128x128xi32, #tpu.memory_space<vmem>> -> memref<1x128xi32, #tpu.memory_space<vmem>>
    %dma_start3A_2032 = tpu.memref_squeeze %dma_start3A_2031 : memref<1x128xi32, #tpu.memory_space<vmem>> -> memref<128xi32, #tpu.memory_space<vmem>>
    %dma_start3A_2033 = arith.constant 0 : i32
    %dma_start3A_2034 = tpu.memref_slice %arg3[%dma_start3A_2033] : memref<32000000xf32, #tpu.memory_space<hbm>> -> memref<32000000xf32, #tpu.memory_space<hbm>>
    tpu.enqueue_indirect_dma source(%dma_start3A_2034 : memref<32000000xf32, #tpu.memory_space<hbm>>) target(%dma_start3A_2029 : memref<128xf32, #tpu.memory_space<vmem>>) offsets(%dma_start3A_2032 : memref<128xi32, #tpu.memory_space<vmem>>) semaphore(%arg7 : memref<!tpu.dma_semaphore, #tpu.memory_space<semaphore_mem>>)
    %mul3A_2035 = arith.constant 128 : i32
    %mul3A_2036 = arith.muli %scan3A_3, %mul3A_2035 : i32
    %add3A_2037 = arith.constant 127 : i32
    %add3A_2038 = arith.addi %mul3A_2036, %add3A_2037 : i32
    %mul3A_2039 = arith.constant 128 : i32
    %mul3A_2040 = arith.muli %scan3A_3, %mul3A_2039 : i32
    %add3A_2041 = arith.constant 127 : i32
    %add3A_2042 = arith.addi %mul3A_2040, %add3A_2041 : i32
    %dma_start3A_2043 = arith.constant 0 : i32
    %dma_start3A_2044 = tpu.memref_slice %arg6[%add3A_2042, %dma_start3A_2043] : memref<128x128xf32, #tpu.memory_space<vmem>> -> memref<1x128xf32, #tpu.memory_space<vmem>>
    %dma_start3A_2045 = tpu.memref_squeeze %dma_start3A_2044 : memref<1x128xf32, #tpu.memory_space<vmem>> -> memref<128xf32, #tpu.memory_space<vmem>>
    %dma_start3A_2046 = arith.constant 0 : i32
    %dma_start3A_2047 = tpu.memref_slice %arg5[%add3A_2038, %dma_start3A_2046] : memref<128x128xi32, #tpu.memory_space<vmem>> -> memref<1x128xi32, #tpu.memory_space<vmem>>
    %dma_start3A_2048 = tpu.memref_squeeze %dma_start3A_2047 : memref<1x128xi32, #tpu.memory_space<vmem>> -> memref<128xi32, #tpu.memory_space<vmem>>
    %dma_start3A_2049 = arith.constant 0 : i32
    %dma_start3A_2050 = tpu.memref_slice %arg3[%dma_start3A_2049] : memref<32000000xf32, #tpu.memory_space<hbm>> -> memref<32000000xf32, #tpu.memory_space<hbm>>
    tpu.enqueue_indirect_dma source(%dma_start3A_2050 : memref<32000000xf32, #tpu.memory_space<hbm>>) target(%dma_start3A_2045 : memref<128xf32, #tpu.memory_space<vmem>>) offsets(%dma_start3A_2048 : memref<128xi32, #tpu.memory_space<vmem>>) semaphore(%arg7 : memref<!tpu.dma_semaphore, #tpu.memory_space<semaphore_mem>>)
    %scan3A_2051 = arith.constant 1 : i32
    %dma_wait3A = arith.constant 0 : i32
    %dma_wait3A_2052 = arith.constant 0 : i32
    %dma_wait3A_2053 = tpu.memref_slice %arg4[%dma_wait3A, %dma_wait3A_2052] : memref<4096x128xf32, #tpu.memory_space<hbm>> -> memref<128x128xf32, #tpu.memory_space<hbm>>
    %dma_wait3A_2054 = arith.constant 0 : i32
    %dma_wait3A_2055 = arith.constant 0 : i32
    %dma_wait3A_2056 = tpu.memref_slice %arg4[%dma_wait3A_2054, %dma_wait3A_2055] : memref<4096x128xf32, #tpu.memory_space<hbm>> -> memref<128x128xf32, #tpu.memory_space<hbm>>
    tpu.wait_dma2 semaphore(%arg7 : memref<!tpu.dma_semaphore, #tpu.memory_space<semaphore_mem>>) src(%dma_wait3A_2056 : memref<128x128xf32, #tpu.memory_space<hbm>>) dst(%arg6 : memref<128x128xf32, #tpu.memory_space<vmem>>)
    %mul3A_2057 = arith.constant 128 : i32
    %mul3A_2058 = arith.muli %add3A, %mul3A_2057 : i32
    "tpu.region"() ({
      %run_scoped3A = tpu.sem_alloc : memref<!tpu.dma_semaphore, #tpu.memory_space<semaphore_mem>>
      %dma_start3A_2059 = arith.constant 0 : i32
      %dma_start3A_2060 = tpu.memref_slice %arg4[%mul3A_2058, %dma_start3A_2059] : memref<4096x128xf32, #tpu.memory_space<hbm>> -> memref<128x128xf32, #tpu.memory_space<hbm>>
      %dma_start3A_2061 = arith.constant 0 : i32
      %dma_start3A_2062 = tpu.memref_slice %arg4[%mul3A_2058, %dma_start3A_2061] : memref<4096x128xf32, #tpu.memory_space<hbm>> -> memref<128x128xf32, #tpu.memory_space<hbm>>
      tpu.enqueue_dma source(%arg6 : memref<128x128xf32, #tpu.memory_space<vmem>>) target(%dma_start3A_2062 : memref<128x128xf32, #tpu.memory_space<hbm>>) target_semaphore(%run_scoped3A : memref<!tpu.dma_semaphore, #tpu.memory_space<semaphore_mem>>)
      %dma_wait3A_2063 = arith.constant 0 : i32
      %dma_wait3A_2064 = tpu.memref_slice %arg4[%mul3A_2058, %dma_wait3A_2063] : memref<4096x128xf32, #tpu.memory_space<hbm>> -> memref<128x128xf32, #tpu.memory_space<hbm>>
      %dma_wait3A_2065 = arith.constant 0 : i32
      %dma_wait3A_2066 = tpu.memref_slice %arg4[%mul3A_2058, %dma_wait3A_2065] : memref<4096x128xf32, #tpu.memory_space<hbm>> -> memref<128x128xf32, #tpu.memory_space<hbm>>
      tpu.wait_dma2 semaphore(%run_scoped3A : memref<!tpu.dma_semaphore, #tpu.memory_space<semaphore_mem>>) src(%arg6 : memref<128x128xf32, #tpu.memory_space<vmem>>) dst(%dma_wait3A_2066 : memref<128x128xf32, #tpu.memory_space<hbm>>)
      tpu.yield
    }) : () -> ()
    return
  }
}

module attributes {stable_mosaic.version = 14 : i64} {
  func.func @_mlp_body(%arg0: i32, %arg1: memref<2048x128xf32, #tpu.memory_space<vmem>>, %arg2: memref<2048x128xf32, #tpu.memory_space<vmem>>, %arg3: memref<128x512xf32, #tpu.memory_space<vmem>>, %arg4: memref<128x512xf32, #tpu.memory_space<vmem>>, %arg5: memref<1x512xf32, #tpu.memory_space<vmem>>, %arg6: memref<512x256xf32, #tpu.memory_space<vmem>>, %arg7: memref<1x256xf32, #tpu.memory_space<vmem>>, %arg8: memref<256x128xf32, #tpu.memory_space<vmem>>, %arg9: memref<1x128xf32, #tpu.memory_space<vmem>>, %arg10: memref<128x8xf32, #tpu.memory_space<vmem>>, %arg11: memref<128x8xf32, #tpu.memory_space<vmem>>, %arg12: memref<1x1xf32, #tpu.memory_space<vmem>>, %arg13: memref<2048x8xf32, #tpu.memory_space<vmem>>) attributes {dimension_semantics = [#tpu.dimension_semantics<arbitrary>], iteration_bounds = array<i64: 1>, scalar_prefetch = 0 : i64, scratch_operands = 0 : i64, tpu.core_type = #tpu.core_type<tc>, window_params = [{transform_indices = @transform_0, window_bounds = array<i64: 2048, 128>}, {transform_indices = @transform_1, window_bounds = array<i64: 2048, 128>}, {pipeline_mode = #tpu.pipeline_mode<synchronous>, transform_indices = @transform_2, window_bounds = array<i64: 128, 512>}, {pipeline_mode = #tpu.pipeline_mode<synchronous>, transform_indices = @transform_3, window_bounds = array<i64: 128, 512>}, {pipeline_mode = #tpu.pipeline_mode<synchronous>, transform_indices = @transform_4, window_bounds = array<i64: 1, 512>}, {pipeline_mode = #tpu.pipeline_mode<synchronous>, transform_indices = @transform_5, window_bounds = array<i64: 512, 256>}, {pipeline_mode = #tpu.pipeline_mode<synchronous>, transform_indices = @transform_6, window_bounds = array<i64: 1, 256>}, {pipeline_mode = #tpu.pipeline_mode<synchronous>, transform_indices = @transform_7, window_bounds = array<i64: 256, 128>}, {pipeline_mode = #tpu.pipeline_mode<synchronous>, transform_indices = @transform_8, window_bounds = array<i64: 1, 128>}, {pipeline_mode = #tpu.pipeline_mode<synchronous>, transform_indices = @transform_9, window_bounds = array<i64: 128, 8>}, {pipeline_mode = #tpu.pipeline_mode<synchronous>, transform_indices = @transform_10, window_bounds = array<i64: 128, 8>}, {pipeline_mode = #tpu.pipeline_mode<synchronous>, transform_indices = @transform_11, window_bounds = array<i64: 1, 1>}, {transform_indices = @transform_12, window_bounds = array<i64: 2048, 8>}]} {
    %get3A = arith.constant 0 : index
    %get3A_0 = arith.constant 0 : index
    %get3A_1 = vector.load %arg1[%get3A, %get3A_0] : memref<2048x128xf32, #tpu.memory_space<vmem>>, vector<2048x128xf32>
    %get3A_2 = arith.constant 0 : index
    %get3A_3 = arith.constant 0 : index
    %get3A_4 = vector.load %arg2[%get3A_2, %get3A_3] : memref<2048x128xf32, #tpu.memory_space<vmem>>, vector<2048x128xf32>
    %get3A_5 = arith.constant 0 : index
    %get3A_6 = arith.constant 0 : index
    %get3A_7 = vector.load %arg3[%get3A_5, %get3A_6] : memref<128x512xf32, #tpu.memory_space<vmem>>, vector<128x512xf32>
    %dot_general3A = arith.constant dense<0.000000e+00> : vector<2048x512xf32>
    %dot_general3A_8 = tpu.matmul %get3A_1, %get3A_7, %dot_general3A {dimension_numbers = #tpu.dot_dimension_numbers<[1], [0], [0], [1], [0, 0, 1, 1], [], []>, transpose_lhs_hint = false} : vector<2048x128xf32>, vector<128x512xf32>, vector<2048x512xf32> -> vector<2048x512xf32>
    %get3A_9 = arith.constant 0 : index
    %get3A_10 = arith.constant 0 : index
    %get3A_11 = vector.load %arg4[%get3A_9, %get3A_10] : memref<128x512xf32, #tpu.memory_space<vmem>>, vector<128x512xf32>
    %dot_general3A_12 = arith.constant dense<0.000000e+00> : vector<2048x512xf32>
    %dot_general3A_13 = tpu.matmul %get3A_4, %get3A_11, %dot_general3A_12 {dimension_numbers = #tpu.dot_dimension_numbers<[1], [0], [0], [1], [0, 0, 1, 1], [], []>, transpose_lhs_hint = false} : vector<2048x128xf32>, vector<128x512xf32>, vector<2048x512xf32> -> vector<2048x512xf32>
    %add3A = arith.addf %dot_general3A_8, %dot_general3A_13 : vector<2048x512xf32>
    %get3A_14 = arith.constant 0 : index
    %get3A_15 = arith.constant 0 : index
    %get3A_16 = vector.load %arg5[%get3A_14, %get3A_15] : memref<1x512xf32, #tpu.memory_space<vmem>>, vector<1x512xf32>
    %add3A_17 = vector.broadcast %get3A_16 : vector<1x512xf32> to vector<2048x512xf32>
    %add3A_18 = arith.addf %add3A, %add3A_17 : vector<2048x512xf32>
    %max3A = arith.constant 0.000000e+00 : f32
    %max3A_19 = vector.broadcast %max3A : f32 to vector<2048x512xf32>
    %max3A_20 = arith.maximumf %add3A_18, %max3A_19 : vector<2048x512xf32>
    %get3A_21 = arith.constant 0 : index
    %get3A_22 = arith.constant 0 : index
    %get3A_23 = vector.load %arg6[%get3A_21, %get3A_22] : memref<512x256xf32, #tpu.memory_space<vmem>>, vector<512x256xf32>
    %dot_general3A_24 = arith.constant dense<0.000000e+00> : vector<2048x256xf32>
    %dot_general3A_25 = tpu.matmul %max3A_20, %get3A_23, %dot_general3A_24 {dimension_numbers = #tpu.dot_dimension_numbers<[1], [0], [0], [1], [0, 0, 1, 1], [], []>, transpose_lhs_hint = false} : vector<2048x512xf32>, vector<512x256xf32>, vector<2048x256xf32> -> vector<2048x256xf32>
    %get3A_26 = arith.constant 0 : index
    %get3A_27 = arith.constant 0 : index
    %get3A_28 = vector.load %arg7[%get3A_26, %get3A_27] : memref<1x256xf32, #tpu.memory_space<vmem>>, vector<1x256xf32>
    %add3A_29 = vector.broadcast %get3A_28 : vector<1x256xf32> to vector<2048x256xf32>
    %add3A_30 = arith.addf %dot_general3A_25, %add3A_29 : vector<2048x256xf32>
    %max3A_31 = arith.constant 0.000000e+00 : f32
    %max3A_32 = vector.broadcast %max3A_31 : f32 to vector<2048x256xf32>
    %max3A_33 = arith.maximumf %add3A_30, %max3A_32 : vector<2048x256xf32>
    %get3A_34 = arith.constant 0 : index
    %get3A_35 = arith.constant 0 : index
    %get3A_36 = vector.load %arg8[%get3A_34, %get3A_35] : memref<256x128xf32, #tpu.memory_space<vmem>>, vector<256x128xf32>
    %dot_general3A_37 = arith.constant dense<0.000000e+00> : vector<2048x128xf32>
    %dot_general3A_38 = tpu.matmul %max3A_33, %get3A_36, %dot_general3A_37 {dimension_numbers = #tpu.dot_dimension_numbers<[1], [0], [0], [1], [0, 0, 1, 1], [], []>, transpose_lhs_hint = false} : vector<2048x256xf32>, vector<256x128xf32>, vector<2048x128xf32> -> vector<2048x128xf32>
    %get3A_39 = arith.constant 0 : index
    %get3A_40 = arith.constant 0 : index
    %get3A_41 = vector.load %arg9[%get3A_39, %get3A_40] : memref<1x128xf32, #tpu.memory_space<vmem>>, vector<1x128xf32>
    %add3A_42 = vector.broadcast %get3A_41 : vector<1x128xf32> to vector<2048x128xf32>
    %add3A_43 = arith.addf %dot_general3A_38, %add3A_42 : vector<2048x128xf32>
    %max3A_44 = arith.constant 0.000000e+00 : f32
    %max3A_45 = vector.broadcast %max3A_44 : f32 to vector<2048x128xf32>
    %max3A_46 = arith.maximumf %add3A_43, %max3A_45 : vector<2048x128xf32>
    %mul3A = arith.mulf %get3A_1, %get3A_4 : vector<2048x128xf32>
    %get3A_47 = arith.constant 0 : index
    %get3A_48 = arith.constant 0 : index
    %get3A_49 = vector.load %arg10[%get3A_47, %get3A_48] : memref<128x8xf32, #tpu.memory_space<vmem>>, vector<128x8xf32>
    %dot_general3A_50 = arith.constant dense<0.000000e+00> : vector<2048x8xf32>
    %dot_general3A_51 = tpu.matmul %mul3A, %get3A_49, %dot_general3A_50 {dimension_numbers = #tpu.dot_dimension_numbers<[1], [0], [0], [1], [0, 0, 1, 1], [], []>, transpose_lhs_hint = false} : vector<2048x128xf32>, vector<128x8xf32>, vector<2048x8xf32> -> vector<2048x8xf32>
    %get3A_52 = arith.constant 0 : index
    %get3A_53 = arith.constant 0 : index
    %get3A_54 = vector.load %arg11[%get3A_52, %get3A_53] : memref<128x8xf32, #tpu.memory_space<vmem>>, vector<128x8xf32>
    %dot_general3A_55 = arith.constant dense<0.000000e+00> : vector<2048x8xf32>
    %dot_general3A_56 = tpu.matmul %max3A_46, %get3A_54, %dot_general3A_55 {dimension_numbers = #tpu.dot_dimension_numbers<[1], [0], [0], [1], [0, 0, 1, 1], [], []>, transpose_lhs_hint = false} : vector<2048x128xf32>, vector<128x8xf32>, vector<2048x8xf32> -> vector<2048x8xf32>
    %add3A_57 = arith.addf %dot_general3A_51, %dot_general3A_56 : vector<2048x8xf32>
    %get3A_58 = arith.constant 0 : index
    %get3A_59 = arith.constant 0 : index
    %get3A_60 = vector.load %arg12[%get3A_58, %get3A_59] : memref<1x1xf32, #tpu.memory_space<vmem>>, vector<1x1xf32>
    %add3A_61 = vector.broadcast %get3A_60 : vector<1x1xf32> to vector<2048x8xf32>
    %add3A_62 = arith.addf %add3A_57, %add3A_61 : vector<2048x8xf32>
    %swap3A = arith.constant 0 : index
    %swap3A_63 = arith.constant 0 : index
    %swap3A_64 = vector.load %arg13[%swap3A, %swap3A_63] : memref<2048x8xf32, #tpu.memory_space<vmem>>, vector<2048x8xf32>
    tpu.vector_store %arg13[%swap3A, %swap3A_63], %add3A_62 {strides = array<i32>} : memref<2048x8xf32, #tpu.memory_space<vmem>>, vector<2048x8xf32>,
    return
  }
  func.func @transform_0(%arg0: i32) -> (i32, i32) {
    %c0_i32 = arith.constant 0 : i32
    %c0_i32_0 = arith.constant 0 : i32
    return %arg0, %c0_i32 : i32, i32
  }
  func.func @transform_1(%arg0: i32) -> (i32, i32) {
    %add3A = arith.constant 1 : i32
    %add3A_0 = arith.addi %arg0, %add3A : i32
    %c0_i32 = arith.constant 0 : i32
    %c0_i32_1 = arith.constant 0 : i32
    return %add3A_0, %c0_i32 : i32, i32
  }
  func.func @transform_2(%arg0: i32) -> (i32, i32) {
    %c0_i32 = arith.constant 0 : i32
    %c0_i32_0 = arith.constant 0 : i32
    %c0_i32_1 = arith.constant 0 : i32
    return %c0_i32, %c0_i32_0 : i32, i32
  }
  func.func @transform_3(%arg0: i32) -> (i32, i32) {
    %c0_i32 = arith.constant 0 : i32
    %c0_i32_0 = arith.constant 0 : i32
    %c0_i32_1 = arith.constant 0 : i32
    return %c0_i32, %c0_i32_0 : i32, i32
  }
  func.func @transform_4(%arg0: i32) -> (i32, i32) {
    %c0_i32 = arith.constant 0 : i32
    %c0_i32_0 = arith.constant 0 : i32
    %c0_i32_1 = arith.constant 0 : i32
    return %c0_i32, %c0_i32_0 : i32, i32
  }
  func.func @transform_5(%arg0: i32) -> (i32, i32) {
    %c0_i32 = arith.constant 0 : i32
    %c0_i32_0 = arith.constant 0 : i32
    %c0_i32_1 = arith.constant 0 : i32
    return %c0_i32, %c0_i32_0 : i32, i32
  }
  func.func @transform_6(%arg0: i32) -> (i32, i32) {
    %c0_i32 = arith.constant 0 : i32
    %c0_i32_0 = arith.constant 0 : i32
    %c0_i32_1 = arith.constant 0 : i32
    return %c0_i32, %c0_i32_0 : i32, i32
  }
  func.func @transform_7(%arg0: i32) -> (i32, i32) {
    %c0_i32 = arith.constant 0 : i32
    %c0_i32_0 = arith.constant 0 : i32
    %c0_i32_1 = arith.constant 0 : i32
    return %c0_i32, %c0_i32_0 : i32, i32
  }
  func.func @transform_8(%arg0: i32) -> (i32, i32) {
    %c0_i32 = arith.constant 0 : i32
    %c0_i32_0 = arith.constant 0 : i32
    %c0_i32_1 = arith.constant 0 : i32
    return %c0_i32, %c0_i32_0 : i32, i32
  }
  func.func @transform_9(%arg0: i32) -> (i32, i32) {
    %c0_i32 = arith.constant 0 : i32
    %c0_i32_0 = arith.constant 0 : i32
    %c0_i32_1 = arith.constant 0 : i32
    return %c0_i32, %c0_i32_0 : i32, i32
  }
  func.func @transform_10(%arg0: i32) -> (i32, i32) {
    %c0_i32 = arith.constant 0 : i32
    %c0_i32_0 = arith.constant 0 : i32
    %c0_i32_1 = arith.constant 0 : i32
    return %c0_i32, %c0_i32_0 : i32, i32
  }
  func.func @transform_11(%arg0: i32) -> (i32, i32) {
    %c0_i32 = arith.constant 0 : i32
    %c0_i32_0 = arith.constant 0 : i32
    %c0_i32_1 = arith.constant 0 : i32
    return %c0_i32, %c0_i32_0 : i32, i32
  }
  func.func @transform_12(%arg0: i32) -> (i32, i32) {
    %c0_i32 = arith.constant 0 : i32
    %c0_i32_0 = arith.constant 0 : i32
    return %arg0, %c0_i32 : i32, i32
  }
}

</mosaic_0001>

<sc_bundles>
// kernel: kernel.4.cloned.1.call-start
scs
__scs_entry_jumppad:
0x0: {  	(pc) =	sbr.rel $0x88, $3  }
0x1: {  	(tag) =	ssettag $0x0;
	lr =	simm.s32 $0x1  }
0x2: {  	[smem:$0x3F97] =	sst lr;
	_ =	strace $0xD0000000  }
0x3: {  	_ = 	snop  }
0x4: {  	_ = 	snop  }
0x5: {  	_ = 	snop  }
0x6: {  	_ = 	snop  }
0x7: {  	_ = 	snop  }
__scs_overlays_trampoline_lowered:
0x8: {  	[smem:$0x3FA6] =	sst s0  }
0x9: {  	[smem:$0x3FA7] =	sst s1  }
0xa: {  	[smem:$0x3FA8] =	sst s2  }
0xb: {  	[smem:$0x3FA9] =	sst s3  }
0xc: {  	[smem:$0x3FAA] =	sst s4  }
0xd: {  	[smem:$0x3FAB] =	sst s5  }
0xe: {  	[smem:$0x3FAC] =	sst s6  }
0xf: {  	[smem:$0x3FAD] =	sst s7  }
0x10: {  	[smem:$0x3FAE] =	sst s8  }
0x11: {  	[smem:$0x3FAF] =	sst s9;
	s0 =	simm.s32 @!p0 $0x0  }
0x12: {  	s1 =	sld [smem:$0x3F95];
	s0 =	simm.s32 @p0 $0x1  }
0x13: {  	[smem:$0x3FB0] =	sst s0;
	s0 =	simm.s32 @!p1 $0x0  }
0x14: {  	s2 =	sld [smem:$0x3F94];
	s0 =	simm.s32 @p1 $0x1  }
0x15: {  	[smem:$0x3FB1] =	sst s0;
	s0 =	simm.s32 @!p2 $0x0  }
0x16: {  	s3 =	sld [smem:$0x3FDB];
	s0 =	simm.s32 @p2 $0x1  }
0x17: {  	s4 =	simm.s32 $0x1BF5;
	[smem:$0x3FB3] =	sst s0  }
0x18: {  	s0 =	sld [smem:$0x3F96];
	_ =	swait.ge [sflag:s4], $0x0  }
0x19: {  	s7 =	sld [smem:$0x3F97]  }
0x1a: {  	s8 =	sadd.s32 $0xFFFFE003, lr  }
0x1b: {  	s9 =	sadd.s32 $0xFFFFFEF7, lr;
	s5 =	simm.s32 $0xFFFFFFFF;
	p2 =	slt.u32 s8, $0xFFFFF086  }
0x1c: {  	p1 =	slt.u32 s9, $0xF7A;
	s5 =	simm.s32 @!p2 $0x0  }
0x1d: {  	s5 =	simm.s32 @p1 $0x1;
	p0 =	seq.s32 s7, s2  }
0x1e: {  	s7 =	smul.u32 @!p0 $0xF7A, s2;
	p2 =	seq.s32 @!p0 s5, $0x0  }
0x1f: {  	s9 =	smul.u32 $0xF7A, s1;
	s8 =	simm.s32 @!p0 $0x1BF5;
	p2 =	por !p2, p0  }
0x20: {  	[sflag:s8] =	ssyncset.s32 @!p0 $0xFFFFF086;
	s6 =	sadd.s32 @!p0 s3, s7;
	s7 =	simm.s32 @!p0 $0x108  }
0x21: {  	s3 =	sadd.s32 s3, s9;
	s6 =	sadd.s32 @!p0 $0x88, s6;
	s7 =	simm.s32 @p2 $0x1082  }
0x22: {  	[simem:s7], [sflag:s8] =	dma.local @!p0 [hbm:s6], $0xF7A  }
0x23: {  	s9 =	sor.u32 $0xD0000000, s2;
	s6 =	simm.s32 $0x108;
	_ =	swait.ge @!p0 [sflag:s8], $0x0  }
0x24: {  	s3 =	sadd.s32 $0x88, s3;
	s6 =	simm.s32 @!p1 $0x1082;
	[sflag:s4] =	ssyncset.s32 $0xFFFFF086  }
0x25: {  	[simem:s6], [sflag:s4] =	dma.local [hbm:s3], $0xF7A  }
0x26: {  	[smem:$0x3F97] =	sst s1;
	(tag) =	ssettag s2;
	_ =	strace s9  }
0x27: {  	s1 =	sld [smem:$0x3FA7]  }
0x28: {  	s2 =	sld [smem:$0x3FA8]  }
0x29: {  	s4 =	sld [smem:$0x3FAA]  }
0x2a: {  	p0 =	seq.s32 s5, $0x0;
	s5 =	sld [smem:$0x3FAB]  }
0x2b: {  	s6 =	sld [smem:$0x3FAC]  }
0x2c: {  	s7 =	sld [smem:$0x3FAD]  }
0x2d: {  	s3 =	simm.s32 $0x108;
	s8 =	sld [smem:$0x3FAE]  }
0x2e: {  	s3 =	simm.s32 @!p0 $0x1082;
	s9 =	sld [smem:$0x3FAF]  }
0x2f: {  	lr =	sadd.s32 s0, s3;
	s0 =	sld [smem:$0x3FA6]  }
0x30: {  	s3 =	sld [smem:$0x3FA9]  }
0x31: {  	[smem:$0x3FB2] =	sst s10  }
0x32: {  	s10 =	sld [smem:$0x3FB0];
	_ =	sdelay $0x3  }
0x33: {  	p0 =	seq.s32 s10, $0x1;
	s10 =	sld [smem:$0x3FB2];
	_ =	sdelay $0x3  }
0x34: {  	[smem:$0x3FB2] =	sst s10  }
0x35: {  	s10 =	sld [smem:$0x3FB1];
	_ =	sdelay $0x3  }
0x36: {  	p1 =	seq.s32 s10, $0x1;
	s10 =	sld [smem:$0x3FB2];
	_ =	sdelay $0x3  }
0x37: {  	[smem:$0x3FB2] =	sst s10  }
0x38: {  	s10 =	sld [smem:$0x3FB3]  }
0x39: {  	_ = 	snop;
	(pc) =	sbr.ind lr, $3  }
0x3a: {  	_ = 	snop  }
0x3b: {  	_ = 	snop  }
0x3c: {  	p2 =	seq.s32 s10, $0x1;
	s10 =	sld [smem:$0x3FB2]  }
0x3d: {  	_ =	shalt  }
0x3e: {  	_ =	shalt  }
0x3f: {  	_ =	shalt  }
0x40: {  	_ =	shalt  }
0x41: {  	_ =	shalt  }
0x42: {  	_ =	shalt  }
0x43: {  	_ =	shalt  }
0x44: {  	_ =	shalt  }
0x45: {  	_ =	shalt  }
0x46: {  	_ =	shalt  }
0x47: {  	_ =	shalt  }
0x48: {  	_ =	shalt  }
0x49: {  	_ =	shalt  }
0x4a: {  	_ =	shalt  }
0x4b: {  	_ =	shalt  }
0x4c: {  	_ =	shalt  }
0x4d: {  	_ =	shalt  }
0x4e: {  	_ =	shalt  }
0x4f: {  	_ =	shalt  }
0x50: {  	_ =	shalt  }
0x51: {  	_ =	shalt  }
0x52: {  	_ =	shalt  }
0x53: {  	_ =	shalt  }
0x54: {  	_ =	shalt  }
0x55: {  	_ =	shalt  }
0x56: {  	_ =	shalt  }
0x57: {  	_ =	shalt  }
0x58: {  	_ =	shalt  }
0x59: {  	_ =	shalt  }
0x5a: {  	_ =	shalt  }
0x5b: {  	_ =	shalt  }
0x5c: {  	_ =	shalt  }
0x5d: {  	_ =	shalt  }
0x5e: {  	_ =	shalt  }
0x5f: {  	_ =	shalt  }
0x60: {  	_ =	shalt  }
0x61: {  	_ =	shalt  }
0x62: {  	_ =	shalt  }
0x63: {  	_ =	shalt  }
0x64: {  	_ =	shalt  }
0x65: {  	_ =	shalt  }
0x66: {  	_ =	shalt  }
0x67: {  	_ =	shalt  }
0x68: {  	_ =	shalt  }
0x69: {  	_ =	shalt  }
0x6a: {  	_ =	shalt  }
0x6b: {  	_ =	shalt  }
0x6c: {  	_ =	shalt  }
0x6d: {  	_ =	shalt  }
0x6e: {  	_ =	shalt  }
0x6f: {  	_ =	shalt  }
0x70: {  	_ =	shalt  }
0x71: {  	_ =	shalt  }
0x72: {  	_ =	shalt  }
0x73: {  	_ =	shalt  }
0x74: {  	_ =	shalt  }
0x75: {  	_ =	shalt  }
0x76: {  	_ =	shalt  }
0x77: {  	_ =	shalt  }
0x78: {  	_ =	shalt  }
0x79: {  	_ =	shalt  }
0x7a: {  	_ =	shalt  }
0x7b: {  	_ =	shalt  }
0x7c: {  	_ =	shalt  }
0x7d: {  	_ =	shalt  }
0x7e: {  	_ =	shalt  }
0x7f: {  	_ =	shalt  }
0x80: {  	_ =	shalt  }
0x81: {  	_ =	shalt  }
0x82: {  	_ =	shalt  }
0x83: {  	_ =	shalt  }
0x84: {  	_ =	shalt  }
0x85: {  	_ =	shalt  }
0x86: {  	_ =	shalt  }
0x87: {  	_ =	shalt  }
.Lfunc_end0:
.L_simem_size_0:
called_computation_lowered:
.L_overlay_start_0:
0x88: {  	s2 =	sld [smem:$0x3FD9]  }
0x89: {  	s3 =	sld [smem:$0x3FFE];
	_ =	sdelay $0x1  }
0x8a: {  	s1 =	srdreg.scid  }
0x8b: {  	s0 =	sand.u32 $0x1, s1  }
0x8c: {  	s17 =	sshll.u32 s0, $0xA;
	s2 =	sadd.s32 s3, s2  }
0x8d: {  	s2 =	sadd.s32 s2, s17  }
0x8e: {  	[smem:$0x3FBE] =	sst s2  }
0x8f: {  	_ = 	snop  }
0x90: {  	s2 =	sld [smem:$0x3FC8];
	(tm) =	ssettm $0x1  }
0x91: {  	s18 =	sld [smem:$0x3FFB];
	_ =	sdelay $0x3  }
0x92: {  	_ =	strace s18  }
0x93: {  	s3 =	sld [smem:$0x3FFC];
	_ =	sdelay $0x3  }
0x94: {  	_ =	strace s3  }
0x95: {  	s3 =	sld [smem:$0x3FFD];
	_ =	sdelay $0x3  }
0x96: {  	_ =	strace s3  }
0x97: {  	_ =	strace $0x8FFFFFFF  }
0x98: {  	s19 =	sld [smem:$0x3FDB];
	_ =	sdelay $0x1  }
0x99: {  	s4 =	simm.s32 $_scs_section_size  }
0x9a: {  	s5 =	simm.s32 $_size__tile_overlayer_lowered;
	s6 =	simm.s32 $_tile_overlayer_lowered  }
0x9b: {  	s22 =	simm.s32 $0x1BFF;
	s21 =	sshll.u32 s6, $0x1;
	s3 =	sadd.s32 s4, s19  }
0x9c: {  	s7 =	simm.s32 $0x0;
	s20 =	sshll.u32 s5, $0x1;
	s5 =	sadd.s32 s21, s3  }
0x9d: {  	[timem:s7], [sflag:s22] =	dma.local [hbm:s5], s20  }
0x9e: {  	_ =	swait.ge [sflag:s22], s20  }
0x9f: {  	s4 =	ssub.s32 $0x0, s20;
	[sflag:s22] =	ssyncset.done $0x0  }
0xa0: {  	[sflag:s22] =	ssyncadd.s32 s4;
	_ =	sdelay $0x1  }
0xa1: {  	s23 =	simm.s32 $0x1B8B  }
0xa2: {  	_ =	swait.ge [sflag:s23], $0x1  }
0xa3: {  	[sflag:s23] =	ssyncset.done $0x0  }
0xa4: {  	s25 =	simm.s32 $0x1B8E;
	s24 =	sld [smem:$0x3FFE];
	[sflag:s23] =	ssyncadd.s32 $0xFFFFFFFF  }
0xa5: {  	s26 =	simm.s32 $execute0_lowered;
	[smem:$0x3FD2] =	sst s25  }
0xa6: {  	s5 =	sshll.u32 s26, $0x1;
	_ =	strace $0x80000046;
	[dreg:$0x1] =	wrdreg $0xFFFFFFFF  }
0xa7: {  	s28 =	simm.s32 $_size_execute0_lowered;
	s3 =	sadd.s32 s3, s5;
	[dreg:$0x0] =	wrdreg $0x0  }
0xa8: {  	s5 =	sshll.u32 s28, $0x1;
	[dreg:$0x2] =	wrdreg s3  }
0xa9: {  	[dreg:$0x3] =	wrdreg s5  }
0xaa: {  	[dreg:$0x4] =	wrdreg $0xC0  }
0xab: {  	_ =	task [dreg:s7], $0x5FFFF  }
0xac: {  	[dreg:$0x1] =	wrdreg $0xFFFFFFFF  }
0xad: {  	[dreg:$0x0] =	wrdreg $0x60  }
0xae: {  	[dreg:$0x2] =	wrdreg s24  }
0xaf: {  	[dreg:$0x3] =	wrdreg s2  }
0xb0: {  	[dreg:$0x4] =	wrdreg $0x9  }
0xb1: {  	_ =	task.clear_ibuf [dreg:s7], $0x5FFFF;
	_ =	strace $0x90000046  }
0xb2: {  	s29 =	simm.s32 $0x9;
	_ =	strace $0x80000048  }
0xb3: {  	_ =	swait.ge [sflag:s29], $0x1  }
0xb4: {  	[sflag:s29] =	ssyncadd.s32 $0xFFFFFFFF  }
0xb5: {  	_ =	strace $0x90000048  }
0xb6: {  	_ =	sfence  }
0xb7: {  	s30 =	sld [smem:$0x0];
	_ =	sdelay $0x2  }
0xb8: {  	s31 =	sshll.u32 s1, $0xD;
	s1 =	sshrl.u32 s1, $0x2  }
0xb9: {  	s3 =	sand.u32 $0x4000, s31;
	s1 =	sadd.s32 s1, s30  }
0xba: {  	s0 =	sor.u32 s3, s0;
	s1 =	sshll.u32 s1, $0x11  }
0xbb: {  	s0 =	sor.u32 s1, s0  }
0xbc: {  	s0 =	sadd.s32 $0x8F2B, s0  }
0xbd: {  	[sflag:s0] =	ssyncadd.remote.s32 $0x1  }
0xbe: {  	_ =	sfence.sel $0xFFFF  }
0xbf: {  	[dreg:$0x0] =	wrdreg $0xFFFFFFFF;
	(pc) =	sbr.abs _section_cstart, $3  }
0xc0: {  	[dreg:$0x1] =	wrdreg $0xFFFFFFFF  }
0xc1: {  	_ =	task.clear_ibuf [dreg:s7], $0x2FFFF;
	_ =	strace $0x9FFFFFFF  }
0xc2: {  	(tm) =	ssettm $0x7FFFFFFF  }
0xc3: {  	_ =	shalt  }
tec
execute0_lowered:
.L_overlay_start_1:
0x0: {  	(tag) =	ssettag $0x1  }
0x1: {  	s5 =	rddreg [dreg:$0x0]  }
0x2: {  	s0 =	stileid.u32;
	s2 =	rddreg [dreg:$0x1];
	s3 =	simm.s32 $0x0  }
0x3: {  	s26 =	simm.s32 $0x4080;
	s25 =	sshll.u32 s0, $0xC;
	[smem:$0x7FF] =	sst s3  }
0x4: {  	s0 =	simm.s32 $0x100;
	_ =	strace $0x80000047;
	[dreg:$0x5] =	wrdreg s26  }
0x5: {  	s7 =	simm.s32 $0x4180;
	[dreg:$0x6] =	wrdreg s0  }
0x6: {  	s8 =	simm.s32 $0x200;
	[dreg:$0x9] =	wrdreg s7  }
0x7: {  	s9 =	simm.s32 $0x4200;
	[dreg:$0xa] =	wrdreg s8  }
0x8: {  	s10 =	simm.s32 $0x280;
	[dreg:$0xb] =	wrdreg s9  }
0x9: {  	s11 =	simm.s32 $0x4280;
	[dreg:$0xc] =	wrdreg s10  }
0xa: {  	s12 =	simm.s32 $0x300;
	[dreg:$0xd] =	wrdreg s11  }
0xb: {  	s13 =	simm.s32 $0x4300;
	[dreg:$0xe] =	wrdreg s12  }
0xc: {  	s14 =	simm.s32 $0x380;
	[dreg:$0xf] =	wrdreg s13  }
0xd: {  	s15 =	simm.s32 $0x4380;
	[dreg:$0x10] =	wrdreg s14  }
0xe: {  	s16 =	simm.s32 $0x400;
	[dreg:$0x11] =	wrdreg s15  }
0xf: {  	s17 =	simm.s32 $0x4400;
	[dreg:$0x12] =	wrdreg s16  }
0x10: {  	s18 =	simm.s32 $0x480;
	[dreg:$0x13] =	wrdreg s17  }
0x11: {  	s19 =	simm.s32 $0x4480;
	[dreg:$0x14] =	wrdreg s18  }
0x12: {  	s20 =	simm.s32 $0x500;
	[dreg:$0x15] =	wrdreg s19  }
0x13: {  	s21 =	simm.s32 $0x4500;
	[dreg:$0x16] =	wrdreg s20  }
0x14: {  	s22 =	simm.s32 $0x580;
	[dreg:$0x17] =	wrdreg s21  }
0x15: {  	s23 =	simm.s32 $0x4580;
	[dreg:$0x18] =	wrdreg s22  }
0x16: {  	s24 =	simm.s32 $0x600;
	[dreg:$0x19] =	wrdreg s23  }
0x17: {  	[dreg:$0x1a] =	wrdreg s24;
	s26 =	simm.s32 $0x680  }
0x18: {  	s0 =	simm.s32 $0x4680;
	[dreg:$0x1c] =	wrdreg s26  }
0x19: {  	s7 =	simm.s32 $0x780;
	[dreg:$0x1d] =	wrdreg s0  }
0x1a: {  	s8 =	simm.s32 $0x4780;
	[smem:$0x733] =	sst s7  }
0x1b: {  	s9 =	simm.s32 $0x800;
	[smem:$0x734] =	sst s8  }
0x1c: {  	s10 =	simm.s32 $0x4800;
	[smem:$0x735] =	sst s9  }
0x1d: {  	s11 =	simm.s32 $0x880;
	[smem:$0x736] =	sst s10  }
0x1e: {  	s12 =	simm.s32 $0x4880;
	[smem:$0x737] =	sst s11  }
0x1f: {  	s13 =	simm.s32 $0x900;
	[smem:$0x738] =	sst s12  }
0x20: {  	s14 =	simm.s32 $0x4900;
	[smem:$0x739] =	sst s13  }
0x21: {  	s15 =	simm.s32 $0x980;
	[smem:$0x73A] =	sst s14  }
0x22: {  	s16 =	simm.s32 $0x4980;
	[smem:$0x73B] =	sst s15  }
0x23: {  	s17 =	simm.s32 $0xA00;
	[smem:$0x73C] =	sst s16  }
0x24: {  	s18 =	simm.s32 $0x4A00;
	[smem:$0x73D] =	sst s17  }
0x25: {  	s19 =	simm.s32 $0xA80;
	[smem:$0x73E] =	sst s18  }
0x26: {  	s20 =	simm.s32 $0x4A80;
	[smem:$0x73F] =	sst s19  }
0x27: {  	s21 =	simm.s32 $0xB00;
	[smem:$0x740] =	sst s20  }
0x28: {  	s1 =	srdreg.scid;
	s22 =	simm.s32 $0x4B00;
	[smem:$0x741] =	sst s21  }
0x29: {  	s4 =	sand.u32 $0x1, s1;
	s23 =	simm.s32 $0xB80;
	[smem:$0x742] =	sst s22  }
0x2a: {  	s6 =	sshll.u32 s4, $0xB;
	s24 =	simm.s32 $0x4B80;
	[smem:$0x743] =	sst s23  }
0x2b: {  	s1 =	sor.u32 s6, s25;
	s6 =	simm.s32 $0x180;
	[smem:$0x744] =	sst s24  }
0x2c: {  	s25 =	simm.s32 $0x4600;
	[dreg:$0x8] =	wrdreg s6  }
0x2d: {  	s26 =	simm.s32 $0x4C00;
	[dreg:$0x1b] =	wrdreg s25  }
0x2e: {  	s0 =	simm.s32 $0xC80;
	[smem:$0x746] =	sst s26  }
0x2f: {  	s7 =	simm.s32 $0x4D00;
	[smem:$0x747] =	sst s0  }
0x30: {  	s8 =	simm.s32 $0xD80;
	[smem:$0x74A] =	sst s7  }
0x31: {  	s9 =	simm.s32 $0x4D80;
	[smem:$0x74B] =	sst s8  }
0x32: {  	s10 =	simm.s32 $0xE00;
	[smem:$0x74C] =	sst s9  }
0x33: {  	s11 =	simm.s32 $0x4E00;
	[smem:$0x74D] =	sst s10  }
0x34: {  	s12 =	simm.s32 $0xE80;
	[smem:$0x74E] =	sst s11  }
0x35: {  	s13 =	simm.s32 $0x4E80;
	[smem:$0x74F] =	sst s12  }
0x36: {  	s14 =	simm.s32 $0xF00;
	[smem:$0x750] =	sst s13  }
0x37: {  	s15 =	simm.s32 $0x4F00;
	[smem:$0x751] =	sst s14  }
0x38: {  	s16 =	simm.s32 $0xF80;
	[smem:$0x752] =	sst s15  }
0x39: {  	s17 =	simm.s32 $0x4F80;
	[smem:$0x753] =	sst s16  }
0x3a: {  	s18 =	simm.s32 $0x1000;
	[smem:$0x754] =	sst s17  }
0x3b: {  	s19 =	simm.s32 $0x5000;
	[smem:$0x755] =	sst s18  }
0x3c: {  	s20 =	simm.s32 $0x1080;
	[smem:$0x756] =	sst s19  }
0x3d: {  	s21 =	simm.s32 $0x5080;
	[smem:$0x757] =	sst s20  }
0x3e: {  	s22 =	simm.s32 $0x1100;
	[smem:$0x758] =	sst s21  }
0x3f: {  	s23 =	simm.s32 $0x5100;
	[smem:$0x759] =	sst s22  }
0x40: {  	s24 =	simm.s32 $0x1180;
	[smem:$0x75A] =	sst s23  }
0x41: {  	s6 =	simm.s32 $0x4700;
	[smem:$0x75B] =	sst s24  }
0x42: {  	s25 =	simm.s32 $0xC00;
	[dreg:$0x1f] =	wrdreg s6  }
0x43: {  	s26 =	simm.s32 $0x1200;
	[smem:$0x745] =	sst s25  }
0x44: {  	s0 =	simm.s32 $0x5200;
	[smem:$0x75D] =	sst s26  }
0x45: {  	s7 =	simm.s32 $0x1300;
	[smem:$0x75E] =	sst s0  }
0x46: {  	s8 =	simm.s32 $0x5300;
	[smem:$0x761] =	sst s7  }
0x47: {  	s9 =	simm.s32 $0x1380;
	[smem:$0x762] =	sst s8  }
0x48: {  	s10 =	simm.s32 $0x5380;
	[smem:$0x763] =	sst s9  }
0x49: {  	s11 =	simm.s32 $0x1400;
	[smem:$0x764] =	sst s10  }
0x4a: {  	s12 =	simm.s32 $0x5400;
	[smem:$0x765] =	sst s11  }
0x4b: {  	s13 =	simm.s32 $0x1480;
	[smem:$0x766] =	sst s12  }
0x4c: {  	s14 =	simm.s32 $0x5480;
	[smem:$0x767] =	sst s13  }
0x4d: {  	s15 =	simm.s32 $0x1500;
	[smem:$0x768] =	sst s14  }
0x4e: {  	s16 =	simm.s32 $0x5500;
	[smem:$0x769] =	sst s15  }
0x4f: {  	s17 =	simm.s32 $0x1580;
	[smem:$0x76A] =	sst s16  }
0x50: {  	s18 =	simm.s32 $0x5580;
	[smem:$0x76B] =	sst s17  }
0x51: {  	s19 =	simm.s32 $0x1600;
	[smem:$0x76C] =	sst s18  }
0x52: {  	s20 =	simm.s32 $0x5600;
	[smem:$0x76D] =	sst s19  }
0x53: {  	s21 =	simm.s32 $0x1680;
	[smem:$0x76E] =	sst s20  }
0x54: {  	s22 =	simm.s32 $0x5680;
	[smem:$0x76F] =	sst s21  }
0x55: {  	s23 =	simm.s32 $0x1700;
	[smem:$0x770] =	sst s22  }
0x56: {  	s1 =	sadd.s32 s1, s5;
	s24 =	simm.s32 $0x5700;
	[smem:$0x771] =	sst s23  }
0x57: {  	s5 =	sadd.s32 $0x1C00, s1;
	[smem:$0x772] =	sst s24  }
0x58: {  	s1 =	sadd.s32 $0x11C00, s1;
	[dreg:$0x3] =	wrdreg s5  }
0x59: {  	s6 =	simm.s32 $0xD00;
	[dreg:$0x4] =	wrdreg s1  }
0x5a: {  	s25 =	simm.s32 $0x5180;
	[smem:$0x749] =	sst s6  }
0x5b: {  	s26 =	simm.s32 $0x5780;
	[smem:$0x75C] =	sst s25  }
0x5c: {  	s0 =	simm.s32 $0x1800;
	[smem:$0x774] =	sst s26  }
0x5d: {  	s7 =	simm.s32 $0x5880;
	[smem:$0x775] =	sst s0  }
0x5e: {  	s8 =	simm.s32 $0x1900;
	[smem:$0x778] =	sst s7  }
0x5f: {  	s9 =	simm.s32 $0x5900;
	[smem:$0x779] =	sst s8  }
0x60: {  	s10 =	simm.s32 $0x1980;
	[smem:$0x77A] =	sst s9  }
0x61: {  	s11 =	simm.s32 $0x5980;
	[smem:$0x77B] =	sst s10  }
0x62: {  	s12 =	simm.s32 $0x1A00;
	[smem:$0x77C] =	sst s11  }
0x63: {  	s13 =	simm.s32 $0x5A00;
	[smem:$0x77D] =	sst s12  }
0x64: {  	s14 =	simm.s32 $0x1A80;
	[smem:$0x77E] =	sst s13  }
0x65: {  	s15 =	simm.s32 $0x5A80;
	[smem:$0x77F] =	sst s14  }
0x66: {  	s16 =	simm.s32 $0x1B00;
	[smem:$0x780] =	sst s15  }
0x67: {  	s17 =	simm.s32 $0x5B00;
	[smem:$0x781] =	sst s16  }
0x68: {  	s18 =	simm.s32 $0x1B80;
	[smem:$0x782] =	sst s17  }
0x69: {  	s19 =	simm.s32 $0x5B80;
	[smem:$0x783] =	sst s18  }
0x6a: {  	s20 =	simm.s32 $0x1C00;
	[smem:$0x784] =	sst s19  }
0x6b: {  	s21 =	simm.s32 $0x5C00;
	[smem:$0x785] =	sst s20  }
0x6c: {  	s22 =	simm.s32 $0x1C80;
	[smem:$0x786] =	sst s21  }
0x6d: {  	s23 =	simm.s32 $0x5C80;
	[smem:$0x787] =	sst s22  }
0x6e: {  	s24 =	simm.s32 $0x1D00;
	[smem:$0x788] =	sst s23  }
0x6f: {  	s5 =	simm.s32 $0x4100;
	[smem:$0x789] =	sst s24  }
0x70: {  	s6 =	simm.s32 $0x5280;
	[dreg:$0x7] =	wrdreg s5  }
0x71: {  	s25 =	simm.s32 $0x1780;
	[smem:$0x760] =	sst s6  }
0x72: {  	s26 =	simm.s32 $0x1D80;
	[smem:$0x773] =	sst s25  }
0x73: {  	s0 =	simm.s32 $0x5D80;
	[smem:$0x78B] =	sst s26  }
0x74: {  	s7 =	simm.s32 $0x1E80;
	[smem:$0x78C] =	sst s0  }
0x75: {  	s8 =	simm.s32 $0x5E80;
	[smem:$0x78F] =	sst s7  }
0x76: {  	s9 =	simm.s32 $0x1F00;
	[smem:$0x790] =	sst s8  }
0x77: {  	s10 =	simm.s32 $0x5F00;
	[smem:$0x791] =	sst s9  }
0x78: {  	s11 =	simm.s32 $0x1F80;
	[smem:$0x792] =	sst s10  }
0x79: {  	s12 =	simm.s32 $0x5F80;
	[smem:$0x793] =	sst s11  }
0x7a: {  	s13 =	simm.s32 $0x2000;
	[smem:$0x794] =	sst s12  }
0x7b: {  	s14 =	simm.s32 $0x6000;
	[smem:$0x795] =	sst s13  }
0x7c: {  	s15 =	simm.s32 $0x2080;
	[smem:$0x796] =	sst s14  }
0x7d: {  	s16 =	simm.s32 $0x6080;
	[smem:$0x797] =	sst s15  }
0x7e: {  	s17 =	simm.s32 $0x2100;
	[smem:$0x798] =	sst s16  }
0x7f: {  	s18 =	simm.s32 $0x6100;
	[smem:$0x799] =	sst s17  }
0x80: {  	s19 =	simm.s32 $0x2180;
	[smem:$0x79A] =	sst s18  }
0x81: {  	s20 =	simm.s32 $0x6180;
	[smem:$0x79B] =	sst s19  }
0x82: {  	s21 =	simm.s32 $0x2200;
	[smem:$0x79C] =	sst s20  }
0x83: {  	s22 =	simm.s32 $0x6200;
	[smem:$0x79D] =	sst s21  }
0x84: {  	s23 =	simm.s32 $0x2280;
	[smem:$0x79E] =	sst s22  }
0x85: {  	s24 =	simm.s32 $0x6280;
	[smem:$0x79F] =	sst s23  }
0x86: {  	s5 =	simm.s32 $0x700;
	[smem:$0x7A0] =	sst s24  }
0x87: {  	s6 =	simm.s32 $0x1880;
	[dreg:$0x1e] =	wrdreg s5  }
0x88: {  	s25 =	simm.s32 $0x5D00;
	[smem:$0x777] =	sst s6  }
0x89: {  	s26 =	simm.s32 $0x6300;
	[smem:$0x78A] =	sst s25  }
0x8a: {  	s0 =	simm.s32 $0x2380;
	[smem:$0x7A2] =	sst s26  }
0x8b: {  	s7 =	simm.s32 $0x6400;
	[smem:$0x7A3] =	sst s0  }
0x8c: {  	s8 =	simm.s32 $0x2480;
	[smem:$0x7A6] =	sst s7  }
0x8d: {  	s9 =	simm.s32 $0x6480;
	[smem:$0x7A7] =	sst s8  }
0x8e: {  	s10 =	simm.s32 $0x2500;
	[smem:$0x7A8] =	sst s9  }
0x8f: {  	s11 =	simm.s32 $0x6500;
	[smem:$0x7A9] =	sst s10  }
0x90: {  	s12 =	simm.s32 $0x2580;
	[smem:$0x7AA] =	sst s11  }
0x91: {  	s13 =	simm.s32 $0x6580;
	[smem:$0x7AB] =	sst s12  }
0x92: {  	s14 =	simm.s32 $0x2600;
	[smem:$0x7AC] =	sst s13  }
0x93: {  	s15 =	simm.s32 $0x6600;
	[smem:$0x7AD] =	sst s14  }
0x94: {  	s16 =	simm.s32 $0x2680;
	[smem:$0x7AE] =	sst s15  }
0x95: {  	s17 =	simm.s32 $0x6680;
	[smem:$0x7AF] =	sst s16  }
0x96: {  	s18 =	simm.s32 $0x2700;
	[smem:$0x7B0] =	sst s17  }
0x97: {  	s19 =	simm.s32 $0x6700;
	[smem:$0x7B1] =	sst s18  }
0x98: {  	s20 =	simm.s32 $0x2780;
	[smem:$0x7B2] =	sst s19  }
0x99: {  	s21 =	simm.s32 $0x6780;
	[smem:$0x7B3] =	sst s20  }
0x9a: {  	s22 =	simm.s32 $0x2800;
	[smem:$0x7B4] =	sst s21  }
0x9b: {  	s23 =	simm.s32 $0x6800;
	[smem:$0x7B5] =	sst s22  }
0x9c: {  	s24 =	simm.s32 $0x2880;
	[smem:$0x7B6] =	sst s23  }
0x9d: {  	s5 =	simm.s32 $0x4C80;
	[smem:$0x7B7] =	sst s24  }
0x9e: {  	s6 =	simm.s32 $0x5E00;
	[smem:$0x748] =	sst s5  }
0x9f: {  	s25 =	simm.s32 $0x2300;
	[smem:$0x78E] =	sst s6  }
0xa0: {  	s26 =	simm.s32 $0x2900;
	[smem:$0x7A1] =	sst s25  }
0xa1: {  	s0 =	simm.s32 $0x6900;
	[smem:$0x7B9] =	sst s26  }
0xa2: {  	s7 =	simm.s32 $0x2A00;
	[smem:$0x7BA] =	sst s0  }
0xa3: {  	s8 =	simm.s32 $0x6A00;
	[smem:$0x7BD] =	sst s7  }
0xa4: {  	s9 =	simm.s32 $0x2A80;
	[smem:$0x7BE] =	sst s8  }
0xa5: {  	s10 =	simm.s32 $0x6A80;
	[smem:$0x7BF] =	sst s9  }
0xa6: {  	s11 =	simm.s32 $0x2B00;
	[smem:$0x7C0] =	sst s10  }
0xa7: {  	s12 =	simm.s32 $0x6B00;
	[smem:$0x7C1] =	sst s11  }
0xa8: {  	s13 =	simm.s32 $0x2B80;
	[smem:$0x7C2] =	sst s12  }
0xa9: {  	s14 =	simm.s32 $0x6B80;
	[smem:$0x7C3] =	sst s13  }
0xaa: {  	s15 =	simm.s32 $0x2C00;
	[smem:$0x7C4] =	sst s14  }
0xab: {  	s16 =	simm.s32 $0x6C00;
	[smem:$0x7C5] =	sst s15  }
0xac: {  	s17 =	simm.s32 $0x2C80;
	[smem:$0x7C6] =	sst s16  }
0xad: {  	s18 =	simm.s32 $0x6C80;
	[smem:$0x7C7] =	sst s17  }
0xae: {  	s19 =	simm.s32 $0x2D00;
	[smem:$0x7C8] =	sst s18  }
0xaf: {  	s20 =	simm.s32 $0x6D00;
	[smem:$0x7C9] =	sst s19  }
0xb0: {  	s21 =	simm.s32 $0x2D80;
	[smem:$0x7CA] =	sst s20  }
0xb1: {  	s22 =	simm.s32 $0x6D80;
	[smem:$0x7CB] =	sst s21  }
0xb2: {  	s23 =	simm.s32 $0x2E00;
	[smem:$0x7CC] =	sst s22  }
0xb3: {  	s24 =	simm.s32 $0x6E00;
	[smem:$0x7CD] =	sst s23  }
0xb4: {  	s5 =	simm.s32 $0x1280;
	[smem:$0x7CE] =	sst s24  }
0xb5: {  	s6 =	simm.s32 $0x2400;
	[smem:$0x75F] =	sst s5  }
0xb6: {  	s25 =	simm.s32 $0x6880;
	[smem:$0x7A5] =	sst s6  }
0xb7: {  	s26 =	simm.s32 $0x6E80;
	[smem:$0x7B8] =	sst s25  }
0xb8: {  	s0 =	simm.s32 $0x2F00;
	[smem:$0x7D0] =	sst s26  }
0xb9: {  	s7 =	simm.s32 $0x6F80;
	[smem:$0x7D1] =	sst s0  }
0xba: {  	s8 =	simm.s32 $0x3000;
	[smem:$0x7D4] =	sst s7  }
0xbb: {  	s9 =	simm.s32 $0x7000;
	[smem:$0x7D5] =	sst s8  }
0xbc: {  	s10 =	simm.s32 $0x3080;
	[smem:$0x7D6] =	sst s9  }
0xbd: {  	s11 =	simm.s32 $0x7080;
	[smem:$0x7D7] =	sst s10  }
0xbe: {  	s12 =	simm.s32 $0x3100;
	[smem:$0x7D8] =	sst s11  }
0xbf: {  	s13 =	simm.s32 $0x7100;
	[smem:$0x7D9] =	sst s12  }
0xc0: {  	s14 =	simm.s32 $0x3180;
	[smem:$0x7DA] =	sst s13  }
0xc1: {  	s15 =	simm.s32 $0x7180;
	[smem:$0x7DB] =	sst s14  }
0xc2: {  	s16 =	simm.s32 $0x3200;
	[smem:$0x7DC] =	sst s15  }
0xc3: {  	s17 =	simm.s32 $0x7200;
	[smem:$0x7DD] =	sst s16  }
0xc4: {  	s18 =	simm.s32 $0x3280;
	[smem:$0x7DE] =	sst s17  }
0xc5: {  	s19 =	simm.s32 $0x7280;
	[smem:$0x7DF] =	sst s18  }
0xc6: {  	s20 =	simm.s32 $0x3300;
	[smem:$0x7E0] =	sst s19  }
0xc7: {  	s21 =	simm.s32 $0x7300;
	[smem:$0x7E1] =	sst s20  }
0xc8: {  	s22 =	simm.s32 $0x3380;
	[smem:$0x7E2] =	sst s21  }
0xc9: {  	s23 =	simm.s32 $0x7380;
	[smem:$0x7E3] =	sst s22  }
0xca: {  	s24 =	simm.s32 $0x3400;
	[smem:$0x7E4] =	sst s23  }
0xcb: {  	s5 =	simm.s32 $0x5800;
	[smem:$0x7E5] =	sst s24  }
0xcc: {  	s6 =	simm.s32 $0x6980;
	[smem:$0x776] =	sst s5  }
0xcd: {  	s25 =	simm.s32 $0x2E80;
	[smem:$0x7BC] =	sst s6  }
0xce: {  	s26 =	simm.s32 $0x3480;
	[smem:$0x7CF] =	sst s25  }
0xcf: {  	s0 =	simm.s32 $0x7480;
	[smem:$0x7E7] =	sst s26  }
0xd0: {  	s7 =	simm.s32 $0x3580;
	[smem:$0x7E8] =	sst s0  }
0xd1: {  	s8 =	simm.s32 $0x7580;
	[smem:$0x7EB] =	sst s7  }
0xd2: {  	s9 =	simm.s32 $0x3600;
	[smem:$0x7EC] =	sst s8  }
0xd3: {  	s10 =	simm.s32 $0x7600;
	[smem:$0x7ED] =	sst s9  }
0xd4: {  	s11 =	simm.s32 $0x3680;
	[smem:$0x7EE] =	sst s10  }
0xd5: {  	s12 =	simm.s32 $0x7680;
	[smem:$0x7EF] =	sst s11  }
0xd6: {  	s13 =	simm.s32 $0x3700;
	[smem:$0x7F0] =	sst s12  }
0xd7: {  	s28 =	simm.s32 $0x3F00;
	s14 =	simm.s32 $0x7700;
	[smem:$0x7F1] =	sst s13  }
0xd8: {  	s29 =	simm.s32 $0x7F00;
	s15 =	simm.s32 $0x3780;
	[smem:$0x7F2] =	sst s14  }
0xd9: {  	s30 =	simm.s32 $0x3F80;
	s16 =	simm.s32 $0x7780;
	[smem:$0x7F3] =	sst s15  }
0xda: {  	s31 =	simm.s32 $0x7F80;
	s17 =	simm.s32 $0x3800;
	[smem:$0x7F4] =	sst s16  }
0xdb: {  	s4 =	ssub.s32 $0x2, s4;
	s18 =	simm.s32 $0x7800;
	[smem:$0x7F5] =	sst s17  }
0xdc: {  	s1 =	simm.s32 $0x1;
	s19 =	simm.s32 $0x3880;
	[smem:$0x7F6] =	sst s18  }
0xdd: {  	s20 =	simm.s32 $0x7880;
	s21 =	simm.s32 $0x3900;
	[smem:$0x7F7] =	sst s19  }
0xde: {  	s22 =	sshrl.u32 s4, $0x1;
	s23 =	simm.s32 $0x7900;
	[smem:$0x7F8] =	sst s20  }
0xdf: {  	s24 =	simm.s32 $0x3980;
	s5 =	simm.s32 $0x1E00;
	[smem:$0x7F9] =	sst s21  }
0xe0: {  	s6 =	simm.s32 $0x2F80;
	s25 =	simm.s32 $0x7400;
	[smem:$0x7FA] =	sst s23  }
0xe1: {  	s4 =	ssub.s32 s4, s22;
	[smem:$0x7FB] =	sst s24;
	s26 =	simm.s32 $0x3A00  }
0xe2: {  	s7 =	simm.s32 $0x4000;
	s11 =	simm.s32 $0x3B00;
	s12 =	simm.s32 $0x7B00  }
0xe3: {  	s13 =	simm.s32 $0x3B80;
	s14 =	simm.s32 $0x7B80;
	s15 =	simm.s32 $0x3C00  }
0xe4: {  	s16 =	simm.s32 $0x7C00;
	s17 =	simm.s32 $0x3C80;
	[smem:$0x78D] =	sst s5  }
0xe5: {  	s18 =	simm.s32 $0x7C80;
	s19 =	simm.s32 $0x3D00;
	[smem:$0x7D3] =	sst s6  }
0xe6: {  	s20 =	simm.s32 $0x7D00;
	s21 =	simm.s32 $0x3D80;
	[smem:$0x7E6] =	sst s25  }
0xe7: {  	s22 =	simm.s32 $0x7D80;
	s5 =	simm.s32 $0x6380;
	[smem:$0x7FD] =	sst s26  }
0xe8: {  	s23 =	simm.s32 $0x3E00;
	s6 =	simm.s32 $0x7500;
	[smem:$0x7A4] =	sst s5  }
0xe9: {  	s24 =	simm.s32 $0x7E00;
	s25 =	simm.s32 $0x7980;
	[smem:$0x7EA] =	sst s6  }
0xea: {  	s4 =	smax.u32 s4, $0x1;
	s5 =	simm.s32 $0x2980;
	[smem:$0x7FC] =	sst s25  }
0xeb: {  	s26 =	simm.s32 $0x7E80;
	[smem:$0x7BB] =	sst s5;
	s5 =	simm.s32 $0x6F00  }
0xec: {  	s6 =	simm.s32 $0x80;
	[smem:$0x7D2] =	sst s5;
	s5 =	simm.s32 $0x3500  }
0xed: {  	s25 =	simm.s32 $0x3E80;
	[smem:$0x7E9] =	sst s5;
	s5 =	simm.s32 $0x2  }
.LBB2_1:
0xee: {  	s0 =	rddreg [dreg:$0x3]  }
0xef: {  	[tilespmem:s3], [sflag:$0x2] =	stream.linear.gather [hbm4b:s0+s3], $0x4000, $0x38;
	[tilespmem:$0x8000] =	vst v63  }
0xf0: {  	_ =	swait.ge [sflag:s5], $0x4000  }
0xf1: {  	s10 =	rddreg [dreg:$0x5]  }
0xf2: {  	[sflag:s5] =	ssyncset.done $0x0;
	s0 =	rddreg [dreg:$0x6]  }
0xf3: {  	s8 =	rddreg [dreg:$0x7];
	[sflag:s5] =	ssyncadd.s32 $0xFFFFC000  }
0xf4: {  	[tilespmem:s7], [sflag:$0x1] =	stream.indirect.gather [hbm4b:s2+s6], $0x1, s3, s6, $0xb8;
	[tilespmem:$0x8000] =	vst v63  }
0xf5: {  	s9 =	rddreg [dreg:$0x8]  }
0xf6: {  	[tilespmem:s10], [sflag:$0x1] =	stream.indirect.gather [hbm4b:s2+s6], $0x1, s6, s6, $0xb8;
	[tilespmem:$0x8000] =	vst v63  }
0xf7: {  	s10 =	rddreg [dreg:$0x9]  }
0xf8: {  	[tilespmem:s8], [sflag:$0x1] =	stream.indirect.gather [hbm4b:s2+s6], $0x1, s0, s6, $0xb8;
	[tilespmem:$0x8000] =	vst v63  }
0xf9: {  	s0 =	rddreg [dreg:$0xa]  }
0xfa: {  	s8 =	rddreg [dreg:$0xb]  }
0xfb: {  	[tilespmem:s10], [sflag:$0x1] =	stream.indirect.gather [hbm4b:s2+s6], $0x1, s9, s6, $0xb8;
	[tilespmem:$0x8000] =	vst v63  }
0xfc: {  	s9 =	rddreg [dreg:$0xc]  }
0xfd: {  	s10 =	rddreg [dreg:$0xd]  }
0xfe: {  	[tilespmem:s8], [sflag:$0x1] =	stream.indirect.gather [hbm4b:s2+s6], $0x1, s0, s6, $0xb8;
	[tilespmem:$0x8000] =	vst v63  }
0xff: {  	s0 =	rddreg [dreg:$0xe]  }
0x100: {  	s8 =	rddreg [dreg:$0xf]  }
0x101: {  	[tilespmem:s10], [sflag:$0x1] =	stream.indirect.gather [hbm4b:s2+s6], $0x1, s9, s6, $0xb8;
	[tilespmem:$0x8000] =	vst v63  }
0x102: {  	s9 =	rddreg [dreg:$0x10]  }
0x103: {  	s10 =	rddreg [dreg:$0x11]  }
0x104: {  	[tilespmem:s8], [sflag:$0x1] =	stream.indirect.gather [hbm4b:s2+s6], $0x1, s0, s6, $0xb8;
	[tilespmem:$0x8000] =	vst v63  }
0x105: {  	s0 =	rddreg [dreg:$0x12]  }
0x106: {  	s8 =	rddreg [dreg:$0x13]  }
0x107: {  	[tilespmem:s10], [sflag:$0x1] =	stream.indirect.gather [hbm4b:s2+s6], $0x1, s9, s6, $0xb8;
	[tilespmem:$0x8000] =	vst v63  }
0x108: {  	s9 =	rddreg [dreg:$0x14]  }
0x109: {  	s10 =	rddreg [dreg:$0x15]  }
0x10a: {  	[tilespmem:s8], [sflag:$0x1] =	stream.indirect.gather [hbm4b:s2+s6], $0x1, s0, s6, $0xb8;
	[tilespmem:$0x8000] =	vst v63  }
0x10b: {  	s0 =	rddreg [dreg:$0x16]  }
0x10c: {  	s8 =	rddreg [dreg:$0x17]  }
0x10d: {  	[tilespmem:s10], [sflag:$0x1] =	stream.indirect.gather [hbm4b:s2+s6], $0x1, s9, s6, $0xb8;
	[tilespmem:$0x8000] =	vst v63  }
0x10e: {  	s9 =	rddreg [dreg:$0x18]  }
0x10f: {  	s10 =	rddreg [dreg:$0x19]  }
0x110: {  	[tilespmem:s8], [sflag:$0x1] =	stream.indirect.gather [hbm4b:s2+s6], $0x1, s0, s6, $0xb8;
	[tilespmem:$0x8000] =	vst v63  }
0x111: {  	s0 =	rddreg [dreg:$0x1a]  }
0x112: {  	s8 =	rddreg [dreg:$0x1b]  }
0x113: {  	[tilespmem:s10], [sflag:$0x1] =	stream.indirect.gather [hbm4b:s2+s6], $0x1, s9, s6, $0xb8;
	[tilespmem:$0x8000] =	vst v63  }
0x114: {  	s9 =	rddreg [dreg:$0x1c]  }
0x115: {  	s10 =	rddreg [dreg:$0x1d]  }
0x116: {  	[tilespmem:s8], [sflag:$0x1] =	stream.indirect.gather [hbm4b:s2+s6], $0x1, s0, s6, $0xb8;
	[tilespmem:$0x8000] =	vst v63  }
0x117: {  	s0 =	rddreg [dreg:$0x1e]  }
0x118: {  	s8 =	rddreg [dreg:$0x1f]  }
0x119: {  	[tilespmem:s10], [sflag:$0x1] =	stream.indirect.gather [hbm4b:s2+s6], $0x1, s9, s6, $0xb8;
	[tilespmem:$0x8000] =	vst v63  }
0x11a: {  	s9 =	sld [smem:$0x733]  }
0x11b: {  	s10 =	sld [smem:$0x734]  }
0x11c: {  	[tilespmem:s8], [sflag:$0x1] =	stream.indirect.gather [hbm4b:s2+s6], $0x1, s0, s6, $0xb8;
	[tilespmem:$0x8000] =	vst v63  }
0x11d: {  	s0 =	sld [smem:$0x735]  }
0x11e: {  	s8 =	sld [smem:$0x736]  }
0x11f: {  	[tilespmem:s10], [sflag:$0x1] =	stream.indirect.gather [hbm4b:s2+s6], $0x1, s9, s6, $0xb8;
	[tilespmem:$0x8000] =	vst v63  }
0x120: {  	s9 =	sld [smem:$0x737]  }
0x121: {  	s10 =	sld [smem:$0x738]  }
0x122: {  	[tilespmem:s8], [sflag:$0x1] =	stream.indirect.gather [hbm4b:s2+s6], $0x1, s0, s6, $0xb8;
	[tilespmem:$0x8000] =	vst v63  }
0x123: {  	s0 =	sld [smem:$0x739]  }
0x124: {  	s8 =	sld [smem:$0x73A]  }
0x125: {  	[tilespmem:s10], [sflag:$0x1] =	stream.indirect.gather [hbm4b:s2+s6], $0x1, s9, s6, $0xb8;
	[tilespmem:$0x8000] =	vst v63  }
0x126: {  	s9 =	sld [smem:$0x73B]  }
0x127: {  	s10 =	sld [smem:$0x73C]  }
0x128: {  	[tilespmem:s8], [sflag:$0x1] =	stream.indirect.gather [hbm4b:s2+s6], $0x1, s0, s6, $0xb8;
	[tilespmem:$0x8000] =	vst v63  }
0x129: {  	s0 =	sld [smem:$0x73D]  }
0x12a: {  	s8 =	sld [smem:$0x73E]  }
0x12b: {  	[tilespmem:s10], [sflag:$0x1] =	stream.indirect.gather [hbm4b:s2+s6], $0x1, s9, s6, $0xb8;
	[tilespmem:$0x8000] =	vst v63  }
0x12c: {  	s9 =	sld [smem:$0x73F]  }
0x12d: {  	s10 =	sld [smem:$0x740]  }
0x12e: {  	[tilespmem:s8], [sflag:$0x1] =	stream.indirect.gather [hbm4b:s2+s6], $0x1, s0, s6, $0xb8;
	[tilespmem:$0x8000] =	vst v63  }
0x12f: {  	s0 =	sld [smem:$0x741]  }
0x130: {  	s8 =	sld [smem:$0x742]  }
0x131: {  	[tilespmem:s10], [sflag:$0x1] =	stream.indirect.gather [hbm4b:s2+s6], $0x1, s9, s6, $0xb8;
	[tilespmem:$0x8000] =	vst v63  }
0x132: {  	s9 =	sld [smem:$0x743]  }
0x133: {  	s10 =	sld [smem:$0x744]  }
0x134: {  	[tilespmem:s8], [sflag:$0x1] =	stream.indirect.gather [hbm4b:s2+s6], $0x1, s0, s6, $0xb8;
	[tilespmem:$0x8000] =	vst v63  }
0x135: {  	s0 =	sld [smem:$0x745]  }
0x136: {  	s8 =	sld [smem:$0x746]  }
0x137: {  	[tilespmem:s10], [sflag:$0x1] =	stream.indirect.gather [hbm4b:s2+s6], $0x1, s9, s6, $0xb8;
	[tilespmem:$0x8000] =	vst v63  }
0x138: {  	s9 =	sld [smem:$0x747]  }
0x139: {  	s10 =	sld [smem:$0x748]  }
0x13a: {  	[tilespmem:s8], [sflag:$0x1] =	stream.indirect.gather [hbm4b:s2+s6], $0x1, s0, s6, $0xb8;
	[tilespmem:$0x8000] =	vst v63  }
0x13b: {  	s0 =	sld [smem:$0x749]  }
0x13c: {  	s8 =	sld [smem:$0x74A]  }
0x13d: {  	[tilespmem:s10], [sflag:$0x1] =	stream.indirect.gather [hbm4b:s2+s6], $0x1, s9, s6, $0xb8;
	[tilespmem:$0x8000] =	vst v63  }
0x13e: {  	s9 =	sld [smem:$0x74B]  }
0x13f: {  	s10 =	sld [smem:$0x74C]  }
0x140: {  	[tilespmem:s8], [sflag:$0x1] =	stream.indirect.gather [hbm4b:s2+s6], $0x1, s0, s6, $0xb8;
	[tilespmem:$0x8000] =	vst v63  }
0x141: {  	s0 =	sld [smem:$0x74D]  }
0x142: {  	s8 =	sld [smem:$0x74E]  }
0x143: {  	[tilespmem:s10], [sflag:$0x1] =	stream.indirect.gather [hbm4b:s2+s6], $0x1, s9, s6, $0xb8;
	[tilespmem:$0x8000] =	vst v63  }
0x144: {  	s9 =	sld [smem:$0x74F]  }
0x145: {  	s10 =	sld [smem:$0x750]  }
0x146: {  	[tilespmem:s8], [sflag:$0x1] =	stream.indirect.gather [hbm4b:s2+s6], $0x1, s0, s6, $0xb8;
	[tilespmem:$0x8000] =	vst v63  }
0x147: {  	s0 =	sld [smem:$0x751]  }
0x148: {  	s8 =	sld [smem:$0x752]  }
0x149: {  	[tilespmem:s10], [sflag:$0x1] =	stream.indirect.gather [hbm4b:s2+s6], $0x1, s9, s6, $0xb8;
	[tilespmem:$0x8000] =	vst v63  }
0x14a: {  	s9 =	sld [smem:$0x753]  }
0x14b: {  	s10 =	sld [smem:$0x754]  }
0x14c: {  	[tilespmem:s8], [sflag:$0x1] =	stream.indirect.gather [hbm4b:s2+s6], $0x1, s0, s6, $0xb8;
	[tilespmem:$0x8000] =	vst v63  }
0x14d: {  	s0 =	sld [smem:$0x755]  }
0x14e: {  	s8 =	sld [smem:$0x756]  }
0x14f: {  	[tilespmem:s10], [sflag:$0x1] =	stream.indirect.gather [hbm4b:s2+s6], $0x1, s9, s6, $0xb8;
	[tilespmem:$0x8000] =	vst v63  }
0x150: {  	s9 =	sld [smem:$0x757]  }
0x151: {  	s10 =	sld [smem:$0x758]  }
0x152: {  	[tilespmem:s8], [sflag:$0x1] =	stream.indirect.gather [hbm4b:s2+s6], $0x1, s0, s6, $0xb8;
	[tilespmem:$0x8000] =	vst v63  }
0x153: {  	s0 =	sld [smem:$0x759]  }
0x154: {  	s8 =	sld [smem:$0x75A]  }
0x155: {  	[tilespmem:s10], [sflag:$0x1] =	stream.indirect.gather [hbm4b:s2+s6], $0x1, s9, s6, $0xb8;
	[tilespmem:$0x8000] =	vst v63  }
0x156: {  	s9 =	sld [smem:$0x75B]  }
0x157: {  	s10 =	sld [smem:$0x75C]  }
0x158: {  	[tilespmem:s8], [sflag:$0x1] =	stream.indirect.gather [hbm4b:s2+s6], $0x1, s0, s6, $0xb8;
	[tilespmem:$0x8000] =	vst v63  }
0x159: {  	s0 =	sld [smem:$0x75D]  }
0x15a: {  	s8 =	sld [smem:$0x75E]  }
0x15b: {  	[tilespmem:s10], [sflag:$0x1] =	stream.indirect.gather [hbm4b:s2+s6], $0x1, s9, s6, $0xb8;
	[tilespmem:$0x8000] =	vst v63  }
0x15c: {  	s9 =	sld [smem:$0x75F]  }
0x15d: {  	s10 =	sld [smem:$0x760]  }
0x15e: {  	[tilespmem:s8], [sflag:$0x1] =	stream.indirect.gather [hbm4b:s2+s6], $0x1, s0, s6, $0xb8;
	[tilespmem:$0x8000] =	vst v63  }
0x15f: {  	s0 =	sld [smem:$0x761]  }
0x160: {  	s8 =	sld [smem:$0x762]  }
0x161: {  	[tilespmem:s10], [sflag:$0x1] =	stream.indirect.gather [hbm4b:s2+s6], $0x1, s9, s6, $0xb8;
	[tilespmem:$0x8000] =	vst v63  }
0x162: {  	s9 =	sld [smem:$0x763]  }
0x163: {  	s10 =	sld [smem:$0x764]  }
0x164: {  	[tilespmem:s8], [sflag:$0x1] =	stream.indirect.gather [hbm4b:s2+s6], $0x1, s0, s6, $0xb8;
	[tilespmem:$0x8000] =	vst v63  }
0x165: {  	s0 =	sld [smem:$0x765]  }
0x166: {  	s8 =	sld [smem:$0x766]  }
0x167: {  	[tilespmem:s10], [sflag:$0x1] =	stream.indirect.gather [hbm4b:s2+s6], $0x1, s9, s6, $0xb8;
	[tilespmem:$0x8000] =	vst v63  }
0x168: {  	s9 =	sld [smem:$0x767]  }
0x169: {  	s10 =	sld [smem:$0x768]  }
0x16a: {  	[tilespmem:s8], [sflag:$0x1] =	stream.indirect.gather [hbm4b:s2+s6], $0x1, s0, s6, $0xb8;
	[tilespmem:$0x8000] =	vst v63  }
0x16b: {  	s0 =	sld [smem:$0x769]  }
0x16c: {  	s8 =	sld [smem:$0x76A]  }
0x16d: {  	[tilespmem:s10], [sflag:$0x1] =	stream.indirect.gather [hbm4b:s2+s6], $0x1, s9, s6, $0xb8;
	[tilespmem:$0x8000] =	vst v63  }
0x16e: {  	s9 =	sld [smem:$0x76B]  }
0x16f: {  	s10 =	sld [smem:$0x76C]  }
0x170: {  	[tilespmem:s8], [sflag:$0x1] =	stream.indirect.gather [hbm4b:s2+s6], $0x1, s0, s6, $0xb8;
	[tilespmem:$0x8000] =	vst v63  }
0x171: {  	s0 =	sld [smem:$0x76D]  }
0x172: {  	s8 =	sld [smem:$0x76E]  }
0x173: {  	[tilespmem:s10], [sflag:$0x1] =	stream.indirect.gather [hbm4b:s2+s6], $0x1, s9, s6, $0xb8;
	[tilespmem:$0x8000] =	vst v63  }
0x174: {  	s9 =	sld [smem:$0x76F]  }
0x175: {  	s10 =	sld [smem:$0x770]  }
0x176: {  	[tilespmem:s8], [sflag:$0x1] =	stream.indirect.gather [hbm4b:s2+s6], $0x1, s0, s6, $0xb8;
	[tilespmem:$0x8000] =	vst v63  }
0x177: {  	s0 =	sld [smem:$0x771]  }
0x178: {  	s8 =	sld [smem:$0x772]  }
0x179: {  	[tilespmem:s10], [sflag:$0x1] =	stream.indirect.gather [hbm4b:s2+s6], $0x1, s9, s6, $0xb8;
	[tilespmem:$0x8000] =	vst v63  }
0x17a: {  	s9 =	sld [smem:$0x773]  }
0x17b: {  	s10 =	sld [smem:$0x774]  }
0x17c: {  	[tilespmem:s8], [sflag:$0x1] =	stream.indirect.gather [hbm4b:s2+s6], $0x1, s0, s6, $0xb8;
	[tilespmem:$0x8000] =	vst v63  }
0x17d: {  	s0 =	sld [smem:$0x775]  }
0x17e: {  	s8 =	sld [smem:$0x776]  }
0x17f: {  	[tilespmem:s10], [sflag:$0x1] =	stream.indirect.gather [hbm4b:s2+s6], $0x1, s9, s6, $0xb8;
	[tilespmem:$0x8000] =	vst v63  }
0x180: {  	s9 =	sld [smem:$0x777]  }
0x181: {  	s10 =	sld [smem:$0x778]  }
0x182: {  	[tilespmem:s8], [sflag:$0x1] =	stream.indirect.gather [hbm4b:s2+s6], $0x1, s0, s6, $0xb8;
	[tilespmem:$0x8000] =	vst v63  }
0x183: {  	s0 =	sld [smem:$0x779]  }
0x184: {  	s8 =	sld [smem:$0x77A]  }
0x185: {  	[tilespmem:s10], [sflag:$0x1] =	stream.indirect.gather [hbm4b:s2+s6], $0x1, s9, s6, $0xb8;
	[tilespmem:$0x8000] =	vst v63  }
0x186: {  	s9 =	sld [smem:$0x77B]  }
0x187: {  	s10 =	sld [smem:$0x77C]  }
0x188: {  	[tilespmem:s8], [sflag:$0x1] =	stream.indirect.gather [hbm4b:s2+s6], $0x1, s0, s6, $0xb8;
	[tilespmem:$0x8000] =	vst v63  }
0x189: {  	s0 =	sld [smem:$0x77D]  }
0x18a: {  	s8 =	sld [smem:$0x77E]  }
0x18b: {  	[tilespmem:s10], [sflag:$0x1] =	stream.indirect.gather [hbm4b:s2+s6], $0x1, s9, s6, $0xb8;
	[tilespmem:$0x8000] =	vst v63  }
0x18c: {  	s9 =	sld [smem:$0x77F]  }
0x18d: {  	s10 =	sld [smem:$0x780]  }
0x18e: {  	[tilespmem:s8], [sflag:$0x1] =	stream.indirect.gather [hbm4b:s2+s6], $0x1, s0, s6, $0xb8;
	[tilespmem:$0x8000] =	vst v63  }
0x18f: {  	s0 =	sld [smem:$0x781]  }
0x190: {  	s8 =	sld [smem:$0x782]  }
0x191: {  	[tilespmem:s10], [sflag:$0x1] =	stream.indirect.gather [hbm4b:s2+s6], $0x1, s9, s6, $0xb8;
	[tilespmem:$0x8000] =	vst v63  }
0x192: {  	s9 =	sld [smem:$0x783]  }
0x193: {  	s10 =	sld [smem:$0x784]  }
0x194: {  	[tilespmem:s8], [sflag:$0x1] =	stream.indirect.gather [hbm4b:s2+s6], $0x1, s0, s6, $0xb8;
	[tilespmem:$0x8000] =	vst v63  }
0x195: {  	s0 =	sld [smem:$0x785]  }
0x196: {  	s8 =	sld [smem:$0x786]  }
0x197: {  	[tilespmem:s10], [sflag:$0x1] =	stream.indirect.gather [hbm4b:s2+s6], $0x1, s9, s6, $0xb8;
	[tilespmem:$0x8000] =	vst v63  }
0x198: {  	s9 =	sld [smem:$0x787]  }
0x199: {  	s10 =	sld [smem:$0x788]  }
0x19a: {  	[tilespmem:s8], [sflag:$0x1] =	stream.indirect.gather [hbm4b:s2+s6], $0x1, s0, s6, $0xb8;
	[tilespmem:$0x8000] =	vst v63  }
0x19b: {  	s0 =	sld [smem:$0x789]  }
0x19c: {  	s8 =	sld [smem:$0x78A]  }
0x19d: {  	[tilespmem:s10], [sflag:$0x1] =	stream.indirect.gather [hbm4b:s2+s6], $0x1, s9, s6, $0xb8;
	[tilespmem:$0x8000] =	vst v63  }
0x19e: {  	s9 =	sld [smem:$0x78B]  }
0x19f: {  	s10 =	sld [smem:$0x78C]  }
0x1a0: {  	[tilespmem:s8], [sflag:$0x1] =	stream.indirect.gather [hbm4b:s2+s6], $0x1, s0, s6, $0xb8;
	[tilespmem:$0x8000] =	vst v63  }
0x1a1: {  	s0 =	sld [smem:$0x78D]  }
0x1a2: {  	s8 =	sld [smem:$0x78E]  }
0x1a3: {  	[tilespmem:s10], [sflag:$0x1] =	stream.indirect.gather [hbm4b:s2+s6], $0x1, s9, s6, $0xb8;
	[tilespmem:$0x8000] =	vst v63  }
0x1a4: {  	s9 =	sld [smem:$0x78F]  }
0x1a5: {  	s10 =	sld [smem:$0x790]  }
0x1a6: {  	[tilespmem:s8], [sflag:$0x1] =	stream.indirect.gather [hbm4b:s2+s6], $0x1, s0, s6, $0xb8;
	[tilespmem:$0x8000] =	vst v63  }
0x1a7: {  	s0 =	sld [smem:$0x791]  }
0x1a8: {  	s8 =	sld [smem:$0x792]  }
0x1a9: {  	[tilespmem:s10], [sflag:$0x1] =	stream.indirect.gather [hbm4b:s2+s6], $0x1, s9, s6, $0xb8;
	[tilespmem:$0x8000] =	vst v63  }
0x1aa: {  	s9 =	sld [smem:$0x793]  }
0x1ab: {  	s10 =	sld [smem:$0x794]  }
0x1ac: {  	[tilespmem:s8], [sflag:$0x1] =	stream.indirect.gather [hbm4b:s2+s6], $0x1, s0, s6, $0xb8;
	[tilespmem:$0x8000] =	vst v63  }
0x1ad: {  	s0 =	sld [smem:$0x795]  }
0x1ae: {  	s8 =	sld [smem:$0x796]  }
0x1af: {  	[tilespmem:s10], [sflag:$0x1] =	stream.indirect.gather [hbm4b:s2+s6], $0x1, s9, s6, $0xb8;
	[tilespmem:$0x8000] =	vst v63  }
0x1b0: {  	s9 =	sld [smem:$0x797]  }
0x1b1: {  	s10 =	sld [smem:$0x798]  }
0x1b2: {  	[tilespmem:s8], [sflag:$0x1] =	stream.indirect.gather [hbm4b:s2+s6], $0x1, s0, s6, $0xb8;
	[tilespmem:$0x8000] =	vst v63  }
0x1b3: {  	s0 =	sld [smem:$0x799]  }
0x1b4: {  	s8 =	sld [smem:$0x79A]  }
0x1b5: {  	[tilespmem:s10], [sflag:$0x1] =	stream.indirect.gather [hbm4b:s2+s6], $0x1, s9, s6, $0xb8;
	[tilespmem:$0x8000] =	vst v63  }
0x1b6: {  	s9 =	sld [smem:$0x79B]  }
0x1b7: {  	s10 =	sld [smem:$0x79C]  }
0x1b8: {  	[tilespmem:s8], [sflag:$0x1] =	stream.indirect.gather [hbm4b:s2+s6], $0x1, s0, s6, $0xb8;
	[tilespmem:$0x8000] =	vst v63  }
0x1b9: {  	s0 =	sld [smem:$0x79D]  }
0x1ba: {  	s8 =	sld [smem:$0x79E]  }
0x1bb: {  	[tilespmem:s10], [sflag:$0x1] =	stream.indirect.gather [hbm4b:s2+s6], $0x1, s9, s6, $0xb8;
	[tilespmem:$0x8000] =	vst v63  }
0x1bc: {  	s9 =	sld [smem:$0x79F]  }
0x1bd: {  	s10 =	sld [smem:$0x7A0]  }
0x1be: {  	[tilespmem:s8], [sflag:$0x1] =	stream.indirect.gather [hbm4b:s2+s6], $0x1, s0, s6, $0xb8;
	[tilespmem:$0x8000] =	vst v63  }
0x1bf: {  	s0 =	sld [smem:$0x7A1]  }
0x1c0: {  	s8 =	sld [smem:$0x7A2]  }
0x1c1: {  	[tilespmem:s10], [sflag:$0x1] =	stream.indirect.gather [hbm4b:s2+s6], $0x1, s9, s6, $0xb8;
	[tilespmem:$0x8000] =	vst v63  }
0x1c2: {  	s9 =	sld [smem:$0x7A3]  }
0x1c3: {  	s10 =	sld [smem:$0x7A4]  }
0x1c4: {  	[tilespmem:s8], [sflag:$0x1] =	stream.indirect.gather [hbm4b:s2+s6], $0x1, s0, s6, $0xb8;
	[tilespmem:$0x8000] =	vst v63  }
0x1c5: {  	s0 =	sld [smem:$0x7A5]  }
0x1c6: {  	s8 =	sld [smem:$0x7A6]  }
0x1c7: {  	[tilespmem:s10], [sflag:$0x1] =	stream.indirect.gather [hbm4b:s2+s6], $0x1, s9, s6, $0xb8;
	[tilespmem:$0x8000] =	vst v63  }
0x1c8: {  	s9 =	sld [smem:$0x7A7]  }
0x1c9: {  	s10 =	sld [smem:$0x7A8]  }
0x1ca: {  	[tilespmem:s8], [sflag:$0x1] =	stream.indirect.gather [hbm4b:s2+s6], $0x1, s0, s6, $0xb8;
	[tilespmem:$0x8000] =	vst v63  }
0x1cb: {  	s0 =	sld [smem:$0x7A9]  }
0x1cc: {  	s8 =	sld [smem:$0x7AA]  }
0x1cd: {  	[tilespmem:s10], [sflag:$0x1] =	stream.indirect.gather [hbm4b:s2+s6], $0x1, s9, s6, $0xb8;
	[tilespmem:$0x8000] =	vst v63  }
0x1ce: {  	s9 =	sld [smem:$0x7AB]  }
0x1cf: {  	s10 =	sld [smem:$0x7AC]  }
0x1d0: {  	[tilespmem:s8], [sflag:$0x1] =	stream.indirect.gather [hbm4b:s2+s6], $0x1, s0, s6, $0xb8;
	[tilespmem:$0x8000] =	vst v63  }
0x1d1: {  	s0 =	sld [smem:$0x7AD]  }
0x1d2: {  	s8 =	sld [smem:$0x7AE]  }
0x1d3: {  	[tilespmem:s10], [sflag:$0x1] =	stream.indirect.gather [hbm4b:s2+s6], $0x1, s9, s6, $0xb8;
	[tilespmem:$0x8000] =	vst v63  }
0x1d4: {  	s9 =	sld [smem:$0x7AF]  }
0x1d5: {  	s10 =	sld [smem:$0x7B0]  }
0x1d6: {  	[tilespmem:s8], [sflag:$0x1] =	stream.indirect.gather [hbm4b:s2+s6], $0x1, s0, s6, $0xb8;
	[tilespmem:$0x8000] =	vst v63  }
0x1d7: {  	s0 =	sld [smem:$0x7B1]  }
0x1d8: {  	s8 =	sld [smem:$0x7B2]  }
0x1d9: {  	[tilespmem:s10], [sflag:$0x1] =	stream.indirect.gather [hbm4b:s2+s6], $0x1, s9, s6, $0xb8;
	[tilespmem:$0x8000] =	vst v63  }
0x1da: {  	s9 =	sld [smem:$0x7B3]  }
0x1db: {  	s10 =	sld [smem:$0x7B4]  }
0x1dc: {  	[tilespmem:s8], [sflag:$0x1] =	stream.indirect.gather [hbm4b:s2+s6], $0x1, s0, s6, $0xb8;
	[tilespmem:$0x8000] =	vst v63  }
0x1dd: {  	s0 =	sld [smem:$0x7B5]  }
0x1de: {  	s8 =	sld [smem:$0x7B6]  }
0x1df: {  	[tilespmem:s10], [sflag:$0x1] =	stream.indirect.gather [hbm4b:s2+s6], $0x1, s9, s6, $0xb8;
	[tilespmem:$0x8000] =	vst v63  }
0x1e0: {  	s9 =	sld [smem:$0x7B7]  }
0x1e1: {  	s10 =	sld [smem:$0x7B8]  }
0x1e2: {  	[tilespmem:s8], [sflag:$0x1] =	stream.indirect.gather [hbm4b:s2+s6], $0x1, s0, s6, $0xb8;
	[tilespmem:$0x8000] =	vst v63  }
0x1e3: {  	s0 =	sld [smem:$0x7B9]  }
0x1e4: {  	s8 =	sld [smem:$0x7BA]  }
0x1e5: {  	[tilespmem:s10], [sflag:$0x1] =	stream.indirect.gather [hbm4b:s2+s6], $0x1, s9, s6, $0xb8;
	[tilespmem:$0x8000] =	vst v63  }
0x1e6: {  	s9 =	sld [smem:$0x7BB]  }
0x1e7: {  	s10 =	sld [smem:$0x7BC]  }
0x1e8: {  	[tilespmem:s8], [sflag:$0x1] =	stream.indirect.gather [hbm4b:s2+s6], $0x1, s0, s6, $0xb8;
	[tilespmem:$0x8000] =	vst v63  }
0x1e9: {  	s0 =	sld [smem:$0x7BD]  }
0x1ea: {  	s8 =	sld [smem:$0x7BE]  }
0x1eb: {  	[tilespmem:s10], [sflag:$0x1] =	stream.indirect.gather [hbm4b:s2+s6], $0x1, s9, s6, $0xb8;
	[tilespmem:$0x8000] =	vst v63  }
0x1ec: {  	s9 =	sld [smem:$0x7BF]  }
0x1ed: {  	s10 =	sld [smem:$0x7C0]  }
0x1ee: {  	[tilespmem:s8], [sflag:$0x1] =	stream.indirect.gather [hbm4b:s2+s6], $0x1, s0, s6, $0xb8;
	[tilespmem:$0x8000] =	vst v63  }
0x1ef: {  	s0 =	sld [smem:$0x7C1]  }
0x1f0: {  	s8 =	sld [smem:$0x7C2]  }
0x1f1: {  	[tilespmem:s10], [sflag:$0x1] =	stream.indirect.gather [hbm4b:s2+s6], $0x1, s9, s6, $0xb8;
	[tilespmem:$0x8000] =	vst v63  }
0x1f2: {  	s9 =	sld [smem:$0x7C3]  }
0x1f3: {  	s10 =	sld [smem:$0x7C4]  }
0x1f4: {  	[tilespmem:s8], [sflag:$0x1] =	stream.indirect.gather [hbm4b:s2+s6], $0x1, s0, s6, $0xb8;
	[tilespmem:$0x8000] =	vst v63  }
0x1f5: {  	s0 =	sld [smem:$0x7C5]  }
0x1f6: {  	s8 =	sld [smem:$0x7C6]  }
0x1f7: {  	[tilespmem:s10], [sflag:$0x1] =	stream.indirect.gather [hbm4b:s2+s6], $0x1, s9, s6, $0xb8;
	[tilespmem:$0x8000] =	vst v63  }
0x1f8: {  	s9 =	sld [smem:$0x7C7]  }
0x1f9: {  	s10 =	sld [smem:$0x7C8]  }
0x1fa: {  	[tilespmem:s8], [sflag:$0x1] =	stream.indirect.gather [hbm4b:s2+s6], $0x1, s0, s6, $0xb8;
	[tilespmem:$0x8000] =	vst v63  }
0x1fb: {  	s0 =	sld [smem:$0x7C9]  }
0x1fc: {  	s8 =	sld [smem:$0x7CA]  }
0x1fd: {  	[tilespmem:s10], [sflag:$0x1] =	stream.indirect.gather [hbm4b:s2+s6], $0x1, s9, s6, $0xb8;
	[tilespmem:$0x8000] =	vst v63  }
0x1fe: {  	s9 =	sld [smem:$0x7CB]  }
0x1ff: {  	s10 =	sld [smem:$0x7CC]  }
0x200: {  	[tilespmem:s8], [sflag:$0x1] =	stream.indirect.gather [hbm4b:s2+s6], $0x1, s0, s6, $0xb8;
	[tilespmem:$0x8000] =	vst v63  }
0x201: {  	s0 =	sld [smem:$0x7CD]  }
0x202: {  	s8 =	sld [smem:$0x7CE]  }
0x203: {  	[tilespmem:s10], [sflag:$0x1] =	stream.indirect.gather [hbm4b:s2+s6], $0x1, s9, s6, $0xb8;
	[tilespmem:$0x8000] =	vst v63  }
0x204: {  	s9 =	sld [smem:$0x7CF]  }
0x205: {  	s10 =	sld [smem:$0x7D0]  }
0x206: {  	[tilespmem:s8], [sflag:$0x1] =	stream.indirect.gather [hbm4b:s2+s6], $0x1, s0, s6, $0xb8;
	[tilespmem:$0x8000] =	vst v63  }
0x207: {  	s0 =	sld [smem:$0x7D1]  }
0x208: {  	s8 =	sld [smem:$0x7D2]  }
0x209: {  	[tilespmem:s10], [sflag:$0x1] =	stream.indirect.gather [hbm4b:s2+s6], $0x1, s9, s6, $0xb8;
	[tilespmem:$0x8000] =	vst v63  }
0x20a: {  	s9 =	sld [smem:$0x7D3]  }
0x20b: {  	s10 =	sld [smem:$0x7D4]  }
0x20c: {  	[tilespmem:s8], [sflag:$0x1] =	stream.indirect.gather [hbm4b:s2+s6], $0x1, s0, s6, $0xb8;
	[tilespmem:$0x8000] =	vst v63  }
0x20d: {  	s0 =	sld [smem:$0x7D5]  }
0x20e: {  	s8 =	sld [smem:$0x7D6]  }
0x20f: {  	[tilespmem:s10], [sflag:$0x1] =	stream.indirect.gather [hbm4b:s2+s6], $0x1, s9, s6, $0xb8;
	[tilespmem:$0x8000] =	vst v63  }
0x210: {  	s9 =	sld [smem:$0x7D7]  }
0x211: {  	s10 =	sld [smem:$0x7D8]  }
0x212: {  	[tilespmem:s8], [sflag:$0x1] =	stream.indirect.gather [hbm4b:s2+s6], $0x1, s0, s6, $0xb8;
	[tilespmem:$0x8000] =	vst v63  }
0x213: {  	s0 =	sld [smem:$0x7D9]  }
0x214: {  	s8 =	sld [smem:$0x7DA]  }
0x215: {  	[tilespmem:s10], [sflag:$0x1] =	stream.indirect.gather [hbm4b:s2+s6], $0x1, s9, s6, $0xb8;
	[tilespmem:$0x8000] =	vst v63  }
0x216: {  	s9 =	sld [smem:$0x7DB]  }
0x217: {  	s10 =	sld [smem:$0x7DC]  }
0x218: {  	[tilespmem:s8], [sflag:$0x1] =	stream.indirect.gather [hbm4b:s2+s6], $0x1, s0, s6, $0xb8;
	[tilespmem:$0x8000] =	vst v63  }
0x219: {  	s0 =	sld [smem:$0x7DD]  }
0x21a: {  	s8 =	sld [smem:$0x7DE]  }
0x21b: {  	[tilespmem:s10], [sflag:$0x1] =	stream.indirect.gather [hbm4b:s2+s6], $0x1, s9, s6, $0xb8;
	[tilespmem:$0x8000] =	vst v63  }
0x21c: {  	s9 =	sld [smem:$0x7DF]  }
0x21d: {  	s10 =	sld [smem:$0x7E0]  }
0x21e: {  	[tilespmem:s8], [sflag:$0x1] =	stream.indirect.gather [hbm4b:s2+s6], $0x1, s0, s6, $0xb8;
	[tilespmem:$0x8000] =	vst v63  }
0x21f: {  	s0 =	sld [smem:$0x7E1]  }
0x220: {  	s8 =	sld [smem:$0x7E2]  }
0x221: {  	[tilespmem:s10], [sflag:$0x1] =	stream.indirect.gather [hbm4b:s2+s6], $0x1, s9, s6, $0xb8;
	[tilespmem:$0x8000] =	vst v63  }
0x222: {  	s9 =	sld [smem:$0x7E3]  }
0x223: {  	s10 =	sld [smem:$0x7E4]  }
0x224: {  	[tilespmem:s8], [sflag:$0x1] =	stream.indirect.gather [hbm4b:s2+s6], $0x1, s0, s6, $0xb8;
	[tilespmem:$0x8000] =	vst v63  }
0x225: {  	s0 =	sld [smem:$0x7E5]  }
0x226: {  	s8 =	sld [smem:$0x7E6]  }
0x227: {  	[tilespmem:s10], [sflag:$0x1] =	stream.indirect.gather [hbm4b:s2+s6], $0x1, s9, s6, $0xb8;
	[tilespmem:$0x8000] =	vst v63  }
0x228: {  	s9 =	sld [smem:$0x7E7]  }
0x229: {  	s10 =	sld [smem:$0x7E8]  }
0x22a: {  	[tilespmem:s8], [sflag:$0x1] =	stream.indirect.gather [hbm4b:s2+s6], $0x1, s0, s6, $0xb8;
	[tilespmem:$0x8000] =	vst v63  }
0x22b: {  	s0 =	sld [smem:$0x7E9]  }
0x22c: {  	s8 =	sld [smem:$0x7EA]  }
0x22d: {  	[tilespmem:s10], [sflag:$0x1] =	stream.indirect.gather [hbm4b:s2+s6], $0x1, s9, s6, $0xb8;
	[tilespmem:$0x8000] =	vst v63  }
0x22e: {  	s9 =	sld [smem:$0x7EB]  }
0x22f: {  	s10 =	sld [smem:$0x7EC]  }
0x230: {  	[tilespmem:s8], [sflag:$0x1] =	stream.indirect.gather [hbm4b:s2+s6], $0x1, s0, s6, $0xb8;
	[tilespmem:$0x8000] =	vst v63  }
0x231: {  	s0 =	sld [smem:$0x7ED]  }
0x232: {  	s8 =	sld [smem:$0x7EE]  }
0x233: {  	[tilespmem:s10], [sflag:$0x1] =	stream.indirect.gather [hbm4b:s2+s6], $0x1, s9, s6, $0xb8;
	[tilespmem:$0x8000] =	vst v63  }
0x234: {  	s9 =	sld [smem:$0x7EF]  }
0x235: {  	s10 =	sld [smem:$0x7F0]  }
0x236: {  	[tilespmem:s8], [sflag:$0x1] =	stream.indirect.gather [hbm4b:s2+s6], $0x1, s0, s6, $0xb8;
	[tilespmem:$0x8000] =	vst v63  }
0x237: {  	s0 =	sld [smem:$0x7F1]  }
0x238: {  	s8 =	sld [smem:$0x7F2]  }
0x239: {  	[tilespmem:s10], [sflag:$0x1] =	stream.indirect.gather [hbm4b:s2+s6], $0x1, s9, s6, $0xb8;
	[tilespmem:$0x8000] =	vst v63  }
0x23a: {  	s9 =	sld [smem:$0x7F3]  }
0x23b: {  	s10 =	sld [smem:$0x7F4]  }
0x23c: {  	[tilespmem:s8], [sflag:$0x1] =	stream.indirect.gather [hbm4b:s2+s6], $0x1, s0, s6, $0xb8;
	[tilespmem:$0x8000] =	vst v63  }
0x23d: {  	s0 =	sld [smem:$0x7F5]  }
0x23e: {  	s8 =	sld [smem:$0x7F6]  }
0x23f: {  	[tilespmem:s10], [sflag:$0x1] =	stream.indirect.gather [hbm4b:s2+s6], $0x1, s9, s6, $0xb8;
	[tilespmem:$0x8000] =	vst v63  }
0x240: {  	s9 =	sld [smem:$0x7F7]  }
0x241: {  	s10 =	sld [smem:$0x7F8]  }
0x242: {  	[tilespmem:s8], [sflag:$0x1] =	stream.indirect.gather [hbm4b:s2+s6], $0x1, s0, s6, $0xb8;
	[tilespmem:$0x8000] =	vst v63  }
0x243: {  	s0 =	sld [smem:$0x7F9]  }
0x244: {  	s8 =	sld [smem:$0x7FA]  }
0x245: {  	[tilespmem:s10], [sflag:$0x1] =	stream.indirect.gather [hbm4b:s2+s6], $0x1, s9, s6, $0xb8;
	[tilespmem:$0x8000] =	vst v63  }
0x246: {  	s9 =	sld [smem:$0x7FB]  }
0x247: {  	s10 =	sld [smem:$0x7FC]  }
0x248: {  	[tilespmem:s8], [sflag:$0x1] =	stream.indirect.gather [hbm4b:s2+s6], $0x1, s0, s6, $0xb8;
	[tilespmem:$0x8000] =	vst v63  }
0x249: {  	s8 =	sld [smem:$0x7FD]  }
0x24a: {  	[tilespmem:s10], [sflag:$0x1] =	stream.indirect.gather [hbm4b:s2+s6], $0x1, s9, s6, $0xb8;
	[tilespmem:$0x8000] =	vst v63  }
0x24b: {  	s10 =	simm.s32 $0x7A00  }
0x24c: {  	[tilespmem:s10], [sflag:$0x1] =	stream.indirect.gather [hbm4b:s2+s6], $0x1, s8, s6, $0xb8;
	[tilespmem:$0x8000] =	vst v63  }
0x24d: {  	s9 =	simm.s32 $0x7A80;
	s8 =	simm.s32 $0x3A80  }
0x24e: {  	[tilespmem:s9], [sflag:$0x1] =	stream.indirect.gather [hbm4b:s2+s6], $0x1, s8, s6, $0xb8;
	[tilespmem:$0x8000] =	vst v63  }
0x24f: {  	_ = 	snop  }
0x250: {  	[tilespmem:s12], [sflag:$0x1] =	stream.indirect.gather [hbm4b:s2+s6], $0x1, s11, s6, $0xb8;
	[tilespmem:$0x8000] =	vst v63  }
0x251: {  	_ = 	snop  }
0x252: {  	[tilespmem:s14], [sflag:$0x1] =	stream.indirect.gather [hbm4b:s2+s6], $0x1, s13, s6, $0xb8;
	[tilespmem:$0x8000] =	vst v63  }
0x253: {  	_ = 	snop  }
0x254: {  	[tilespmem:s16], [sflag:$0x1] =	stream.indirect.gather [hbm4b:s2+s6], $0x1, s15, s6, $0xb8;
	[tilespmem:$0x8000] =	vst v63  }
0x255: {  	_ = 	snop  }
0x256: {  	[tilespmem:s18], [sflag:$0x1] =	stream.indirect.gather [hbm4b:s2+s6], $0x1, s17, s6, $0xb8;
	[tilespmem:$0x8000] =	vst v63  }
0x257: {  	_ = 	snop  }
0x258: {  	[tilespmem:s20], [sflag:$0x1] =	stream.indirect.gather [hbm4b:s2+s6], $0x1, s19, s6, $0xb8;
	[tilespmem:$0x8000] =	vst v63  }
0x259: {  	_ = 	snop  }
0x25a: {  	[tilespmem:s22], [sflag:$0x1] =	stream.indirect.gather [hbm4b:s2+s6], $0x1, s21, s6, $0xb8;
	[tilespmem:$0x8000] =	vst v63  }
0x25b: {  	_ = 	snop  }
0x25c: {  	[tilespmem:s24], [sflag:$0x1] =	stream.indirect.gather [hbm4b:s2+s6], $0x1, s23, s6, $0xb8;
	[tilespmem:$0x8000] =	vst v63  }
0x25d: {  	_ = 	snop  }
0x25e: {  	[tilespmem:s26], [sflag:$0x1] =	stream.indirect.gather [hbm4b:s2+s6], $0x1, s25, s6, $0xb8;
	[tilespmem:$0x8000] =	vst v63  }
0x25f: {  	_ = 	snop  }
0x260: {  	[tilespmem:s29], [sflag:$0x1] =	stream.indirect.gather [hbm4b:s2+s6], $0x1, s28, s6, $0xb8;
	[tilespmem:$0x8000] =	vst v63  }
0x261: {  	_ = 	snop  }
0x262: {  	[tilespmem:s31], [sflag:$0x1] =	stream.indirect.gather [hbm4b:s2+s6], $0x1, s30, s6, $0xb8;
	[tilespmem:$0x8000] =	vst v63  }
0x263: {  	_ =	swait.ge [sflag:s1], $0x4000  }
0x264: {  	p0 =	sne.s32 s4, $0x1;
	[sflag:s1] =	ssyncset.done $0x0  }
.Ltmp0:
0x265: {  	s10 =	rddreg [dreg:$0x4];
	[sflag:s1] =	ssyncadd.s32 $0xFFFFC000;
	(pc) =	sbr.rel @p0 .LBB2_1-.Ltmp0, $4  }
0x266: {  	[hbm4b:s10+s3] =	stream.linear.scatter [tilespmem:s7], [sflag:$0x2], $0x4000, $0x38;
	[tilespmem:$0x8000] =	vst v63  }
0x267: {  	_ =	swait.ge [sflag:s5], $0x4000  }
0x268: {  	[sflag:s5] =	ssyncset.done $0x0  }
0x269: {  	s4 =	sadd.s32 $0xFFFFFFFF, s4;
	[sflag:s5] =	ssyncadd.s32 $0xFFFFC000  }
0x26a: {  	_ =	sfence.sel $0x180000  }
0x26b: {  	[bflag:$0x0] =	sbarrier.arrive $0xFFFF  }
0x26c: {  	_ =	strace $0x90000047  }
0x26d: {  	s0 =	stileid.u32;
	[bflag:$0x2] =	sbarrier.arrive $0xFFFF  }
0x26e: {  	p0 =	sne.s32 s0, $0x0;
	s0 =	rddreg [dreg:$0x2]  }
0x26f: {  	s0 =	sadd.s32 @!p0 $0x100000, s0  }
0x270: {  	[sflag:s0] =	ssyncadd.tile.s32 @!p0 $0x1;
	_ =	shalt  }
.Lfunc_end2:
_tile_overlayer_lowered:
.L_overlay_start_2:
0x271: {  	(tag) =	ssettag $0x2  }
0x272: {  	s0 =	rddreg [dreg:$0x0];
	s2 =	stileid.u32  }
0x273: {  	s1 =	rddreg [dreg:$0x1];
	p0 =	sne.s32 s2, $0x0  }
0x274: {  	s3 =	rddreg [dreg:$0x2];
	[bflag:$0x3] =	sbarrier.arrive $0xFFFF;
	s2 =	simm.s32 @!p0 $0x1C02  }
0x275: {  	[timem:s3], [sflag:s2] =	dma.local @!p0 [hbm:s0], s1  }
0x276: {  	s0 =	simm.s32 @!p0 $0x2  }
0x277: {  	_ =	swait.ge @!p0 [sflag:s0], s1  }
0x278: {  	s1 =	ssub.s32 @!p0 $0x0, s1;
	[sflag:s0] =	ssyncset.done @!p0 $0x0  }
0x279: {  	[sflag:s0] =	ssyncadd.s32 @!p0 s1  }
0x27a: {  	[bflag:$0x3] =	sbarrier.arrive $0xFFFF  }
0x27b: {  	_ =	shalt  }

</sc_bundles>
